<compile_context>
chip_gen: v7x
topology: tpu7x:2x2x1
jax: 0.10.2.dev20260603
libtpu: 0.0.44.dev20260713+nightly
codegen_flags: <defaults>
</compile_context>

<pallas_src>
import functools

import jax
import jax.numpy as jnp
from jax import lax
from jax.experimental import pallas as pl
from jax.experimental.pallas import tpu as pltpu
from jax.experimental.pallas import tpu_sc as plsc

N_NODES = 10000
N_EDGES = 160000
D = 256
HALF = 128

NUM_CORES = 2
NUM_TILES = 16

CHUNK = 125
NBUF = 2
CHUNKS_PER_TILE = 80
N_CHUNKS = CHUNKS_PER_TILE * NUM_TILES
E_PAD = N_CHUNKS * CHUNK
HALF_CHUNKS = CHUNKS_PER_TILE // 2
ROWS_PER_TILE = 632
N_PAD = ROWS_PER_TILE * NUM_TILES

R_BLK = 2000


def _elu(v):
    return jnp.where(v > 0, v, jnp.exp(v) - 1.0)



def _mm_first_body(x_ref, w_ref, o_ref):
    xb = x_ref[...]
    o_ref[0] = jnp.dot(xb, w_ref[:, :HALF], preferred_element_type=jnp.float32)
    o_ref[1] = jnp.dot(xb, w_ref[:, HALF:], preferred_element_type=jnp.float32)


def _mm_first(x, w):
    grid = (N_NODES // R_BLK,)
    return pl.pallas_call(
        _mm_first_body,
        grid=grid,
        in_specs=[
            pl.BlockSpec((R_BLK, D), lambda i: (i, 0)),
            pl.BlockSpec((D, D), lambda i: (0, 0)),
        ],
        out_specs=pl.BlockSpec((NUM_CORES, R_BLK, HALF), lambda i: (0, i, 0)),
        out_shape=jax.ShapeDtypeStruct((NUM_CORES, N_NODES, HALF), jnp.float32),
    )(x, w)


def _mm_mid_body(y_ref, a_ref, b_ref, w_ref, o_ref):
    h0 = _elu(y_ref[0] + a_ref[0] + b_ref[0])
    h1 = _elu(y_ref[1] + a_ref[1] + b_ref[1])
    r = jnp.dot(h0, w_ref[:HALF, :], preferred_element_type=jnp.float32)
    r = r + jnp.dot(h1, w_ref[HALF:, :], preferred_element_type=jnp.float32)
    o_ref[0] = r[:, :HALF]
    o_ref[1] = r[:, HALF:]


def _mm_mid(y, agg, b2d, w):
    grid = (N_NODES // R_BLK,)
    return pl.pallas_call(
        _mm_mid_body,
        grid=grid,
        in_specs=[
            pl.BlockSpec((NUM_CORES, R_BLK, HALF), lambda i: (0, i, 0)),
            pl.BlockSpec((NUM_CORES, R_BLK, HALF), lambda i: (0, i, 0)),
            pl.BlockSpec((NUM_CORES, 1, HALF), lambda i: (0, 0, 0)),
            pl.BlockSpec((D, D), lambda i: (0, 0)),
        ],
        out_specs=pl.BlockSpec((NUM_CORES, R_BLK, HALF), lambda i: (0, i, 0)),
        out_shape=jax.ShapeDtypeStruct((NUM_CORES, N_NODES, HALF), jnp.float32),
    )(y, agg, b2d, w)


def _final_body(y_ref, a_ref, b_ref, o_ref):
    o_ref[:, :HALF] = y_ref[0] + a_ref[0] + b_ref[0]
    o_ref[:, HALF:] = y_ref[1] + a_ref[1] + b_ref[1]


def _final(y, agg, b2d):
    grid = (N_NODES // R_BLK,)
    return pl.pallas_call(
        _final_body,
        grid=grid,
        in_specs=[
            pl.BlockSpec((NUM_CORES, R_BLK, HALF), lambda i: (0, i, 0)),
            pl.BlockSpec((NUM_CORES, R_BLK, HALF), lambda i: (0, i, 0)),
            pl.BlockSpec((NUM_CORES, 1, HALF), lambda i: (0, 0, 0)),
        ],
        out_specs=pl.BlockSpec((R_BLK, D), lambda i: (i, 0)),
        out_shape=jax.ShapeDtypeStruct((N_NODES, D), jnp.float32),
    )(y, agg, b2d)



def _sc_agg_body(y_hbm, idxc_hbm, zeros_hbm, out_hbm,
                 idx_v, rows_v, acc_sh, *sems):
    gsems = sems[0:2]
    ssems = sems[2:4]
    c = lax.axis_index("c")
    s = lax.axis_index("s")
    base = s * CHUNKS_PER_TILE

    pltpu.sync_copy(zeros_hbm, acc_sh.at[pl.ds(s * ROWS_PER_TILE, ROWS_PER_TILE)])

    pltpu.sync_copy(idxc_hbm.at[c].at[pl.ds(base, HALF_CHUNKS)], idx_v)

    plsc.subcore_barrier()

    def s_wait(b):
        pltpu.make_async_copy(
            rows_v.at[b], acc_sh.at[idx_v.at[b].at[1]], ssems[b]).wait()

    def body(j, carry):
        @pl.when(j > 0)
        def _():
            for b in range(2):
                s_wait(b)
        gathers = [
            pltpu.async_copy(y_hbm.at[idx_v.at[2 * j + b].at[0]],
                             rows_v.at[b], gsems[b])
            for b in range(2)
        ]
        for b in range(2):
            gathers[b].wait()
            pltpu.async_copy(rows_v.at[b],
                             acc_sh.at[idx_v.at[2 * j + b].at[1]],
                             ssems[b], add=True)
        return carry

    lax.fori_loop(0, HALF_CHUNKS // 2, body, 0)
    for b in range(2):
        s_wait(b)
    pltpu.sync_copy(idxc_hbm.at[c].at[pl.ds(base + HALF_CHUNKS, HALF_CHUNKS)], idx_v)
    lax.fori_loop(0, HALF_CHUNKS // 2, body, 0)
    for b in range(2):
        s_wait(b)

    plsc.subcore_barrier()

    r0 = s * ROWS_PER_TILE
    pltpu.sync_copy(
        acc_sh.at[pl.ds(r0, ROWS_PER_TILE)],
        out_hbm.at[c].at[pl.ds(r0, ROWS_PER_TILE)],
    )


@functools.lru_cache(maxsize=1)
def _make_sc_agg_kernel():
    return pl.kernel(
        _sc_agg_body,
        out_type=jax.ShapeDtypeStruct((NUM_CORES, N_PAD, HALF), jnp.float32),
        mesh=plsc.VectorSubcoreMesh(
            core_axis_name="c", subcore_axis_name="s",
            num_cores=NUM_CORES, num_subcores=NUM_TILES,
        ),
        scratch_types=[
            pltpu.VMEM((HALF_CHUNKS, 2, CHUNK), jnp.int32),
            pltpu.VMEM((2, CHUNK, HALF), jnp.float32),
            pltpu.VMEM_SHARED((N_PAD, HALF), jnp.float32),
        ] + [pltpu.SemaphoreType.DMA] * 4,
    )


def _sc_agg(y, idxc, zeros):
    yf = y.reshape(NUM_CORES * N_NODES, HALF)
    return _make_sc_agg_kernel()(yf, idxc, zeros)



def kernel(x, edge_index, W1, b1, W2, b2, W3, b3):
    ei = edge_index.astype(jnp.int32)
    src = ei[0]
    dst = ei[1]

    pad = E_PAD - N_EDGES
    src_p = jnp.concatenate([src, jnp.zeros((pad,), jnp.int32)])
    dst_p = jnp.concatenate([dst, jnp.full((pad,), N_NODES, jnp.int32)])
    srcc = src_p.reshape(N_CHUNKS, CHUNK)
    dstc = dst_p.reshape(N_CHUNKS, CHUNK)
    idxc = jnp.stack([
        jnp.stack([srcc, dstc], axis=1),
        jnp.stack([srcc + N_NODES, dstc], axis=1),
    ])
    zeros = jnp.zeros((ROWS_PER_TILE, HALF), jnp.float32)

    b1h = b1.reshape(NUM_CORES, 1, HALF)
    b2h = b2.reshape(NUM_CORES, 1, HALF)
    b3h = b3.reshape(NUM_CORES, 1, HALF)

    y1 = _mm_first(x, W1)
    a1 = _sc_agg(y1, idxc, zeros)
    y2 = _mm_mid(y1, a1, b1h, W2)
    a2 = _sc_agg(y2, idxc, zeros)
    y3 = _mm_mid(y2, a2, b2h, W3)
    a3 = _sc_agg(y3, idxc, zeros)
    return _final(y3, a3, b3h)

# --- scband reference (transcript-rebuilt; emitter-appended) ---
"""Pipeline reference for scband-gin-35115652612105 (READ-ONLY COPY).

The authoritative reference and input builder live on the scoring server;
editing this copy changes nothing except your own understanding.
"""

import jax, jax.numpy as jnp
import numpy as np

N_NODES = 10000
N_EDGES = 160000
D_IN = 256
D_HID = 256
D_OUT = 256


def setup_inputs(seed: int = 0) -> dict:
    key = jax.random.key(seed)
    ks = jax.random.split(key, 8)
    x = jax.random.normal(ks[0], (N_NODES, D_IN), dtype=jnp.float32)
    edge_index = jax.random.randint(ks[1], (2, N_EDGES), 0, N_NODES)
    W1 = jax.random.normal(ks[2], (D_IN, D_HID), dtype=jnp.float32) / np.sqrt(D_IN)
    b1 = jnp.zeros((D_HID,), dtype=jnp.float32)
    W2 = jax.random.normal(ks[3], (D_HID, D_HID), dtype=jnp.float32) / np.sqrt(D_HID)
    b2 = jnp.zeros((D_HID,), dtype=jnp.float32)
    W3 = jax.random.normal(ks[4], (D_HID, D_OUT), dtype=jnp.float32) / np.sqrt(D_HID)
    b3 = jnp.zeros((D_OUT,), dtype=jnp.float32)
    return {"x": x, "edge_index": edge_index, "W1": W1, "b1": b1, "W2": W2, "b2": b2, "W3": W3, "b3": b3}


def reference(x, edge_index, W1, b1, W2, b2, W3, b3):
    src = edge_index[0]
    dst = edge_index[1]

    def gin_conv(h, W, b):
        # GINConv with default eps=0: h' = MLP((1+eps)*h + sum_{j in N(i)} h_j)
        # MLP([a, b]) in torch_geometric with plain_last=True is a single Linear.
        msgs = h[src]
        agg = jax.ops.segment_sum(msgs, dst, num_segments=N_NODES)
        out = h + agg
        return out @ W + b

    h = gin_conv(x, W1, b1)
    h = jax.nn.elu(h)
    h = gin_conv(h, W2, b2)
    h = jax.nn.elu(h)
    h = gin_conv(h, W3, b3)
    return h

if __name__ == "__main__":
    import jax
    _d = setup_inputs()
    print(jax.jit(kernel)(*tuple(_d.values())))

</pallas_src>

<mosaic_0001>
#map = affine_map<(d0, d1) -> (0, 0)>
#map1 = affine_map<(d0, d1) -> (0, 0, 0, 0)>
#map2 = affine_map<(d0, d1) -> (0, 0, 0)>
module attributes {stable_mosaic.version = 14 : i64} {
  func.func @_sc_agg_body(%arg0: i32, %arg1: i32, %arg2: memref<20000x128xf32, #tpu.memory_space<hbm>>, %arg3: memref<2x1280x2x125xi32, #tpu.memory_space<hbm>>, %arg4: memref<632x128xf32, #tpu.memory_space<hbm>>, %arg5: memref<2x10112x128xf32, #tpu.memory_space<hbm>>, %arg6: memref<40x2x125xi32, #tpu.memory_space<vmem>>, %arg7: memref<2x125x128xf32, #tpu.memory_space<vmem>>, %arg8: memref<10112x128xf32, #tpu.memory_space<vmem_shared>>, %arg9: memref<!tpu.dma_semaphore, #tpu.memory_space<semaphore_mem>>, %arg10: memref<!tpu.dma_semaphore, #tpu.memory_space<semaphore_mem>>, %arg11: memref<!tpu.dma_semaphore, #tpu.memory_space<semaphore_mem>>, %arg12: memref<!tpu.dma_semaphore, #tpu.memory_space<semaphore_mem>>) attributes {dimension_semantics = [#tpu.dimension_semantics<core_parallel>, #tpu.dimension_semantics<subcore_parallel>], iteration_bounds = array<i64: 2, 16>, scalar_prefetch = 0 : i64, scratch_operands = 7 : i64, tpu.core_type = #tpu.core_type<sc_vector_subcore>, window_params = [{transform_indices = #map}, {transform_indices = #map1}, {transform_indices = #map}, {transform_indices = #map2}]} {
    %mul3A = arith.constant 80 : i32
    %mul3A_0 = arith.muli %arg1, %mul3A : i32
    %mul3A_1 = arith.constant 632 : i32
    %mul3A_2 = arith.muli %arg1, %mul3A_1 : i32
    "tpu.region"() ({
      %run_scoped3A = tpu.sem_alloc : memref<!tpu.dma_semaphore, #tpu.memory_space<semaphore_mem>>
      %dma_start3A = arith.constant 0 : i32
      %dma_start3A_85 = tpu.memref_slice %arg8[%mul3A_2, %dma_start3A] : memref<10112x128xf32, #tpu.memory_space<vmem_shared>> -> memref<632x128xf32, #tpu.memory_space<vmem_shared>>
      tpu.enqueue_dma source(%arg4 : memref<632x128xf32, #tpu.memory_space<hbm>>) target(%dma_start3A_85 : memref<632x128xf32, #tpu.memory_space<vmem_shared>>) target_semaphore(%run_scoped3A : memref<!tpu.dma_semaphore, #tpu.memory_space<semaphore_mem>>)
      %dma_wait3A_86 = arith.constant 0 : i32
      %dma_wait3A_87 = tpu.memref_slice %arg8[%mul3A_2, %dma_wait3A_86] : memref<10112x128xf32, #tpu.memory_space<vmem_shared>> -> memref<632x128xf32, #tpu.memory_space<vmem_shared>>
      tpu.wait_dma2 semaphore(%run_scoped3A : memref<!tpu.dma_semaphore, #tpu.memory_space<semaphore_mem>>) src(%arg4 : memref<632x128xf32, #tpu.memory_space<hbm>>) dst(%dma_wait3A_87 : memref<632x128xf32, #tpu.memory_space<vmem_shared>>)
      tpu.yield
    }) : () -> ()
    "tpu.region"() ({
      %run_scoped3A = tpu.sem_alloc : memref<!tpu.dma_semaphore, #tpu.memory_space<semaphore_mem>>
      %dma_start3A = arith.constant 0 : i32
      %dma_start3A_85 = arith.constant 0 : i32
      %dma_start3A_86 = arith.constant 0 : i32
      %dma_start3A_87 = tpu.memref_slice %arg3[%arg0, %dma_start3A, %dma_start3A_85, %dma_start3A_86] : memref<2x1280x2x125xi32, #tpu.memory_space<hbm>> -> memref<1x1280x2x125xi32, #tpu.memory_space<hbm>>
      %dma_start3A_88 = tpu.memref_squeeze %dma_start3A_87 : memref<1x1280x2x125xi32, #tpu.memory_space<hbm>> -> memref<1280x2x125xi32, #tpu.memory_space<hbm>>
      %dma_start3A_89 = arith.constant 0 : i32
      %dma_start3A_90 = arith.constant 0 : i32
      %dma_start3A_91 = tpu.memref_slice %dma_start3A_88[%mul3A_0, %dma_start3A_89, %dma_start3A_90] : memref<1280x2x125xi32, #tpu.memory_space<hbm>> -> memref<40x2x125xi32, #tpu.memory_space<hbm>>
      %dma_start3A_92 = arith.constant 0 : i32
      %dma_start3A_93 = arith.constant 0 : i32
      %dma_start3A_94 = arith.constant 0 : i32
      %dma_start3A_95 = tpu.memref_slice %arg3[%arg0, %dma_start3A_92, %dma_start3A_93, %dma_start3A_94] : memref<2x1280x2x125xi32, #tpu.memory_space<hbm>> -> memref<1x1280x2x125xi32, #tpu.memory_space<hbm>>
      %dma_start3A_96 = tpu.memref_squeeze %dma_start3A_95 : memref<1x1280x2x125xi32, #tpu.memory_space<hbm>> -> memref<1280x2x125xi32, #tpu.memory_space<hbm>>
      %dma_start3A_97 = arith.constant 0 : i32
      %dma_start3A_98 = arith.constant 0 : i32
      %dma_start3A_99 = tpu.memref_slice %dma_start3A_96[%mul3A_0, %dma_start3A_97, %dma_start3A_98] : memref<1280x2x125xi32, #tpu.memory_space<hbm>> -> memref<40x2x125xi32, #tpu.memory_space<hbm>>
      tpu.enqueue_dma source(%dma_start3A_99 : memref<40x2x125xi32, #tpu.memory_space<hbm>>) target(%arg6 : memref<40x2x125xi32, #tpu.memory_space<vmem>>) target_semaphore(%run_scoped3A : memref<!tpu.dma_semaphore, #tpu.memory_space<semaphore_mem>>)
      %dma_wait3A_100 = arith.constant 0 : i32
      %dma_wait3A_101 = arith.constant 0 : i32
      %dma_wait3A_102 = arith.constant 0 : i32
      %dma_wait3A_103 = tpu.memref_slice %arg3[%arg0, %dma_wait3A_100, %dma_wait3A_101, %dma_wait3A_102] : memref<2x1280x2x125xi32, #tpu.memory_space<hbm>> -> memref<1x1280x2x125xi32, #tpu.memory_space<hbm>>
      %dma_wait3A_104 = tpu.memref_squeeze %dma_wait3A_103 : memref<1x1280x2x125xi32, #tpu.memory_space<hbm>> -> memref<1280x2x125xi32, #tpu.memory_space<hbm>>
      %dma_wait3A_105 = arith.constant 0 : i32
      %dma_wait3A_106 = arith.constant 0 : i32
      %dma_wait3A_107 = tpu.memref_slice %dma_wait3A_104[%mul3A_0, %dma_wait3A_105, %dma_wait3A_106] : memref<1280x2x125xi32, #tpu.memory_space<hbm>> -> memref<40x2x125xi32, #tpu.memory_space<hbm>>
      %dma_wait3A_108 = arith.constant 0 : i32
      %dma_wait3A_109 = arith.constant 0 : i32
      %dma_wait3A_110 = arith.constant 0 : i32
      %dma_wait3A_111 = tpu.memref_slice %arg3[%arg0, %dma_wait3A_108, %dma_wait3A_109, %dma_wait3A_110] : memref<2x1280x2x125xi32, #tpu.memory_space<hbm>> -> memref<1x1280x2x125xi32, #tpu.memory_space<hbm>>
      %dma_wait3A_112 = tpu.memref_squeeze %dma_wait3A_111 : memref<1x1280x2x125xi32, #tpu.memory_space<hbm>> -> memref<1280x2x125xi32, #tpu.memory_space<hbm>>
      %dma_wait3A_113 = arith.constant 0 : i32
      %dma_wait3A_114 = arith.constant 0 : i32
      %dma_wait3A_115 = tpu.memref_slice %dma_wait3A_112[%mul3A_0, %dma_wait3A_113, %dma_wait3A_114] : memref<1280x2x125xi32, #tpu.memory_space<hbm>> -> memref<40x2x125xi32, #tpu.memory_space<hbm>>
      tpu.wait_dma2 semaphore(%run_scoped3A : memref<!tpu.dma_semaphore, #tpu.memory_space<semaphore_mem>>) src(%dma_wait3A_115 : memref<40x2x125xi32, #tpu.memory_space<hbm>>) dst(%arg6 : memref<40x2x125xi32, #tpu.memory_space<vmem>>)
      tpu.yield
    }) : () -> ()
    %barrier3A = arith.constant 0 : index
    tpu.barrier barrier_id(%barrier3A)
    %scan3A = arith.constant 0 : i32
    %scan3A_3 = arith.constant 0 : i32
    %scan3A_4 = arith.constant 20 : i32
    %scan3A_5 = arith.addi %scan3A_3, %scan3A_4 : i32
    %scan3A_6 = arith.constant 1 : i32
    scf.for %scan3A_85 = %scan3A_3 to %scan3A_5 step %scan3A_6  : i32 {
      %gt3A = arith.constant 0 : i32
      %gt3A_86 = arith.cmpi sgt, %scan3A_85, %gt3A : i32
      %convert_element_type3A = arith.extui %gt3A_86 : i1 to i32
      %cond3A = arith.constant 0 : i32
      %cond3A_87 = arith.cmpi ne, %convert_element_type3A, %cond3A : i32
      scf.if %cond3A_87 {
        %dma_wait3A_199 = arith.constant 0 : i32
        %dma_wait3A_200 = arith.constant 0 : i32
        %dma_wait3A_201 = arith.constant 1 : i32
        %dma_wait3A_202 = arith.constant 0 : i32
        %dma_wait3A_203 = arith.constant 0 : i32
        %dma_wait3A_204 = tpu.memref_slice %arg7[%dma_wait3A_199, %dma_wait3A_202, %dma_wait3A_203] : memref<2x125x128xf32, #tpu.memory_space<vmem>> -> memref<1x125x128xf32, #tpu.memory_space<vmem>>
        %dma_wait3A_205 = tpu.memref_squeeze %dma_wait3A_204 : memref<1x125x128xf32, #tpu.memory_space<vmem>> -> memref<125x128xf32, #tpu.memory_space<vmem>>
        %dma_wait3A_206 = arith.constant 0 : i32
        %dma_wait3A_207 = arith.constant 0 : i32
        %dma_wait3A_208 = tpu.memref_slice %arg6[%dma_wait3A_200, %dma_wait3A_206, %dma_wait3A_207] : memref<40x2x125xi32, #tpu.memory_space<vmem>> -> memref<1x2x125xi32, #tpu.memory_space<vmem>>
        %dma_wait3A_209 = tpu.memref_squeeze %dma_wait3A_208 : memref<1x2x125xi32, #tpu.memory_space<vmem>> -> memref<2x125xi32, #tpu.memory_space<vmem>>
        %dma_wait3A_210 = arith.constant 0 : i32
        %dma_wait3A_211 = tpu.memref_slice %dma_wait3A_209[%dma_wait3A_201, %dma_wait3A_210] : memref<2x125xi32, #tpu.memory_space<vmem>> -> memref<1x125xi32, #tpu.memory_space<vmem>>
        %dma_wait3A_212 = tpu.memref_squeeze %dma_wait3A_211 : memref<1x125xi32, #tpu.memory_space<vmem>> -> memref<125xi32, #tpu.memory_space<vmem>>
        %dma_wait3A_213 = arith.constant 0 : i32
        %dma_wait3A_214 = arith.constant 0 : i32
        %dma_wait3A_215 = tpu.memref_slice %arg8[%dma_wait3A_213, %dma_wait3A_214] : memref<10112x128xf32, #tpu.memory_space<vmem_shared>> -> memref<10112x128xf32, #tpu.memory_space<vmem_shared>>
        tpu.wait_indirect_dma semaphore(%arg11 : memref<!tpu.dma_semaphore, #tpu.memory_space<semaphore_mem>>) src(%dma_wait3A_205 : memref<125x128xf32, #tpu.memory_space<vmem>>) dst(%dma_wait3A_215 : memref<10112x128xf32, #tpu.memory_space<vmem_shared>>)
        %dma_wait3A_216 = arith.constant 1 : i32
        %dma_wait3A_217 = arith.constant 1 : i32
        %dma_wait3A_218 = arith.constant 1 : i32
        %dma_wait3A_219 = arith.constant 0 : i32
        %dma_wait3A_220 = arith.constant 0 : i32
        %dma_wait3A_221 = tpu.memref_slice %arg7[%dma_wait3A_216, %dma_wait3A_219, %dma_wait3A_220] : memref<2x125x128xf32, #tpu.memory_space<vmem>> -> memref<1x125x128xf32, #tpu.memory_space<vmem>>
        %dma_wait3A_222 = tpu.memref_squeeze %dma_wait3A_221 : memref<1x125x128xf32, #tpu.memory_space<vmem>> -> memref<125x128xf32, #tpu.memory_space<vmem>>
        %dma_wait3A_223 = arith.constant 0 : i32
        %dma_wait3A_224 = arith.constant 0 : i32
        %dma_wait3A_225 = tpu.memref_slice %arg6[%dma_wait3A_217, %dma_wait3A_223, %dma_wait3A_224] : memref<40x2x125xi32, #tpu.memory_space<vmem>> -> memref<1x2x125xi32, #tpu.memory_space<vmem>>
        %dma_wait3A_226 = tpu.memref_squeeze %dma_wait3A_225 : memref<1x2x125xi32, #tpu.memory_space<vmem>> -> memref<2x125xi32, #tpu.memory_space<vmem>>
        %dma_wait3A_227 = arith.constant 0 : i32
        %dma_wait3A_228 = tpu.memref_slice %dma_wait3A_226[%dma_wait3A_218, %dma_wait3A_227] : memref<2x125xi32, #tpu.memory_space<vmem>> -> memref<1x125xi32, #tpu.memory_space<vmem>>
        %dma_wait3A_229 = tpu.memref_squeeze %dma_wait3A_228 : memref<1x125xi32, #tpu.memory_space<vmem>> -> memref<125xi32, #tpu.memory_space<vmem>>
        %dma_wait3A_230 = arith.constant 0 : i32
        %dma_wait3A_231 = arith.constant 0 : i32
        %dma_wait3A_232 = tpu.memref_slice %arg8[%dma_wait3A_230, %dma_wait3A_231] : memref<10112x128xf32, #tpu.memory_space<vmem_shared>> -> memref<10112x128xf32, #tpu.memory_space<vmem_shared>>
        tpu.wait_indirect_dma semaphore(%arg12 : memref<!tpu.dma_semaphore, #tpu.memory_space<semaphore_mem>>) src(%dma_wait3A_222 : memref<125x128xf32, #tpu.memory_space<vmem>>) dst(%dma_wait3A_232 : memref<10112x128xf32, #tpu.memory_space<vmem_shared>>)
      } else {
      }
      %mul3A_88 = arith.constant 2 : i32
      %mul3A_89 = arith.muli %mul3A_88, %scan3A_85 : i32
      %add3A_90 = arith.constant 0 : i32
      %add3A_91 = arith.addi %mul3A_89, %add3A_90 : i32
      %dma_start3A = arith.constant 0 : i32
      %dma_start3A_92 = arith.constant 0 : i32
      %dma_start3A_93 = arith.constant 0 : i32
      %dma_start3A_94 = arith.constant 0 : i32
      %dma_start3A_95 = tpu.memref_slice %arg7[%dma_start3A_92, %dma_start3A_93, %dma_start3A_94] : memref<2x125x128xf32, #tpu.memory_space<vmem>> -> memref<1x125x128xf32, #tpu.memory_space<vmem>>
      %dma_start3A_96 = tpu.memref_squeeze %dma_start3A_95 : memref<1x125x128xf32, #tpu.memory_space<vmem>> -> memref<125x128xf32, #tpu.memory_space<vmem>>
      %dma_start3A_97 = arith.constant 0 : i32
      %dma_start3A_98 = arith.constant 0 : i32
      %dma_start3A_99 = tpu.memref_slice %arg6[%add3A_91, %dma_start3A_97, %dma_start3A_98] : memref<40x2x125xi32, #tpu.memory_space<vmem>> -> memref<1x2x125xi32, #tpu.memory_space<vmem>>
      %dma_start3A_100 = tpu.memref_squeeze %dma_start3A_99 : memref<1x2x125xi32, #tpu.memory_space<vmem>> -> memref<2x125xi32, #tpu.memory_space<vmem>>
      %dma_start3A_101 = arith.constant 0 : i32
      %dma_start3A_102 = tpu.memref_slice %dma_start3A_100[%dma_start3A, %dma_start3A_101] : memref<2x125xi32, #tpu.memory_space<vmem>> -> memref<1x125xi32, #tpu.memory_space<vmem>>
      %dma_start3A_103 = tpu.memref_squeeze %dma_start3A_102 : memref<1x125xi32, #tpu.memory_space<vmem>> -> memref<125xi32, #tpu.memory_space<vmem>>
      %dma_start3A_104 = arith.constant 0 : i32
      %dma_start3A_105 = arith.constant 0 : i32
      %dma_start3A_106 = tpu.memref_slice %arg2[%dma_start3A_104, %dma_start3A_105] : memref<20000x128xf32, #tpu.memory_space<hbm>> -> memref<20000x128xf32, #tpu.memory_space<hbm>>
      tpu.enqueue_indirect_dma source(%dma_start3A_106 : memref<20000x128xf32, #tpu.memory_space<hbm>>) target(%dma_start3A_96 : memref<125x128xf32, #tpu.memory_space<vmem>>) offsets(%dma_start3A_103 : memref<125xi32, #tpu.memory_space<vmem>>) semaphore(%arg9 : memref<!tpu.dma_semaphore, #tpu.memory_space<semaphore_mem>>)
      %mul3A_107 = arith.constant 2 : i32
      %mul3A_108 = arith.muli %mul3A_107, %scan3A_85 : i32
      %add3A_109 = arith.constant 1 : i32
      %add3A_110 = arith.addi %mul3A_108, %add3A_109 : i32
      %dma_start3A_111 = arith.constant 0 : i32
      %dma_start3A_112 = arith.constant 1 : i32
      %dma_start3A_113 = arith.constant 0 : i32
      %dma_start3A_114 = arith.constant 0 : i32
      %dma_start3A_115 = tpu.memref_slice %arg7[%dma_start3A_112, %dma_start3A_113, %dma_start3A_114] : memref<2x125x128xf32, #tpu.memory_space<vmem>> -> memref<1x125x128xf32, #tpu.memory_space<vmem>>
      %dma_start3A_116 = tpu.memref_squeeze %dma_start3A_115 : memref<1x125x128xf32, #tpu.memory_space<vmem>> -> memref<125x128xf32, #tpu.memory_space<vmem>>
      %dma_start3A_117 = arith.constant 0 : i32
      %dma_start3A_118 = arith.constant 0 : i32
      %dma_start3A_119 = tpu.memref_slice %arg6[%add3A_110, %dma_start3A_117, %dma_start3A_118] : memref<40x2x125xi32, #tpu.memory_space<vmem>> -> memref<1x2x125xi32, #tpu.memory_space<vmem>>
      %dma_start3A_120 = tpu.memref_squeeze %dma_start3A_119 : memref<1x2x125xi32, #tpu.memory_space<vmem>> -> memref<2x125xi32, #tpu.memory_space<vmem>>
      %dma_start3A_121 = arith.constant 0 : i32
      %dma_start3A_122 = tpu.memref_slice %dma_start3A_120[%dma_start3A_111, %dma_start3A_121] : memref<2x125xi32, #tpu.memory_space<vmem>> -> memref<1x125xi32, #tpu.memory_space<vmem>>
      %dma_start3A_123 = tpu.memref_squeeze %dma_start3A_122 : memref<1x125xi32, #tpu.memory_space<vmem>> -> memref<125xi32, #tpu.memory_space<vmem>>
      %dma_start3A_124 = arith.constant 0 : i32
      %dma_start3A_125 = arith.constant 0 : i32
      %dma_start3A_126 = tpu.memref_slice %arg2[%dma_start3A_124, %dma_start3A_125] : memref<20000x128xf32, #tpu.memory_space<hbm>> -> memref<20000x128xf32, #tpu.memory_space<hbm>>
      tpu.enqueue_indirect_dma source(%dma_start3A_126 : memref<20000x128xf32, #tpu.memory_space<hbm>>) target(%dma_start3A_116 : memref<125x128xf32, #tpu.memory_space<vmem>>) offsets(%dma_start3A_123 : memref<125xi32, #tpu.memory_space<vmem>>) semaphore(%arg10 : memref<!tpu.dma_semaphore, #tpu.memory_space<semaphore_mem>>)
      %dma_wait3A_127 = arith.constant 0 : i32
      %dma_wait3A_128 = arith.constant 0 : i32
      %dma_wait3A_129 = arith.constant 0 : i32
      %dma_wait3A_130 = arith.constant 0 : i32
      %dma_wait3A_131 = tpu.memref_slice %arg7[%dma_wait3A_128, %dma_wait3A_129, %dma_wait3A_130] : memref<2x125x128xf32, #tpu.memory_space<vmem>> -> memref<1x125x128xf32, #tpu.memory_space<vmem>>
      %dma_wait3A_132 = tpu.memref_squeeze %dma_wait3A_131 : memref<1x125x128xf32, #tpu.memory_space<vmem>> -> memref<125x128xf32, #tpu.memory_space<vmem>>
      %dma_wait3A_133 = arith.constant 0 : i32
      %dma_wait3A_134 = arith.constant 0 : i32
      %dma_wait3A_135 = tpu.memref_slice %arg6[%add3A_91, %dma_wait3A_133, %dma_wait3A_134] : memref<40x2x125xi32, #tpu.memory_space<vmem>> -> memref<1x2x125xi32, #tpu.memory_space<vmem>>
      %dma_wait3A_136 = tpu.memref_squeeze %dma_wait3A_135 : memref<1x2x125xi32, #tpu.memory_space<vmem>> -> memref<2x125xi32, #tpu.memory_space<vmem>>
      %dma_wait3A_137 = arith.constant 0 : i32
      %dma_wait3A_138 = tpu.memref_slice %dma_wait3A_136[%dma_wait3A_127, %dma_wait3A_137] : memref<2x125xi32, #tpu.memory_space<vmem>> -> memref<1x125xi32, #tpu.memory_space<vmem>>
      %dma_wait3A_139 = tpu.memref_squeeze %dma_wait3A_138 : memref<1x125xi32, #tpu.memory_space<vmem>> -> memref<125xi32, #tpu.memory_space<vmem>>
      %dma_wait3A_140 = arith.constant 0 : i32
      %dma_wait3A_141 = arith.constant 0 : i32
      %dma_wait3A_142 = tpu.memref_slice %arg2[%dma_wait3A_140, %dma_wait3A_141] : memref<20000x128xf32, #tpu.memory_space<hbm>> -> memref<20000x128xf32, #tpu.memory_space<hbm>>
      tpu.wait_indirect_dma semaphore(%arg9 : memref<!tpu.dma_semaphore, #tpu.memory_space<semaphore_mem>>) src(%dma_wait3A_142 : memref<20000x128xf32, #tpu.memory_space<hbm>>) dst(%dma_wait3A_132 : memref<125x128xf32, #tpu.memory_space<vmem>>)
      %mul3A_143 = arith.constant 2 : i32
      %mul3A_144 = arith.muli %mul3A_143, %scan3A_85 : i32
      %add3A_145 = arith.constant 0 : i32
      %add3A_146 = arith.addi %mul3A_144, %add3A_145 : i32
      %dma_start3A_147 = arith.constant 0 : i32
      %dma_start3A_148 = arith.constant 1 : i32
      %dma_start3A_149 = arith.constant 0 : i32
      %dma_start3A_150 = arith.constant 0 : i32
      %dma_start3A_151 = tpu.memref_slice %arg7[%dma_start3A_147, %dma_start3A_149, %dma_start3A_150] : memref<2x125x128xf32, #tpu.memory_space<vmem>> -> memref<1x125x128xf32, #tpu.memory_space<vmem>>
      %dma_start3A_152 = tpu.memref_squeeze %dma_start3A_151 : memref<1x125x128xf32, #tpu.memory_space<vmem>> -> memref<125x128xf32, #tpu.memory_space<vmem>>
      %dma_start3A_153 = arith.constant 0 : i32
      %dma_start3A_154 = arith.constant 0 : i32
      %dma_start3A_155 = tpu.memref_slice %arg6[%add3A_146, %dma_start3A_153, %dma_start3A_154] : memref<40x2x125xi32, #tpu.memory_space<vmem>> -> memref<1x2x125xi32, #tpu.memory_space<vmem>>
      %dma_start3A_156 = tpu.memref_squeeze %dma_start3A_155 : memref<1x2x125xi32, #tpu.memory_space<vmem>> -> memref<2x125xi32, #tpu.memory_space<vmem>>
      %dma_start3A_157 = arith.constant 0 : i32
      %dma_start3A_158 = tpu.memref_slice %dma_start3A_156[%dma_start3A_148, %dma_start3A_157] : memref<2x125xi32, #tpu.memory_space<vmem>> -> memref<1x125xi32, #tpu.memory_space<vmem>>
      %dma_start3A_159 = tpu.memref_squeeze %dma_start3A_158 : memref<1x125xi32, #tpu.memory_space<vmem>> -> memref<125xi32, #tpu.memory_space<vmem>>
      %dma_start3A_160 = arith.constant 0 : i32
      %dma_start3A_161 = arith.constant 0 : i32
      %dma_start3A_162 = tpu.memref_slice %arg8[%dma_start3A_160, %dma_start3A_161] : memref<10112x128xf32, #tpu.memory_space<vmem_shared>> -> memref<10112x128xf32, #tpu.memory_space<vmem_shared>>
      tpu.enqueue_indirect_dma source(%dma_start3A_152 : memref<125x128xf32, #tpu.memory_space<vmem>>) target(%dma_start3A_162 : memref<10112x128xf32, #tpu.memory_space<vmem_shared>>) offsets(%dma_start3A_159 : memref<125xi32, #tpu.memory_space<vmem>>) semaphore(%arg11 : memref<!tpu.dma_semaphore, #tpu.memory_space<semaphore_mem>>) {add = true}
      %dma_wait3A_163 = arith.constant 0 : i32
      %dma_wait3A_164 = arith.constant 1 : i32
      %dma_wait3A_165 = arith.constant 0 : i32
      %dma_wait3A_166 = arith.constant 0 : i32
      %dma_wait3A_167 = tpu.memref_slice %arg7[%dma_wait3A_164, %dma_wait3A_165, %dma_wait3A_166] : memref<2x125x128xf32, #tpu.memory_space<vmem>> -> memref<1x125x128xf32, #tpu.memory_space<vmem>>
      %dma_wait3A_168 = tpu.memref_squeeze %dma_wait3A_167 : memref<1x125x128xf32, #tpu.memory_space<vmem>> -> memref<125x128xf32, #tpu.memory_space<vmem>>
      %dma_wait3A_169 = arith.constant 0 : i32
      %dma_wait3A_170 = arith.constant 0 : i32
      %dma_wait3A_171 = tpu.memref_slice %arg6[%add3A_110, %dma_wait3A_169, %dma_wait3A_170] : memref<40x2x125xi32, #tpu.memory_space<vmem>> -> memref<1x2x125xi32, #tpu.memory_space<vmem>>
      %dma_wait3A_172 = tpu.memref_squeeze %dma_wait3A_171 : memref<1x2x125xi32, #tpu.memory_space<vmem>> -> memref<2x125xi32, #tpu.memory_space<vmem>>
      %dma_wait3A_173 = arith.constant 0 : i32
      %dma_wait3A_174 = tpu.memref_slice %dma_wait3A_172[%dma_wait3A_163, %dma_wait3A_173] : memref<2x125xi32, #tpu.memory_space<vmem>> -> memref<1x125xi32, #tpu.memory_space<vmem>>
      %dma_wait3A_175 = tpu.memref_squeeze %dma_wait3A_174 : memref<1x125xi32, #tpu.memory_space<vmem>> -> memref<125xi32, #tpu.memory_space<vmem>>
      %dma_wait3A_176 = arith.constant 0 : i32
      %dma_wait3A_177 = arith.constant 0 : i32
      %dma_wait3A_178 = tpu.memref_slice %arg2[%dma_wait3A_176, %dma_wait3A_177] : memref<20000x128xf32, #tpu.memory_space<hbm>> -> memref<20000x128xf32, #tpu.memory_space<hbm>>
      tpu.wait_indirect_dma semaphore(%arg10 : memref<!tpu.dma_semaphore, #tpu.memory_space<semaphore_mem>>) src(%dma_wait3A_178 : memref<20000x128xf32, #tpu.memory_space<hbm>>) dst(%dma_wait3A_168 : memref<125x128xf32, #tpu.memory_space<vmem>>)
      %mul3A_179 = arith.constant 2 : i32
      %mul3A_180 = arith.muli %mul3A_179, %scan3A_85 : i32
      %add3A_181 = arith.constant 1 : i32
      %add3A_182 = arith.addi %mul3A_180, %add3A_181 : i32
      %dma_start3A_183 = arith.constant 1 : i32
      %dma_start3A_184 = arith.constant 1 : i32
      %dma_start3A_185 = arith.constant 0 : i32
      %dma_start3A_186 = arith.constant 0 : i32
      %dma_start3A_187 = tpu.memref_slice %arg7[%dma_start3A_183, %dma_start3A_185, %dma_start3A_186] : memref<2x125x128xf32, #tpu.memory_space<vmem>> -> memref<1x125x128xf32, #tpu.memory_space<vmem>>
      %dma_start3A_188 = tpu.memref_squeeze %dma_start3A_187 : memref<1x125x128xf32, #tpu.memory_space<vmem>> -> memref<125x128xf32, #tpu.memory_space<vmem>>
      %dma_start3A_189 = arith.constant 0 : i32
      %dma_start3A_190 = arith.constant 0 : i32
      %dma_start3A_191 = tpu.memref_slice %arg6[%add3A_182, %dma_start3A_189, %dma_start3A_190] : memref<40x2x125xi32, #tpu.memory_space<vmem>> -> memref<1x2x125xi32, #tpu.memory_space<vmem>>
      %dma_start3A_192 = tpu.memref_squeeze %dma_start3A_191 : memref<1x2x125xi32, #tpu.memory_space<vmem>> -> memref<2x125xi32, #tpu.memory_space<vmem>>
      %dma_start3A_193 = arith.constant 0 : i32
      %dma_start3A_194 = tpu.memref_slice %dma_start3A_192[%dma_start3A_184, %dma_start3A_193] : memref<2x125xi32, #tpu.memory_space<vmem>> -> memref<1x125xi32, #tpu.memory_space<vmem>>
      %dma_start3A_195 = tpu.memref_squeeze %dma_start3A_194 : memref<1x125xi32, #tpu.memory_space<vmem>> -> memref<125xi32, #tpu.memory_space<vmem>>
      %dma_start3A_196 = arith.constant 0 : i32
      %dma_start3A_197 = arith.constant 0 : i32
      %dma_start3A_198 = tpu.memref_slice %arg8[%dma_start3A_196, %dma_start3A_197] : memref<10112x128xf32, #tpu.memory_space<vmem_shared>> -> memref<10112x128xf32, #tpu.memory_space<vmem_shared>>
      tpu.enqueue_indirect_dma source(%dma_start3A_188 : memref<125x128xf32, #tpu.memory_space<vmem>>) target(%dma_start3A_198 : memref<10112x128xf32, #tpu.memory_space<vmem_shared>>) offsets(%dma_start3A_195 : memref<125xi32, #tpu.memory_space<vmem>>) semaphore(%arg12 : memref<!tpu.dma_semaphore, #tpu.memory_space<semaphore_mem>>) {add = true}
    }
    %scan3A_7 = arith.constant 20 : i32
    %dma_wait3A = arith.constant 0 : i32
    %dma_wait3A_8 = arith.constant 0 : i32
    %dma_wait3A_9 = arith.constant 1 : i32
    %dma_wait3A_10 = arith.constant 0 : i32
    %dma_wait3A_11 = arith.constant 0 : i32
    %dma_wait3A_12 = tpu.memref_slice %arg7[%dma_wait3A, %dma_wait3A_10, %dma_wait3A_11] : memref<2x125x128xf32, #tpu.memory_space<vmem>> -> memref<1x125x128xf32, #tpu.memory_space<vmem>>
    %dma_wait3A_13 = tpu.memref_squeeze %dma_wait3A_12 : memref<1x125x128xf32, #tpu.memory_space<vmem>> -> memref<125x128xf32, #tpu.memory_space<vmem>>
    %dma_wait3A_14 = arith.constant 0 : i32
    %dma_wait3A_15 = arith.constant 0 : i32
    %dma_wait3A_16 = tpu.memref_slice %arg6[%dma_wait3A_8, %dma_wait3A_14, %dma_wait3A_15] : memref<40x2x125xi32, #tpu.memory_space<vmem>> -> memref<1x2x125xi32, #tpu.memory_space<vmem>>
    %dma_wait3A_17 = tpu.memref_squeeze %dma_wait3A_16 : memref<1x2x125xi32, #tpu.memory_space<vmem>> -> memref<2x125xi32, #tpu.memory_space<vmem>>
    %dma_wait3A_18 = arith.constant 0 : i32
    %dma_wait3A_19 = tpu.memref_slice %dma_wait3A_17[%dma_wait3A_9, %dma_wait3A_18] : memref<2x125xi32, #tpu.memory_space<vmem>> -> memref<1x125xi32, #tpu.memory_space<vmem>>
    %dma_wait3A_20 = tpu.memref_squeeze %dma_wait3A_19 : memref<1x125xi32, #tpu.memory_space<vmem>> -> memref<125xi32, #tpu.memory_space<vmem>>
    %dma_wait3A_21 = arith.constant 0 : i32
    %dma_wait3A_22 = arith.constant 0 : i32
    %dma_wait3A_23 = tpu.memref_slice %arg8[%dma_wait3A_21, %dma_wait3A_22] : memref<10112x128xf32, #tpu.memory_space<vmem_shared>> -> memref<10112x128xf32, #tpu.memory_space<vmem_shared>>
    tpu.wait_indirect_dma semaphore(%arg11 : memref<!tpu.dma_semaphore, #tpu.memory_space<semaphore_mem>>) src(%dma_wait3A_13 : memref<125x128xf32, #tpu.memory_space<vmem>>) dst(%dma_wait3A_23 : memref<10112x128xf32, #tpu.memory_space<vmem_shared>>)
    %dma_wait3A_24 = arith.constant 1 : i32
    %dma_wait3A_25 = arith.constant 1 : i32
    %dma_wait3A_26 = arith.constant 1 : i32
    %dma_wait3A_27 = arith.constant 0 : i32
    %dma_wait3A_28 = arith.constant 0 : i32
    %dma_wait3A_29 = tpu.memref_slice %arg7[%dma_wait3A_24, %dma_wait3A_27, %dma_wait3A_28] : memref<2x125x128xf32, #tpu.memory_space<vmem>> -> memref<1x125x128xf32, #tpu.memory_space<vmem>>
    %dma_wait3A_30 = tpu.memref_squeeze %dma_wait3A_29 : memref<1x125x128xf32, #tpu.memory_space<vmem>> -> memref<125x128xf32, #tpu.memory_space<vmem>>
    %dma_wait3A_31 = arith.constant 0 : i32
    %dma_wait3A_32 = arith.constant 0 : i32
    %dma_wait3A_33 = tpu.memref_slice %arg6[%dma_wait3A_25, %dma_wait3A_31, %dma_wait3A_32] : memref<40x2x125xi32, #tpu.memory_space<vmem>> -> memref<1x2x125xi32, #tpu.memory_space<vmem>>
    %dma_wait3A_34 = tpu.memref_squeeze %dma_wait3A_33 : memref<1x2x125xi32, #tpu.memory_space<vmem>> -> memref<2x125xi32, #tpu.memory_space<vmem>>
    %dma_wait3A_35 = arith.constant 0 : i32
    %dma_wait3A_36 = tpu.memref_slice %dma_wait3A_34[%dma_wait3A_26, %dma_wait3A_35] : memref<2x125xi32, #tpu.memory_space<vmem>> -> memref<1x125xi32, #tpu.memory_space<vmem>>
    %dma_wait3A_37 = tpu.memref_squeeze %dma_wait3A_36 : memref<1x125xi32, #tpu.memory_space<vmem>> -> memref<125xi32, #tpu.memory_space<vmem>>
    %dma_wait3A_38 = arith.constant 0 : i32
    %dma_wait3A_39 = arith.constant 0 : i32
    %dma_wait3A_40 = tpu.memref_slice %arg8[%dma_wait3A_38, %dma_wait3A_39] : memref<10112x128xf32, #tpu.memory_space<vmem_shared>> -> memref<10112x128xf32, #tpu.memory_space<vmem_shared>>
    tpu.wait_indirect_dma semaphore(%arg12 : memref<!tpu.dma_semaphore, #tpu.memory_space<semaphore_mem>>) src(%dma_wait3A_30 : memref<125x128xf32, #tpu.memory_space<vmem>>) dst(%dma_wait3A_40 : memref<10112x128xf32, #tpu.memory_space<vmem_shared>>)
    %add3A = arith.constant 40 : i32
    %add3A_41 = arith.addi %mul3A_0, %add3A : i32
    "tpu.region"() ({
      %run_scoped3A = tpu.sem_alloc : memref<!tpu.dma_semaphore, #tpu.memory_space<semaphore_mem>>
      %dma_start3A = arith.constant 0 : i32
      %dma_start3A_85 = arith.constant 0 : i32
      %dma_start3A_86 = arith.constant 0 : i32
      %dma_start3A_87 = tpu.memref_slice %arg3[%arg0, %dma_start3A, %dma_start3A_85, %dma_start3A_86] : memref<2x1280x2x125xi32, #tpu.memory_space<hbm>> -> memref<1x1280x2x125xi32, #tpu.memory_space<hbm>>
      %dma_start3A_88 = tpu.memref_squeeze %dma_start3A_87 : memref<1x1280x2x125xi32, #tpu.memory_space<hbm>> -> memref<1280x2x125xi32, #tpu.memory_space<hbm>>
      %dma_start3A_89 = arith.constant 0 : i32
      %dma_start3A_90 = arith.constant 0 : i32
      %dma_start3A_91 = tpu.memref_slice %dma_start3A_88[%add3A_41, %dma_start3A_89, %dma_start3A_90] : memref<1280x2x125xi32, #tpu.memory_space<hbm>> -> memref<40x2x125xi32, #tpu.memory_space<hbm>>
      %dma_start3A_92 = arith.constant 0 : i32
      %dma_start3A_93 = arith.constant 0 : i32
      %dma_start3A_94 = arith.constant 0 : i32
      %dma_start3A_95 = tpu.memref_slice %arg3[%arg0, %dma_start3A_92, %dma_start3A_93, %dma_start3A_94] : memref<2x1280x2x125xi32, #tpu.memory_space<hbm>> -> memref<1x1280x2x125xi32, #tpu.memory_space<hbm>>
      %dma_start3A_96 = tpu.memref_squeeze %dma_start3A_95 : memref<1x1280x2x125xi32, #tpu.memory_space<hbm>> -> memref<1280x2x125xi32, #tpu.memory_space<hbm>>
      %dma_start3A_97 = arith.constant 0 : i32
      %dma_start3A_98 = arith.constant 0 : i32
      %dma_start3A_99 = tpu.memref_slice %dma_start3A_96[%add3A_41, %dma_start3A_97, %dma_start3A_98] : memref<1280x2x125xi32, #tpu.memory_space<hbm>> -> memref<40x2x125xi32, #tpu.memory_space<hbm>>
      tpu.enqueue_dma source(%dma_start3A_99 : memref<40x2x125xi32, #tpu.memory_space<hbm>>) target(%arg6 : memref<40x2x125xi32, #tpu.memory_space<vmem>>) target_semaphore(%run_scoped3A : memref<!tpu.dma_semaphore, #tpu.memory_space<semaphore_mem>>)
      %dma_wait3A_100 = arith.constant 0 : i32
      %dma_wait3A_101 = arith.constant 0 : i32
      %dma_wait3A_102 = arith.constant 0 : i32
      %dma_wait3A_103 = tpu.memref_slice %arg3[%arg0, %dma_wait3A_100, %dma_wait3A_101, %dma_wait3A_102] : memref<2x1280x2x125xi32, #tpu.memory_space<hbm>> -> memref<1x1280x2x125xi32, #tpu.memory_space<hbm>>
      %dma_wait3A_104 = tpu.memref_squeeze %dma_wait3A_103 : memref<1x1280x2x125xi32, #tpu.memory_space<hbm>> -> memref<1280x2x125xi32, #tpu.memory_space<hbm>>
      %dma_wait3A_105 = arith.constant 0 : i32
      %dma_wait3A_106 = arith.constant 0 : i32
      %dma_wait3A_107 = tpu.memref_slice %dma_wait3A_104[%add3A_41, %dma_wait3A_105, %dma_wait3A_106] : memref<1280x2x125xi32, #tpu.memory_space<hbm>> -> memref<40x2x125xi32, #tpu.memory_space<hbm>>
      %dma_wait3A_108 = arith.constant 0 : i32
      %dma_wait3A_109 = arith.constant 0 : i32
      %dma_wait3A_110 = arith.constant 0 : i32
      %dma_wait3A_111 = tpu.memref_slice %arg3[%arg0, %dma_wait3A_108, %dma_wait3A_109, %dma_wait3A_110] : memref<2x1280x2x125xi32, #tpu.memory_space<hbm>> -> memref<1x1280x2x125xi32, #tpu.memory_space<hbm>>
      %dma_wait3A_112 = tpu.memref_squeeze %dma_wait3A_111 : memref<1x1280x2x125xi32, #tpu.memory_space<hbm>> -> memref<1280x2x125xi32, #tpu.memory_space<hbm>>
      %dma_wait3A_113 = arith.constant 0 : i32
      %dma_wait3A_114 = arith.constant 0 : i32
      %dma_wait3A_115 = tpu.memref_slice %dma_wait3A_112[%add3A_41, %dma_wait3A_113, %dma_wait3A_114] : memref<1280x2x125xi32, #tpu.memory_space<hbm>> -> memref<40x2x125xi32, #tpu.memory_space<hbm>>
      tpu.wait_dma2 semaphore(%run_scoped3A : memref<!tpu.dma_semaphore, #tpu.memory_space<semaphore_mem>>) src(%dma_wait3A_115 : memref<40x2x125xi32, #tpu.memory_space<hbm>>) dst(%arg6 : memref<40x2x125xi32, #tpu.memory_space<vmem>>)
      tpu.yield
    }) : () -> ()
    %scan3A_42 = arith.constant 0 : i32
    %scan3A_43 = arith.constant 0 : i32
    %scan3A_44 = arith.constant 20 : i32
    %scan3A_45 = arith.addi %scan3A_43, %scan3A_44 : i32
    %scan3A_46 = arith.constant 1 : i32
    scf.for %scan3A_85 = %scan3A_43 to %scan3A_45 step %scan3A_46  : i32 {
      %gt3A = arith.constant 0 : i32
      %gt3A_86 = arith.cmpi sgt, %scan3A_85, %gt3A : i32
      %convert_element_type3A = arith.extui %gt3A_86 : i1 to i32
      %cond3A = arith.constant 0 : i32
      %cond3A_87 = arith.cmpi ne, %convert_element_type3A, %cond3A : i32
      scf.if %cond3A_87 {
        %dma_wait3A_199 = arith.constant 0 : i32
        %dma_wait3A_200 = arith.constant 0 : i32
        %dma_wait3A_201 = arith.constant 1 : i32
        %dma_wait3A_202 = arith.constant 0 : i32
        %dma_wait3A_203 = arith.constant 0 : i32
        %dma_wait3A_204 = tpu.memref_slice %arg7[%dma_wait3A_199, %dma_wait3A_202, %dma_wait3A_203] : memref<2x125x128xf32, #tpu.memory_space<vmem>> -> memref<1x125x128xf32, #tpu.memory_space<vmem>>
        %dma_wait3A_205 = tpu.memref_squeeze %dma_wait3A_204 : memref<1x125x128xf32, #tpu.memory_space<vmem>> -> memref<125x128xf32, #tpu.memory_space<vmem>>
        %dma_wait3A_206 = arith.constant 0 : i32
        %dma_wait3A_207 = arith.constant 0 : i32
        %dma_wait3A_208 = tpu.memref_slice %arg6[%dma_wait3A_200, %dma_wait3A_206, %dma_wait3A_207] : memref<40x2x125xi32, #tpu.memory_space<vmem>> -> memref<1x2x125xi32, #tpu.memory_space<vmem>>
        %dma_wait3A_209 = tpu.memref_squeeze %dma_wait3A_208 : memref<1x2x125xi32, #tpu.memory_space<vmem>> -> memref<2x125xi32, #tpu.memory_space<vmem>>
        %dma_wait3A_210 = arith.constant 0 : i32
        %dma_wait3A_211 = tpu.memref_slice %dma_wait3A_209[%dma_wait3A_201, %dma_wait3A_210] : memref<2x125xi32, #tpu.memory_space<vmem>> -> memref<1x125xi32, #tpu.memory_space<vmem>>
        %dma_wait3A_212 = tpu.memref_squeeze %dma_wait3A_211 : memref<1x125xi32, #tpu.memory_space<vmem>> -> memref<125xi32, #tpu.memory_space<vmem>>
        %dma_wait3A_213 = arith.constant 0 : i32
        %dma_wait3A_214 = arith.constant 0 : i32
        %dma_wait3A_215 = tpu.memref_slice %arg8[%dma_wait3A_213, %dma_wait3A_214] : memref<10112x128xf32, #tpu.memory_space<vmem_shared>> -> memref<10112x128xf32, #tpu.memory_space<vmem_shared>>
        tpu.wait_indirect_dma semaphore(%arg11 : memref<!tpu.dma_semaphore, #tpu.memory_space<semaphore_mem>>) src(%dma_wait3A_205 : memref<125x128xf32, #tpu.memory_space<vmem>>) dst(%dma_wait3A_215 : memref<10112x128xf32, #tpu.memory_space<vmem_shared>>)
        %dma_wait3A_216 = arith.constant 1 : i32
        %dma_wait3A_217 = arith.constant 1 : i32
        %dma_wait3A_218 = arith.constant 1 : i32
        %dma_wait3A_219 = arith.constant 0 : i32
        %dma_wait3A_220 = arith.constant 0 : i32
        %dma_wait3A_221 = tpu.memref_slice %arg7[%dma_wait3A_216, %dma_wait3A_219, %dma_wait3A_220] : memref<2x125x128xf32, #tpu.memory_space<vmem>> -> memref<1x125x128xf32, #tpu.memory_space<vmem>>
        %dma_wait3A_222 = tpu.memref_squeeze %dma_wait3A_221 : memref<1x125x128xf32, #tpu.memory_space<vmem>> -> memref<125x128xf32, #tpu.memory_space<vmem>>
        %dma_wait3A_223 = arith.constant 0 : i32
        %dma_wait3A_224 = arith.constant 0 : i32
        %dma_wait3A_225 = tpu.memref_slice %arg6[%dma_wait3A_217, %dma_wait3A_223, %dma_wait3A_224] : memref<40x2x125xi32, #tpu.memory_space<vmem>> -> memref<1x2x125xi32, #tpu.memory_space<vmem>>
        %dma_wait3A_226 = tpu.memref_squeeze %dma_wait3A_225 : memref<1x2x125xi32, #tpu.memory_space<vmem>> -> memref<2x125xi32, #tpu.memory_space<vmem>>
        %dma_wait3A_227 = arith.constant 0 : i32
        %dma_wait3A_228 = tpu.memref_slice %dma_wait3A_226[%dma_wait3A_218, %dma_wait3A_227] : memref<2x125xi32, #tpu.memory_space<vmem>> -> memref<1x125xi32, #tpu.memory_space<vmem>>
        %dma_wait3A_229 = tpu.memref_squeeze %dma_wait3A_228 : memref<1x125xi32, #tpu.memory_space<vmem>> -> memref<125xi32, #tpu.memory_space<vmem>>
        %dma_wait3A_230 = arith.constant 0 : i32
        %dma_wait3A_231 = arith.constant 0 : i32
        %dma_wait3A_232 = tpu.memref_slice %arg8[%dma_wait3A_230, %dma_wait3A_231] : memref<10112x128xf32, #tpu.memory_space<vmem_shared>> -> memref<10112x128xf32, #tpu.memory_space<vmem_shared>>
        tpu.wait_indirect_dma semaphore(%arg12 : memref<!tpu.dma_semaphore, #tpu.memory_space<semaphore_mem>>) src(%dma_wait3A_222 : memref<125x128xf32, #tpu.memory_space<vmem>>) dst(%dma_wait3A_232 : memref<10112x128xf32, #tpu.memory_space<vmem_shared>>)
      } else {
      }
      %mul3A_88 = arith.constant 2 : i32
      %mul3A_89 = arith.muli %mul3A_88, %scan3A_85 : i32
      %add3A_90 = arith.constant 0 : i32
      %add3A_91 = arith.addi %mul3A_89, %add3A_90 : i32
      %dma_start3A = arith.constant 0 : i32
      %dma_start3A_92 = arith.constant 0 : i32
      %dma_start3A_93 = arith.constant 0 : i32
      %dma_start3A_94 = arith.constant 0 : i32
      %dma_start3A_95 = tpu.memref_slice %arg7[%dma_start3A_92, %dma_start3A_93, %dma_start3A_94] : memref<2x125x128xf32, #tpu.memory_space<vmem>> -> memref<1x125x128xf32, #tpu.memory_space<vmem>>
      %dma_start3A_96 = tpu.memref_squeeze %dma_start3A_95 : memref<1x125x128xf32, #tpu.memory_space<vmem>> -> memref<125x128xf32, #tpu.memory_space<vmem>>
      %dma_start3A_97 = arith.constant 0 : i32
      %dma_start3A_98 = arith.constant 0 : i32
      %dma_start3A_99 = tpu.memref_slice %arg6[%add3A_91, %dma_start3A_97, %dma_start3A_98] : memref<40x2x125xi32, #tpu.memory_space<vmem>> -> memref<1x2x125xi32, #tpu.memory_space<vmem>>
      %dma_start3A_100 = tpu.memref_squeeze %dma_start3A_99 : memref<1x2x125xi32, #tpu.memory_space<vmem>> -> memref<2x125xi32, #tpu.memory_space<vmem>>
      %dma_start3A_101 = arith.constant 0 : i32
      %dma_start3A_102 = tpu.memref_slice %dma_start3A_100[%dma_start3A, %dma_start3A_101] : memref<2x125xi32, #tpu.memory_space<vmem>> -> memref<1x125xi32, #tpu.memory_space<vmem>>
      %dma_start3A_103 = tpu.memref_squeeze %dma_start3A_102 : memref<1x125xi32, #tpu.memory_space<vmem>> -> memref<125xi32, #tpu.memory_space<vmem>>
      %dma_start3A_104 = arith.constant 0 : i32
      %dma_start3A_105 = arith.constant 0 : i32
      %dma_start3A_106 = tpu.memref_slice %arg2[%dma_start3A_104, %dma_start3A_105] : memref<20000x128xf32, #tpu.memory_space<hbm>> -> memref<20000x128xf32, #tpu.memory_space<hbm>>
      tpu.enqueue_indirect_dma source(%dma_start3A_106 : memref<20000x128xf32, #tpu.memory_space<hbm>>) target(%dma_start3A_96 : memref<125x128xf32, #tpu.memory_space<vmem>>) offsets(%dma_start3A_103 : memref<125xi32, #tpu.memory_space<vmem>>) semaphore(%arg9 : memref<!tpu.dma_semaphore, #tpu.memory_space<semaphore_mem>>)
      %mul3A_107 = arith.constant 2 : i32
      %mul3A_108 = arith.muli %mul3A_107, %scan3A_85 : i32
      %add3A_109 = arith.constant 1 : i32
      %add3A_110 = arith.addi %mul3A_108, %add3A_109 : i32
      %dma_start3A_111 = arith.constant 0 : i32
      %dma_start3A_112 = arith.constant 1 : i32
      %dma_start3A_113 = arith.constant 0 : i32
      %dma_start3A_114 = arith.constant 0 : i32
      %dma_start3A_115 = tpu.memref_slice %arg7[%dma_start3A_112, %dma_start3A_113, %dma_start3A_114] : memref<2x125x128xf32, #tpu.memory_space<vmem>> -> memref<1x125x128xf32, #tpu.memory_space<vmem>>
      %dma_start3A_116 = tpu.memref_squeeze %dma_start3A_115 : memref<1x125x128xf32, #tpu.memory_space<vmem>> -> memref<125x128xf32, #tpu.memory_space<vmem>>
      %dma_start3A_117 = arith.constant 0 : i32
      %dma_start3A_118 = arith.constant 0 : i32
      %dma_start3A_119 = tpu.memref_slice %arg6[%add3A_110, %dma_start3A_117, %dma_start3A_118] : memref<40x2x125xi32, #tpu.memory_space<vmem>> -> memref<1x2x125xi32, #tpu.memory_space<vmem>>
      %dma_start3A_120 = tpu.memref_squeeze %dma_start3A_119 : memref<1x2x125xi32, #tpu.memory_space<vmem>> -> memref<2x125xi32, #tpu.memory_space<vmem>>
      %dma_start3A_121 = arith.constant 0 : i32
      %dma_start3A_122 = tpu.memref_slice %dma_start3A_120[%dma_start3A_111, %dma_start3A_121] : memref<2x125xi32, #tpu.memory_space<vmem>> -> memref<1x125xi32, #tpu.memory_space<vmem>>
      %dma_start3A_123 = tpu.memref_squeeze %dma_start3A_122 : memref<1x125xi32, #tpu.memory_space<vmem>> -> memref<125xi32, #tpu.memory_space<vmem>>
      %dma_start3A_124 = arith.constant 0 : i32
      %dma_start3A_125 = arith.constant 0 : i32
      %dma_start3A_126 = tpu.memref_slice %arg2[%dma_start3A_124, %dma_start3A_125] : memref<20000x128xf32, #tpu.memory_space<hbm>> -> memref<20000x128xf32, #tpu.memory_space<hbm>>
      tpu.enqueue_indirect_dma source(%dma_start3A_126 : memref<20000x128xf32, #tpu.memory_space<hbm>>) target(%dma_start3A_116 : memref<125x128xf32, #tpu.memory_space<vmem>>) offsets(%dma_start3A_123 : memref<125xi32, #tpu.memory_space<vmem>>) semaphore(%arg10 : memref<!tpu.dma_semaphore, #tpu.memory_space<semaphore_mem>>)
      %dma_wait3A_127 = arith.constant 0 : i32
      %dma_wait3A_128 = arith.constant 0 : i32
      %dma_wait3A_129 = arith.constant 0 : i32
      %dma_wait3A_130 = arith.constant 0 : i32
      %dma_wait3A_131 = tpu.memref_slice %arg7[%dma_wait3A_128, %dma_wait3A_129, %dma_wait3A_130] : memref<2x125x128xf32, #tpu.memory_space<vmem>> -> memref<1x125x128xf32, #tpu.memory_space<vmem>>
      %dma_wait3A_132 = tpu.memref_squeeze %dma_wait3A_131 : memref<1x125x128xf32, #tpu.memory_space<vmem>> -> memref<125x128xf32, #tpu.memory_space<vmem>>
      %dma_wait3A_133 = arith.constant 0 : i32
      %dma_wait3A_134 = arith.constant 0 : i32
      %dma_wait3A_135 = tpu.memref_slice %arg6[%add3A_91, %dma_wait3A_133, %dma_wait3A_134] : memref<40x2x125xi32, #tpu.memory_space<vmem>> -> memref<1x2x125xi32, #tpu.memory_space<vmem>>
      %dma_wait3A_136 = tpu.memref_squeeze %dma_wait3A_135 : memref<1x2x125xi32, #tpu.memory_space<vmem>> -> memref<2x125xi32, #tpu.memory_space<vmem>>
      %dma_wait3A_137 = arith.constant 0 : i32
      %dma_wait3A_138 = tpu.memref_slice %dma_wait3A_136[%dma_wait3A_127, %dma_wait3A_137] : memref<2x125xi32, #tpu.memory_space<vmem>> -> memref<1x125xi32, #tpu.memory_space<vmem>>
      %dma_wait3A_139 = tpu.memref_squeeze %dma_wait3A_138 : memref<1x125xi32, #tpu.memory_space<vmem>> -> memref<125xi32, #tpu.memory_space<vmem>>
      %dma_wait3A_140 = arith.constant 0 : i32
      %dma_wait3A_141 = arith.constant 0 : i32
      %dma_wait3A_142 = tpu.memref_slice %arg2[%dma_wait3A_140, %dma_wait3A_141] : memref<20000x128xf32, #tpu.memory_space<hbm>> -> memref<20000x128xf32, #tpu.memory_space<hbm>>
      tpu.wait_indirect_dma semaphore(%arg9 : memref<!tpu.dma_semaphore, #tpu.memory_space<semaphore_mem>>) src(%dma_wait3A_142 : memref<20000x128xf32, #tpu.memory_space<hbm>>) dst(%dma_wait3A_132 : memref<125x128xf32, #tpu.memory_space<vmem>>)
      %mul3A_143 = arith.constant 2 : i32
      %mul3A_144 = arith.muli %mul3A_143, %scan3A_85 : i32
      %add3A_145 = arith.constant 0 : i32
      %add3A_146 = arith.addi %mul3A_144, %add3A_145 : i32
      %dma_start3A_147 = arith.constant 0 : i32
      %dma_start3A_148 = arith.constant 1 : i32
      %dma_start3A_149 = arith.constant 0 : i32
      %dma_start3A_150 = arith.constant 0 : i32
      %dma_start3A_151 = tpu.memref_slice %arg7[%dma_start3A_147, %dma_start3A_149, %dma_start3A_150] : memref<2x125x128xf32, #tpu.memory_space<vmem>> -> memref<1x125x128xf32, #tpu.memory_space<vmem>>
      %dma_start3A_152 = tpu.memref_squeeze %dma_start3A_151 : memref<1x125x128xf32, #tpu.memory_space<vmem>> -> memref<125x128xf32, #tpu.memory_space<vmem>>
      %dma_start3A_153 = arith.constant 0 : i32
      %dma_start3A_154 = arith.constant 0 : i32
      %dma_start3A_155 = tpu.memref_slice %arg6[%add3A_146, %dma_start3A_153, %dma_start3A_154] : memref<40x2x125xi32, #tpu.memory_space<vmem>> -> memref<1x2x125xi32, #tpu.memory_space<vmem>>
      %dma_start3A_156 = tpu.memref_squeeze %dma_start3A_155 : memref<1x2x125xi32, #tpu.memory_space<vmem>> -> memref<2x125xi32, #tpu.memory_space<vmem>>
      %dma_start3A_157 = arith.constant 0 : i32
      %dma_start3A_158 = tpu.memref_slice %dma_start3A_156[%dma_start3A_148, %dma_start3A_157] : memref<2x125xi32, #tpu.memory_space<vmem>> -> memref<1x125xi32, #tpu.memory_space<vmem>>
      %dma_start3A_159 = tpu.memref_squeeze %dma_start3A_158 : memref<1x125xi32, #tpu.memory_space<vmem>> -> memref<125xi32, #tpu.memory_space<vmem>>
      %dma_start3A_160 = arith.constant 0 : i32
      %dma_start3A_161 = arith.constant 0 : i32
      %dma_start3A_162 = tpu.memref_slice %arg8[%dma_start3A_160, %dma_start3A_161] : memref<10112x128xf32, #tpu.memory_space<vmem_shared>> -> memref<10112x128xf32, #tpu.memory_space<vmem_shared>>
      tpu.enqueue_indirect_dma source(%dma_start3A_152 : memref<125x128xf32, #tpu.memory_space<vmem>>) target(%dma_start3A_162 : memref<10112x128xf32, #tpu.memory_space<vmem_shared>>) offsets(%dma_start3A_159 : memref<125xi32, #tpu.memory_space<vmem>>) semaphore(%arg11 : memref<!tpu.dma_semaphore, #tpu.memory_space<semaphore_mem>>) {add = true}
      %dma_wait3A_163 = arith.constant 0 : i32
      %dma_wait3A_164 = arith.constant 1 : i32
      %dma_wait3A_165 = arith.constant 0 : i32
      %dma_wait3A_166 = arith.constant 0 : i32
      %dma_wait3A_167 = tpu.memref_slice %arg7[%dma_wait3A_164, %dma_wait3A_165, %dma_wait3A_166] : memref<2x125x128xf32, #tpu.memory_space<vmem>> -> memref<1x125x128xf32, #tpu.memory_space<vmem>>
      %dma_wait3A_168 = tpu.memref_squeeze %dma_wait3A_167 : memref<1x125x128xf32, #tpu.memory_space<vmem>> -> memref<125x128xf32, #tpu.memory_space<vmem>>
      %dma_wait3A_169 = arith.constant 0 : i32
      %dma_wait3A_170 = arith.constant 0 : i32
      %dma_wait3A_171 = tpu.memref_slice %arg6[%add3A_110, %dma_wait3A_169, %dma_wait3A_170] : memref<40x2x125xi32, #tpu.memory_space<vmem>> -> memref<1x2x125xi32, #tpu.memory_space<vmem>>
      %dma_wait3A_172 = tpu.memref_squeeze %dma_wait3A_171 : memref<1x2x125xi32, #tpu.memory_space<vmem>> -> memref<2x125xi32, #tpu.memory_space<vmem>>
      %dma_wait3A_173 = arith.constant 0 : i32
      %dma_wait3A_174 = tpu.memref_slice %dma_wait3A_172[%dma_wait3A_163, %dma_wait3A_173] : memref<2x125xi32, #tpu.memory_space<vmem>> -> memref<1x125xi32, #tpu.memory_space<vmem>>
      %dma_wait3A_175 = tpu.memref_squeeze %dma_wait3A_174 : memref<1x125xi32, #tpu.memory_space<vmem>> -> memref<125xi32, #tpu.memory_space<vmem>>
      %dma_wait3A_176 = arith.constant 0 : i32
      %dma_wait3A_177 = arith.constant 0 : i32
      %dma_wait3A_178 = tpu.memref_slice %arg2[%dma_wait3A_176, %dma_wait3A_177] : memref<20000x128xf32, #tpu.memory_space<hbm>> -> memref<20000x128xf32, #tpu.memory_space<hbm>>
      tpu.wait_indirect_dma semaphore(%arg10 : memref<!tpu.dma_semaphore, #tpu.memory_space<semaphore_mem>>) src(%dma_wait3A_178 : memref<20000x128xf32, #tpu.memory_space<hbm>>) dst(%dma_wait3A_168 : memref<125x128xf32, #tpu.memory_space<vmem>>)
      %mul3A_179 = arith.constant 2 : i32
      %mul3A_180 = arith.muli %mul3A_179, %scan3A_85 : i32
      %add3A_181 = arith.constant 1 : i32
      %add3A_182 = arith.addi %mul3A_180, %add3A_181 : i32
      %dma_start3A_183 = arith.constant 1 : i32
      %dma_start3A_184 = arith.constant 1 : i32
      %dma_start3A_185 = arith.constant 0 : i32
      %dma_start3A_186 = arith.constant 0 : i32
      %dma_start3A_187 = tpu.memref_slice %arg7[%dma_start3A_183, %dma_start3A_185, %dma_start3A_186] : memref<2x125x128xf32, #tpu.memory_space<vmem>> -> memref<1x125x128xf32, #tpu.memory_space<vmem>>
      %dma_start3A_188 = tpu.memref_squeeze %dma_start3A_187 : memref<1x125x128xf32, #tpu.memory_space<vmem>> -> memref<125x128xf32, #tpu.memory_space<vmem>>
      %dma_start3A_189 = arith.constant 0 : i32
      %dma_start3A_190 = arith.constant 0 : i32
      %dma_start3A_191 = tpu.memref_slice %arg6[%add3A_182, %dma_start3A_189, %dma_start3A_190] : memref<40x2x125xi32, #tpu.memory_space<vmem>> -> memref<1x2x125xi32, #tpu.memory_space<vmem>>
      %dma_start3A_192 = tpu.memref_squeeze %dma_start3A_191 : memref<1x2x125xi32, #tpu.memory_space<vmem>> -> memref<2x125xi32, #tpu.memory_space<vmem>>
      %dma_start3A_193 = arith.constant 0 : i32
      %dma_start3A_194 = tpu.memref_slice %dma_start3A_192[%dma_start3A_184, %dma_start3A_193] : memref<2x125xi32, #tpu.memory_space<vmem>> -> memref<1x125xi32, #tpu.memory_space<vmem>>
      %dma_start3A_195 = tpu.memref_squeeze %dma_start3A_194 : memref<1x125xi32, #tpu.memory_space<vmem>> -> memref<125xi32, #tpu.memory_space<vmem>>
      %dma_start3A_196 = arith.constant 0 : i32
      %dma_start3A_197 = arith.constant 0 : i32
      %dma_start3A_198 = tpu.memref_slice %arg8[%dma_start3A_196, %dma_start3A_197] : memref<10112x128xf32, #tpu.memory_space<vmem_shared>> -> memref<10112x128xf32, #tpu.memory_space<vmem_shared>>
      tpu.enqueue_indirect_dma source(%dma_start3A_188 : memref<125x128xf32, #tpu.memory_space<vmem>>) target(%dma_start3A_198 : memref<10112x128xf32, #tpu.memory_space<vmem_shared>>) offsets(%dma_start3A_195 : memref<125xi32, #tpu.memory_space<vmem>>) semaphore(%arg12 : memref<!tpu.dma_semaphore, #tpu.memory_space<semaphore_mem>>) {add = true}
    }
    %scan3A_47 = arith.constant 20 : i32
    %dma_wait3A_48 = arith.constant 0 : i32
    %dma_wait3A_49 = arith.constant 0 : i32
    %dma_wait3A_50 = arith.constant 1 : i32
    %dma_wait3A_51 = arith.constant 0 : i32
    %dma_wait3A_52 = arith.constant 0 : i32
    %dma_wait3A_53 = tpu.memref_slice %arg7[%dma_wait3A_48, %dma_wait3A_51, %dma_wait3A_52] : memref<2x125x128xf32, #tpu.memory_space<vmem>> -> memref<1x125x128xf32, #tpu.memory_space<vmem>>
    %dma_wait3A_54 = tpu.memref_squeeze %dma_wait3A_53 : memref<1x125x128xf32, #tpu.memory_space<vmem>> -> memref<125x128xf32, #tpu.memory_space<vmem>>
    %dma_wait3A_55 = arith.constant 0 : i32
    %dma_wait3A_56 = arith.constant 0 : i32
    %dma_wait3A_57 = tpu.memref_slice %arg6[%dma_wait3A_49, %dma_wait3A_55, %dma_wait3A_56] : memref<40x2x125xi32, #tpu.memory_space<vmem>> -> memref<1x2x125xi32, #tpu.memory_space<vmem>>
    %dma_wait3A_58 = tpu.memref_squeeze %dma_wait3A_57 : memref<1x2x125xi32, #tpu.memory_space<vmem>> -> memref<2x125xi32, #tpu.memory_space<vmem>>
    %dma_wait3A_59 = arith.constant 0 : i32
    %dma_wait3A_60 = tpu.memref_slice %dma_wait3A_58[%dma_wait3A_50, %dma_wait3A_59] : memref<2x125xi32, #tpu.memory_space<vmem>> -> memref<1x125xi32, #tpu.memory_space<vmem>>
    %dma_wait3A_61 = tpu.memref_squeeze %dma_wait3A_60 : memref<1x125xi32, #tpu.memory_space<vmem>> -> memref<125xi32, #tpu.memory_space<vmem>>
    %dma_wait3A_62 = arith.constant 0 : i32
    %dma_wait3A_63 = arith.constant 0 : i32
    %dma_wait3A_64 = tpu.memref_slice %arg8[%dma_wait3A_62, %dma_wait3A_63] : memref<10112x128xf32, #tpu.memory_space<vmem_shared>> -> memref<10112x128xf32, #tpu.memory_space<vmem_shared>>
    tpu.wait_indirect_dma semaphore(%arg11 : memref<!tpu.dma_semaphore, #tpu.memory_space<semaphore_mem>>) src(%dma_wait3A_54 : memref<125x128xf32, #tpu.memory_space<vmem>>) dst(%dma_wait3A_64 : memref<10112x128xf32, #tpu.memory_space<vmem_shared>>)
    %dma_wait3A_65 = arith.constant 1 : i32
    %dma_wait3A_66 = arith.constant 1 : i32
    %dma_wait3A_67 = arith.constant 1 : i32
    %dma_wait3A_68 = arith.constant 0 : i32
    %dma_wait3A_69 = arith.constant 0 : i32
    %dma_wait3A_70 = tpu.memref_slice %arg7[%dma_wait3A_65, %dma_wait3A_68, %dma_wait3A_69] : memref<2x125x128xf32, #tpu.memory_space<vmem>> -> memref<1x125x128xf32, #tpu.memory_space<vmem>>
    %dma_wait3A_71 = tpu.memref_squeeze %dma_wait3A_70 : memref<1x125x128xf32, #tpu.memory_space<vmem>> -> memref<125x128xf32, #tpu.memory_space<vmem>>
    %dma_wait3A_72 = arith.constant 0 : i32
    %dma_wait3A_73 = arith.constant 0 : i32
    %dma_wait3A_74 = tpu.memref_slice %arg6[%dma_wait3A_66, %dma_wait3A_72, %dma_wait3A_73] : memref<40x2x125xi32, #tpu.memory_space<vmem>> -> memref<1x2x125xi32, #tpu.memory_space<vmem>>
    %dma_wait3A_75 = tpu.memref_squeeze %dma_wait3A_74 : memref<1x2x125xi32, #tpu.memory_space<vmem>> -> memref<2x125xi32, #tpu.memory_space<vmem>>
    %dma_wait3A_76 = arith.constant 0 : i32
    %dma_wait3A_77 = tpu.memref_slice %dma_wait3A_75[%dma_wait3A_67, %dma_wait3A_76] : memref<2x125xi32, #tpu.memory_space<vmem>> -> memref<1x125xi32, #tpu.memory_space<vmem>>
    %dma_wait3A_78 = tpu.memref_squeeze %dma_wait3A_77 : memref<1x125xi32, #tpu.memory_space<vmem>> -> memref<125xi32, #tpu.memory_space<vmem>>
    %dma_wait3A_79 = arith.constant 0 : i32
    %dma_wait3A_80 = arith.constant 0 : i32
    %dma_wait3A_81 = tpu.memref_slice %arg8[%dma_wait3A_79, %dma_wait3A_80] : memref<10112x128xf32, #tpu.memory_space<vmem_shared>> -> memref<10112x128xf32, #tpu.memory_space<vmem_shared>>
    tpu.wait_indirect_dma semaphore(%arg12 : memref<!tpu.dma_semaphore, #tpu.memory_space<semaphore_mem>>) src(%dma_wait3A_71 : memref<125x128xf32, #tpu.memory_space<vmem>>) dst(%dma_wait3A_81 : memref<10112x128xf32, #tpu.memory_space<vmem_shared>>)
    %barrier3A_82 = arith.constant 0 : index
    tpu.barrier barrier_id(%barrier3A_82)
    %mul3A_83 = arith.constant 632 : i32
    %mul3A_84 = arith.muli %arg1, %mul3A_83 : i32
    "tpu.region"() ({
      %run_scoped3A = tpu.sem_alloc : memref<!tpu.dma_semaphore, #tpu.memory_space<semaphore_mem>>
      %dma_start3A = arith.constant 0 : i32
      %dma_start3A_85 = arith.constant 0 : i32
      %dma_start3A_86 = tpu.memref_slice %arg5[%arg0, %dma_start3A, %dma_start3A_85] : memref<2x10112x128xf32, #tpu.memory_space<hbm>> -> memref<1x10112x128xf32, #tpu.memory_space<hbm>>
      %dma_start3A_87 = tpu.memref_squeeze %dma_start3A_86 : memref<1x10112x128xf32, #tpu.memory_space<hbm>> -> memref<10112x128xf32, #tpu.memory_space<hbm>>
      %dma_start3A_88 = arith.constant 0 : i32
      %dma_start3A_89 = tpu.memref_slice %dma_start3A_87[%mul3A_84, %dma_start3A_88] : memref<10112x128xf32, #tpu.memory_space<hbm>> -> memref<632x128xf32, #tpu.memory_space<hbm>>
      %dma_start3A_90 = arith.constant 0 : i32
      %dma_start3A_91 = tpu.memref_slice %arg8[%mul3A_84, %dma_start3A_90] : memref<10112x128xf32, #tpu.memory_space<vmem_shared>> -> memref<632x128xf32, #tpu.memory_space<vmem_shared>>
      tpu.enqueue_dma source(%dma_start3A_91 : memref<632x128xf32, #tpu.memory_space<vmem_shared>>) target(%dma_start3A_89 : memref<632x128xf32, #tpu.memory_space<hbm>>) target_semaphore(%run_scoped3A : memref<!tpu.dma_semaphore, #tpu.memory_space<semaphore_mem>>)
      %dma_wait3A_92 = arith.constant 0 : i32
      %dma_wait3A_93 = arith.constant 0 : i32
      %dma_wait3A_94 = tpu.memref_slice %arg5[%arg0, %dma_wait3A_92, %dma_wait3A_93] : memref<2x10112x128xf32, #tpu.memory_space<hbm>> -> memref<1x10112x128xf32, #tpu.memory_space<hbm>>
      %dma_wait3A_95 = tpu.memref_squeeze %dma_wait3A_94 : memref<1x10112x128xf32, #tpu.memory_space<hbm>> -> memref<10112x128xf32, #tpu.memory_space<hbm>>
      %dma_wait3A_96 = arith.constant 0 : i32
      %dma_wait3A_97 = tpu.memref_slice %dma_wait3A_95[%mul3A_84, %dma_wait3A_96] : memref<10112x128xf32, #tpu.memory_space<hbm>> -> memref<632x128xf32, #tpu.memory_space<hbm>>
      %dma_wait3A_98 = arith.constant 0 : i32
      %dma_wait3A_99 = tpu.memref_slice %arg8[%mul3A_84, %dma_wait3A_98] : memref<10112x128xf32, #tpu.memory_space<vmem_shared>> -> memref<632x128xf32, #tpu.memory_space<vmem_shared>>
      tpu.wait_dma2 semaphore(%run_scoped3A : memref<!tpu.dma_semaphore, #tpu.memory_space<semaphore_mem>>) src(%dma_wait3A_99 : memref<632x128xf32, #tpu.memory_space<vmem_shared>>) dst(%dma_wait3A_97 : memref<632x128xf32, #tpu.memory_space<hbm>>)
      tpu.yield
    }) : () -> ()
    return
  }
}

#map = affine_map<(d0, d1) -> (0, 0)>
#map1 = affine_map<(d0, d1) -> (0, 0, 0, 0)>
#map2 = affine_map<(d0, d1) -> (0, 0, 0)>
module attributes {stable_mosaic.version = 14 : i64} {
  func.func @_sc_agg_body(%arg0: i32, %arg1: i32, %arg2: memref<20000x128xf32, #tpu.memory_space<hbm>>, %arg3: memref<2x1280x2x125xi32, #tpu.memory_space<hbm>>, %arg4: memref<632x128xf32, #tpu.memory_space<hbm>>, %arg5: memref<2x10112x128xf32, #tpu.memory_space<hbm>>, %arg6: memref<40x2x125xi32, #tpu.memory_space<vmem>>, %arg7: memref<2x125x128xf32, #tpu.memory_space<vmem>>, %arg8: memref<10112x128xf32, #tpu.memory_space<vmem_shared>>, %arg9: memref<!tpu.dma_semaphore, #tpu.memory_space<semaphore_mem>>, %arg10: memref<!tpu.dma_semaphore, #tpu.memory_space<semaphore_mem>>, %arg11: memref<!tpu.dma_semaphore, #tpu.memory_space<semaphore_mem>>, %arg12: memref<!tpu.dma_semaphore, #tpu.memory_space<semaphore_mem>>) attributes {dimension_semantics = [#tpu.dimension_semantics<core_parallel>, #tpu.dimension_semantics<subcore_parallel>], iteration_bounds = array<i64: 2, 16>, scalar_prefetch = 0 : i64, scratch_operands = 7 : i64, tpu.core_type = #tpu.core_type<sc_vector_subcore>, window_params = [{transform_indices = #map}, {transform_indices = #map1}, {transform_indices = #map}, {transform_indices = #map2}]} {
    %mul3A = arith.constant 80 : i32
    %mul3A_0 = arith.muli %arg1, %mul3A : i32
    %mul3A_1 = arith.constant 632 : i32
    %mul3A_2 = arith.muli %arg1, %mul3A_1 : i32
    "tpu.region"() ({
      %run_scoped3A = tpu.sem_alloc : memref<!tpu.dma_semaphore, #tpu.memory_space<semaphore_mem>>
      %dma_start3A = arith.constant 0 : i32
      %dma_start3A_85 = tpu.memref_slice %arg8[%mul3A_2, %dma_start3A] : memref<10112x128xf32, #tpu.memory_space<vmem_shared>> -> memref<632x128xf32, #tpu.memory_space<vmem_shared>>
      tpu.enqueue_dma source(%arg4 : memref<632x128xf32, #tpu.memory_space<hbm>>) target(%dma_start3A_85 : memref<632x128xf32, #tpu.memory_space<vmem_shared>>) target_semaphore(%run_scoped3A : memref<!tpu.dma_semaphore, #tpu.memory_space<semaphore_mem>>)
      %dma_wait3A_86 = arith.constant 0 : i32
      %dma_wait3A_87 = tpu.memref_slice %arg8[%mul3A_2, %dma_wait3A_86] : memref<10112x128xf32, #tpu.memory_space<vmem_shared>> -> memref<632x128xf32, #tpu.memory_space<vmem_shared>>
      tpu.wait_dma2 semaphore(%run_scoped3A : memref<!tpu.dma_semaphore, #tpu.memory_space<semaphore_mem>>) src(%arg4 : memref<632x128xf32, #tpu.memory_space<hbm>>) dst(%dma_wait3A_87 : memref<632x128xf32, #tpu.memory_space<vmem_shared>>)
      tpu.yield
    }) : () -> ()
    "tpu.region"() ({
      %run_scoped3A = tpu.sem_alloc : memref<!tpu.dma_semaphore, #tpu.memory_space<semaphore_mem>>
      %dma_start3A = arith.constant 0 : i32
      %dma_start3A_85 = arith.constant 0 : i32
      %dma_start3A_86 = arith.constant 0 : i32
      %dma_start3A_87 = tpu.memref_slice %arg3[%arg0, %dma_start3A, %dma_start3A_85, %dma_start3A_86] : memref<2x1280x2x125xi32, #tpu.memory_space<hbm>> -> memref<1x1280x2x125xi32, #tpu.memory_space<hbm>>
      %dma_start3A_88 = tpu.memref_squeeze %dma_start3A_87 : memref<1x1280x2x125xi32, #tpu.memory_space<hbm>> -> memref<1280x2x125xi32, #tpu.memory_space<hbm>>
      %dma_start3A_89 = arith.constant 0 : i32
      %dma_start3A_90 = arith.constant 0 : i32
      %dma_start3A_91 = tpu.memref_slice %dma_start3A_88[%mul3A_0, %dma_start3A_89, %dma_start3A_90] : memref<1280x2x125xi32, #tpu.memory_space<hbm>> -> memref<40x2x125xi32, #tpu.memory_space<hbm>>
      %dma_start3A_92 = arith.constant 0 : i32
      %dma_start3A_93 = arith.constant 0 : i32
      %dma_start3A_94 = arith.constant 0 : i32
      %dma_start3A_95 = tpu.memref_slice %arg3[%arg0, %dma_start3A_92, %dma_start3A_93, %dma_start3A_94] : memref<2x1280x2x125xi32, #tpu.memory_space<hbm>> -> memref<1x1280x2x125xi32, #tpu.memory_space<hbm>>
      %dma_start3A_96 = tpu.memref_squeeze %dma_start3A_95 : memref<1x1280x2x125xi32, #tpu.memory_space<hbm>> -> memref<1280x2x125xi32, #tpu.memory_space<hbm>>
      %dma_start3A_97 = arith.constant 0 : i32
      %dma_start3A_98 = arith.constant 0 : i32
      %dma_start3A_99 = tpu.memref_slice %dma_start3A_96[%mul3A_0, %dma_start3A_97, %dma_start3A_98] : memref<1280x2x125xi32, #tpu.memory_space<hbm>> -> memref<40x2x125xi32, #tpu.memory_space<hbm>>
      tpu.enqueue_dma source(%dma_start3A_99 : memref<40x2x125xi32, #tpu.memory_space<hbm>>) target(%arg6 : memref<40x2x125xi32, #tpu.memory_space<vmem>>) target_semaphore(%run_scoped3A : memref<!tpu.dma_semaphore, #tpu.memory_space<semaphore_mem>>)
      %dma_wait3A_100 = arith.constant 0 : i32
      %dma_wait3A_101 = arith.constant 0 : i32
      %dma_wait3A_102 = arith.constant 0 : i32
      %dma_wait3A_103 = tpu.memref_slice %arg3[%arg0, %dma_wait3A_100, %dma_wait3A_101, %dma_wait3A_102] : memref<2x1280x2x125xi32, #tpu.memory_space<hbm>> -> memref<1x1280x2x125xi32, #tpu.memory_space<hbm>>
      %dma_wait3A_104 = tpu.memref_squeeze %dma_wait3A_103 : memref<1x1280x2x125xi32, #tpu.memory_space<hbm>> -> memref<1280x2x125xi32, #tpu.memory_space<hbm>>
      %dma_wait3A_105 = arith.constant 0 : i32
      %dma_wait3A_106 = arith.constant 0 : i32
      %dma_wait3A_107 = tpu.memref_slice %dma_wait3A_104[%mul3A_0, %dma_wait3A_105, %dma_wait3A_106] : memref<1280x2x125xi32, #tpu.memory_space<hbm>> -> memref<40x2x125xi32, #tpu.memory_space<hbm>>
      %dma_wait3A_108 = arith.constant 0 : i32
      %dma_wait3A_109 = arith.constant 0 : i32
      %dma_wait3A_110 = arith.constant 0 : i32
      %dma_wait3A_111 = tpu.memref_slice %arg3[%arg0, %dma_wait3A_108, %dma_wait3A_109, %dma_wait3A_110] : memref<2x1280x2x125xi32, #tpu.memory_space<hbm>> -> memref<1x1280x2x125xi32, #tpu.memory_space<hbm>>
      %dma_wait3A_112 = tpu.memref_squeeze %dma_wait3A_111 : memref<1x1280x2x125xi32, #tpu.memory_space<hbm>> -> memref<1280x2x125xi32, #tpu.memory_space<hbm>>
      %dma_wait3A_113 = arith.constant 0 : i32
      %dma_wait3A_114 = arith.constant 0 : i32
      %dma_wait3A_115 = tpu.memref_slice %dma_wait3A_112[%mul3A_0, %dma_wait3A_113, %dma_wait3A_114] : memref<1280x2x125xi32, #tpu.memory_space<hbm>> -> memref<40x2x125xi32, #tpu.memory_space<hbm>>
      tpu.wait_dma2 semaphore(%run_scoped3A : memref<!tpu.dma_semaphore, #tpu.memory_space<semaphore_mem>>) src(%dma_wait3A_115 : memref<40x2x125xi32, #tpu.memory_space<hbm>>) dst(%arg6 : memref<40x2x125xi32, #tpu.memory_space<vmem>>)
      tpu.yield
    }) : () -> ()
    %barrier3A = arith.constant 0 : index
    tpu.barrier barrier_id(%barrier3A)
    %scan3A = arith.constant 0 : i32
    %scan3A_3 = arith.constant 0 : i32
    %scan3A_4 = arith.constant 20 : i32
    %scan3A_5 = arith.addi %scan3A_3, %scan3A_4 : i32
    %scan3A_6 = arith.constant 1 : i32
    scf.for %scan3A_85 = %scan3A_3 to %scan3A_5 step %scan3A_6  : i32 {
      %gt3A = arith.constant 0 : i32
      %gt3A_86 = arith.cmpi sgt, %scan3A_85, %gt3A : i32
      %convert_element_type3A = arith.extui %gt3A_86 : i1 to i32
      %cond3A = arith.constant 0 : i32
      %cond3A_87 = arith.cmpi ne, %convert_element_type3A, %cond3A : i32
      scf.if %cond3A_87 {
        %dma_wait3A_199 = arith.constant 0 : i32
        %dma_wait3A_200 = arith.constant 0 : i32
        %dma_wait3A_201 = arith.constant 1 : i32
        %dma_wait3A_202 = arith.constant 0 : i32
        %dma_wait3A_203 = arith.constant 0 : i32
        %dma_wait3A_204 = tpu.memref_slice %arg7[%dma_wait3A_199, %dma_wait3A_202, %dma_wait3A_203] : memref<2x125x128xf32, #tpu.memory_space<vmem>> -> memref<1x125x128xf32, #tpu.memory_space<vmem>>
        %dma_wait3A_205 = tpu.memref_squeeze %dma_wait3A_204 : memref<1x125x128xf32, #tpu.memory_space<vmem>> -> memref<125x128xf32, #tpu.memory_space<vmem>>
        %dma_wait3A_206 = arith.constant 0 : i32
        %dma_wait3A_207 = arith.constant 0 : i32
        %dma_wait3A_208 = tpu.memref_slice %arg6[%dma_wait3A_200, %dma_wait3A_206, %dma_wait3A_207] : memref<40x2x125xi32, #tpu.memory_space<vmem>> -> memref<1x2x125xi32, #tpu.memory_space<vmem>>
        %dma_wait3A_209 = tpu.memref_squeeze %dma_wait3A_208 : memref<1x2x125xi32, #tpu.memory_space<vmem>> -> memref<2x125xi32, #tpu.memory_space<vmem>>
        %dma_wait3A_210 = arith.constant 0 : i32
        %dma_wait3A_211 = tpu.memref_slice %dma_wait3A_209[%dma_wait3A_201, %dma_wait3A_210] : memref<2x125xi32, #tpu.memory_space<vmem>> -> memref<1x125xi32, #tpu.memory_space<vmem>>
        %dma_wait3A_212 = tpu.memref_squeeze %dma_wait3A_211 : memref<1x125xi32, #tpu.memory_space<vmem>> -> memref<125xi32, #tpu.memory_space<vmem>>
        %dma_wait3A_213 = arith.constant 0 : i32
        %dma_wait3A_214 = arith.constant 0 : i32
        %dma_wait3A_215 = tpu.memref_slice %arg8[%dma_wait3A_213, %dma_wait3A_214] : memref<10112x128xf32, #tpu.memory_space<vmem_shared>> -> memref<10112x128xf32, #tpu.memory_space<vmem_shared>>
        tpu.wait_indirect_dma semaphore(%arg11 : memref<!tpu.dma_semaphore, #tpu.memory_space<semaphore_mem>>) src(%dma_wait3A_205 : memref<125x128xf32, #tpu.memory_space<vmem>>) dst(%dma_wait3A_215 : memref<10112x128xf32, #tpu.memory_space<vmem_shared>>)
        %dma_wait3A_216 = arith.constant 1 : i32
        %dma_wait3A_217 = arith.constant 1 : i32
        %dma_wait3A_218 = arith.constant 1 : i32
        %dma_wait3A_219 = arith.constant 0 : i32
        %dma_wait3A_220 = arith.constant 0 : i32
        %dma_wait3A_221 = tpu.memref_slice %arg7[%dma_wait3A_216, %dma_wait3A_219, %dma_wait3A_220] : memref<2x125x128xf32, #tpu.memory_space<vmem>> -> memref<1x125x128xf32, #tpu.memory_space<vmem>>
        %dma_wait3A_222 = tpu.memref_squeeze %dma_wait3A_221 : memref<1x125x128xf32, #tpu.memory_space<vmem>> -> memref<125x128xf32, #tpu.memory_space<vmem>>
        %dma_wait3A_223 = arith.constant 0 : i32
        %dma_wait3A_224 = arith.constant 0 : i32
        %dma_wait3A_225 = tpu.memref_slice %arg6[%dma_wait3A_217, %dma_wait3A_223, %dma_wait3A_224] : memref<40x2x125xi32, #tpu.memory_space<vmem>> -> memref<1x2x125xi32, #tpu.memory_space<vmem>>
        %dma_wait3A_226 = tpu.memref_squeeze %dma_wait3A_225 : memref<1x2x125xi32, #tpu.memory_space<vmem>> -> memref<2x125xi32, #tpu.memory_space<vmem>>
        %dma_wait3A_227 = arith.constant 0 : i32
        %dma_wait3A_228 = tpu.memref_slice %dma_wait3A_226[%dma_wait3A_218, %dma_wait3A_227] : memref<2x125xi32, #tpu.memory_space<vmem>> -> memref<1x125xi32, #tpu.memory_space<vmem>>
        %dma_wait3A_229 = tpu.memref_squeeze %dma_wait3A_228 : memref<1x125xi32, #tpu.memory_space<vmem>> -> memref<125xi32, #tpu.memory_space<vmem>>
        %dma_wait3A_230 = arith.constant 0 : i32
        %dma_wait3A_231 = arith.constant 0 : i32
        %dma_wait3A_232 = tpu.memref_slice %arg8[%dma_wait3A_230, %dma_wait3A_231] : memref<10112x128xf32, #tpu.memory_space<vmem_shared>> -> memref<10112x128xf32, #tpu.memory_space<vmem_shared>>
        tpu.wait_indirect_dma semaphore(%arg12 : memref<!tpu.dma_semaphore, #tpu.memory_space<semaphore_mem>>) src(%dma_wait3A_222 : memref<125x128xf32, #tpu.memory_space<vmem>>) dst(%dma_wait3A_232 : memref<10112x128xf32, #tpu.memory_space<vmem_shared>>)
      } else {
      }
      %mul3A_88 = arith.constant 2 : i32
      %mul3A_89 = arith.muli %mul3A_88, %scan3A_85 : i32
      %add3A_90 = arith.constant 0 : i32
      %add3A_91 = arith.addi %mul3A_89, %add3A_90 : i32
      %dma_start3A = arith.constant 0 : i32
      %dma_start3A_92 = arith.constant 0 : i32
      %dma_start3A_93 = arith.constant 0 : i32
      %dma_start3A_94 = arith.constant 0 : i32
      %dma_start3A_95 = tpu.memref_slice %arg7[%dma_start3A_92, %dma_start3A_93, %dma_start3A_94] : memref<2x125x128xf32, #tpu.memory_space<vmem>> -> memref<1x125x128xf32, #tpu.memory_space<vmem>>
      %dma_start3A_96 = tpu.memref_squeeze %dma_start3A_95 : memref<1x125x128xf32, #tpu.memory_space<vmem>> -> memref<125x128xf32, #tpu.memory_space<vmem>>
      %dma_start3A_97 = arith.constant 0 : i32
      %dma_start3A_98 = arith.constant 0 : i32
      %dma_start3A_99 = tpu.memref_slice %arg6[%add3A_91, %dma_start3A_97, %dma_start3A_98] : memref<40x2x125xi32, #tpu.memory_space<vmem>> -> memref<1x2x125xi32, #tpu.memory_space<vmem>>
      %dma_start3A_100 = tpu.memref_squeeze %dma_start3A_99 : memref<1x2x125xi32, #tpu.memory_space<vmem>> -> memref<2x125xi32, #tpu.memory_space<vmem>>
      %dma_start3A_101 = arith.constant 0 : i32
      %dma_start3A_102 = tpu.memref_slice %dma_start3A_100[%dma_start3A, %dma_start3A_101] : memref<2x125xi32, #tpu.memory_space<vmem>> -> memref<1x125xi32, #tpu.memory_space<vmem>>
      %dma_start3A_103 = tpu.memref_squeeze %dma_start3A_102 : memref<1x125xi32, #tpu.memory_space<vmem>> -> memref<125xi32, #tpu.memory_space<vmem>>
      %dma_start3A_104 = arith.constant 0 : i32
      %dma_start3A_105 = arith.constant 0 : i32
      %dma_start3A_106 = tpu.memref_slice %arg2[%dma_start3A_104, %dma_start3A_105] : memref<20000x128xf32, #tpu.memory_space<hbm>> -> memref<20000x128xf32, #tpu.memory_space<hbm>>
      tpu.enqueue_indirect_dma source(%dma_start3A_106 : memref<20000x128xf32, #tpu.memory_space<hbm>>) target(%dma_start3A_96 : memref<125x128xf32, #tpu.memory_space<vmem>>) offsets(%dma_start3A_103 : memref<125xi32, #tpu.memory_space<vmem>>) semaphore(%arg9 : memref<!tpu.dma_semaphore, #tpu.memory_space<semaphore_mem>>)
      %mul3A_107 = arith.constant 2 : i32
      %mul3A_108 = arith.muli %mul3A_107, %scan3A_85 : i32
      %add3A_109 = arith.constant 1 : i32
      %add3A_110 = arith.addi %mul3A_108, %add3A_109 : i32
      %dma_start3A_111 = arith.constant 0 : i32
      %dma_start3A_112 = arith.constant 1 : i32
      %dma_start3A_113 = arith.constant 0 : i32
      %dma_start3A_114 = arith.constant 0 : i32
      %dma_start3A_115 = tpu.memref_slice %arg7[%dma_start3A_112, %dma_start3A_113, %dma_start3A_114] : memref<2x125x128xf32, #tpu.memory_space<vmem>> -> memref<1x125x128xf32, #tpu.memory_space<vmem>>
      %dma_start3A_116 = tpu.memref_squeeze %dma_start3A_115 : memref<1x125x128xf32, #tpu.memory_space<vmem>> -> memref<125x128xf32, #tpu.memory_space<vmem>>
      %dma_start3A_117 = arith.constant 0 : i32
      %dma_start3A_118 = arith.constant 0 : i32
      %dma_start3A_119 = tpu.memref_slice %arg6[%add3A_110, %dma_start3A_117, %dma_start3A_118] : memref<40x2x125xi32, #tpu.memory_space<vmem>> -> memref<1x2x125xi32, #tpu.memory_space<vmem>>
      %dma_start3A_120 = tpu.memref_squeeze %dma_start3A_119 : memref<1x2x125xi32, #tpu.memory_space<vmem>> -> memref<2x125xi32, #tpu.memory_space<vmem>>
      %dma_start3A_121 = arith.constant 0 : i32
      %dma_start3A_122 = tpu.memref_slice %dma_start3A_120[%dma_start3A_111, %dma_start3A_121] : memref<2x125xi32, #tpu.memory_space<vmem>> -> memref<1x125xi32, #tpu.memory_space<vmem>>
      %dma_start3A_123 = tpu.memref_squeeze %dma_start3A_122 : memref<1x125xi32, #tpu.memory_space<vmem>> -> memref<125xi32, #tpu.memory_space<vmem>>
      %dma_start3A_124 = arith.constant 0 : i32
      %dma_start3A_125 = arith.constant 0 : i32
      %dma_start3A_126 = tpu.memref_slice %arg2[%dma_start3A_124, %dma_start3A_125] : memref<20000x128xf32, #tpu.memory_space<hbm>> -> memref<20000x128xf32, #tpu.memory_space<hbm>>
      tpu.enqueue_indirect_dma source(%dma_start3A_126 : memref<20000x128xf32, #tpu.memory_space<hbm>>) target(%dma_start3A_116 : memref<125x128xf32, #tpu.memory_space<vmem>>) offsets(%dma_start3A_123 : memref<125xi32, #tpu.memory_space<vmem>>) semaphore(%arg10 : memref<!tpu.dma_semaphore, #tpu.memory_space<semaphore_mem>>)
      %dma_wait3A_127 = arith.constant 0 : i32
      %dma_wait3A_128 = arith.constant 0 : i32
      %dma_wait3A_129 = arith.constant 0 : i32
      %dma_wait3A_130 = arith.constant 0 : i32
      %dma_wait3A_131 = tpu.memref_slice %arg7[%dma_wait3A_128, %dma_wait3A_129, %dma_wait3A_130] : memref<2x125x128xf32, #tpu.memory_space<vmem>> -> memref<1x125x128xf32, #tpu.memory_space<vmem>>
      %dma_wait3A_132 = tpu.memref_squeeze %dma_wait3A_131 : memref<1x125x128xf32, #tpu.memory_space<vmem>> -> memref<125x128xf32, #tpu.memory_space<vmem>>
      %dma_wait3A_133 = arith.constant 0 : i32
      %dma_wait3A_134 = arith.constant 0 : i32
      %dma_wait3A_135 = tpu.memref_slice %arg6[%add3A_91, %dma_wait3A_133, %dma_wait3A_134] : memref<40x2x125xi32, #tpu.memory_space<vmem>> -> memref<1x2x125xi32, #tpu.memory_space<vmem>>
      %dma_wait3A_136 = tpu.memref_squeeze %dma_wait3A_135 : memref<1x2x125xi32, #tpu.memory_space<vmem>> -> memref<2x125xi32, #tpu.memory_space<vmem>>
      %dma_wait3A_137 = arith.constant 0 : i32
      %dma_wait3A_138 = tpu.memref_slice %dma_wait3A_136[%dma_wait3A_127, %dma_wait3A_137] : memref<2x125xi32, #tpu.memory_space<vmem>> -> memref<1x125xi32, #tpu.memory_space<vmem>>
      %dma_wait3A_139 = tpu.memref_squeeze %dma_wait3A_138 : memref<1x125xi32, #tpu.memory_space<vmem>> -> memref<125xi32, #tpu.memory_space<vmem>>
      %dma_wait3A_140 = arith.constant 0 : i32
      %dma_wait3A_141 = arith.constant 0 : i32
      %dma_wait3A_142 = tpu.memref_slice %arg2[%dma_wait3A_140, %dma_wait3A_141] : memref<20000x128xf32, #tpu.memory_space<hbm>> -> memref<20000x128xf32, #tpu.memory_space<hbm>>
      tpu.wait_indirect_dma semaphore(%arg9 : memref<!tpu.dma_semaphore, #tpu.memory_space<semaphore_mem>>) src(%dma_wait3A_142 : memref<20000x128xf32, #tpu.memory_space<hbm>>) dst(%dma_wait3A_132 : memref<125x128xf32, #tpu.memory_space<vmem>>)
      %mul3A_143 = arith.constant 2 : i32
      %mul3A_144 = arith.muli %mul3A_143, %scan3A_85 : i32
      %add3A_145 = arith.constant 0 : i32
      %add3A_146 = arith.addi %mul3A_144, %add3A_145 : i32
      %dma_start3A_147 = arith.constant 0 : i32
      %dma_start3A_148 = arith.constant 1 : i32
      %dma_start3A_149 = arith.constant 0 : i32
      %dma_start3A_150 = arith.constant 0 : i32
      %dma_start3A_151 = tpu.memref_slice %arg7[%dma_start3A_147, %dma_start3A_149, %dma_start3A_150] : memref<2x125x128xf32, #tpu.memory_space<vmem>> -> memref<1x125x128xf32, #tpu.memory_space<vmem>>
      %dma_start3A_152 = tpu.memref_squeeze %dma_start3A_151 : memref<1x125x128xf32, #tpu.memory_space<vmem>> -> memref<125x128xf32, #tpu.memory_space<vmem>>
      %dma_start3A_153 = arith.constant 0 : i32
      %dma_start3A_154 = arith.constant 0 : i32
      %dma_start3A_155 = tpu.memref_slice %arg6[%add3A_146, %dma_start3A_153, %dma_start3A_154] : memref<40x2x125xi32, #tpu.memory_space<vmem>> -> memref<1x2x125xi32, #tpu.memory_space<vmem>>
      %dma_start3A_156 = tpu.memref_squeeze %dma_start3A_155 : memref<1x2x125xi32, #tpu.memory_space<vmem>> -> memref<2x125xi32, #tpu.memory_space<vmem>>
      %dma_start3A_157 = arith.constant 0 : i32
      %dma_start3A_158 = tpu.memref_slice %dma_start3A_156[%dma_start3A_148, %dma_start3A_157] : memref<2x125xi32, #tpu.memory_space<vmem>> -> memref<1x125xi32, #tpu.memory_space<vmem>>
      %dma_start3A_159 = tpu.memref_squeeze %dma_start3A_158 : memref<1x125xi32, #tpu.memory_space<vmem>> -> memref<125xi32, #tpu.memory_space<vmem>>
      %dma_start3A_160 = arith.constant 0 : i32
      %dma_start3A_161 = arith.constant 0 : i32
      %dma_start3A_162 = tpu.memref_slice %arg8[%dma_start3A_160, %dma_start3A_161] : memref<10112x128xf32, #tpu.memory_space<vmem_shared>> -> memref<10112x128xf32, #tpu.memory_space<vmem_shared>>
      tpu.enqueue_indirect_dma source(%dma_start3A_152 : memref<125x128xf32, #tpu.memory_space<vmem>>) target(%dma_start3A_162 : memref<10112x128xf32, #tpu.memory_space<vmem_shared>>) offsets(%dma_start3A_159 : memref<125xi32, #tpu.memory_space<vmem>>) semaphore(%arg11 : memref<!tpu.dma_semaphore, #tpu.memory_space<semaphore_mem>>) {add = true}
      %dma_wait3A_163 = arith.constant 0 : i32
      %dma_wait3A_164 = arith.constant 1 : i32
      %dma_wait3A_165 = arith.constant 0 : i32
      %dma_wait3A_166 = arith.constant 0 : i32
      %dma_wait3A_167 = tpu.memref_slice %arg7[%dma_wait3A_164, %dma_wait3A_165, %dma_wait3A_166] : memref<2x125x128xf32, #tpu.memory_space<vmem>> -> memref<1x125x128xf32, #tpu.memory_space<vmem>>
      %dma_wait3A_168 = tpu.memref_squeeze %dma_wait3A_167 : memref<1x125x128xf32, #tpu.memory_space<vmem>> -> memref<125x128xf32, #tpu.memory_space<vmem>>
      %dma_wait3A_169 = arith.constant 0 : i32
      %dma_wait3A_170 = arith.constant 0 : i32
      %dma_wait3A_171 = tpu.memref_slice %arg6[%add3A_110, %dma_wait3A_169, %dma_wait3A_170] : memref<40x2x125xi32, #tpu.memory_space<vmem>> -> memref<1x2x125xi32, #tpu.memory_space<vmem>>
      %dma_wait3A_172 = tpu.memref_squeeze %dma_wait3A_171 : memref<1x2x125xi32, #tpu.memory_space<vmem>> -> memref<2x125xi32, #tpu.memory_space<vmem>>
      %dma_wait3A_173 = arith.constant 0 : i32
      %dma_wait3A_174 = tpu.memref_slice %dma_wait3A_172[%dma_wait3A_163, %dma_wait3A_173] : memref<2x125xi32, #tpu.memory_space<vmem>> -> memref<1x125xi32, #tpu.memory_space<vmem>>
      %dma_wait3A_175 = tpu.memref_squeeze %dma_wait3A_174 : memref<1x125xi32, #tpu.memory_space<vmem>> -> memref<125xi32, #tpu.memory_space<vmem>>
      %dma_wait3A_176 = arith.constant 0 : i32
      %dma_wait3A_177 = arith.constant 0 : i32
      %dma_wait3A_178 = tpu.memref_slice %arg2[%dma_wait3A_176, %dma_wait3A_177] : memref<20000x128xf32, #tpu.memory_space<hbm>> -> memref<20000x128xf32, #tpu.memory_space<hbm>>
      tpu.wait_indirect_dma semaphore(%arg10 : memref<!tpu.dma_semaphore, #tpu.memory_space<semaphore_mem>>) src(%dma_wait3A_178 : memref<20000x128xf32, #tpu.memory_space<hbm>>) dst(%dma_wait3A_168 : memref<125x128xf32, #tpu.memory_space<vmem>>)
      %mul3A_179 = arith.constant 2 : i32
      %mul3A_180 = arith.muli %mul3A_179, %scan3A_85 : i32
      %add3A_181 = arith.constant 1 : i32
      %add3A_182 = arith.addi %mul3A_180, %add3A_181 : i32
      %dma_start3A_183 = arith.constant 1 : i32
      %dma_start3A_184 = arith.constant 1 : i32
      %dma_start3A_185 = arith.constant 0 : i32
      %dma_start3A_186 = arith.constant 0 : i32
      %dma_start3A_187 = tpu.memref_slice %arg7[%dma_start3A_183, %dma_start3A_185, %dma_start3A_186] : memref<2x125x128xf32, #tpu.memory_space<vmem>> -> memref<1x125x128xf32, #tpu.memory_space<vmem>>
      %dma_start3A_188 = tpu.memref_squeeze %dma_start3A_187 : memref<1x125x128xf32, #tpu.memory_space<vmem>> -> memref<125x128xf32, #tpu.memory_space<vmem>>
      %dma_start3A_189 = arith.constant 0 : i32
      %dma_start3A_190 = arith.constant 0 : i32
      %dma_start3A_191 = tpu.memref_slice %arg6[%add3A_182, %dma_start3A_189, %dma_start3A_190] : memref<40x2x125xi32, #tpu.memory_space<vmem>> -> memref<1x2x125xi32, #tpu.memory_space<vmem>>
      %dma_start3A_192 = tpu.memref_squeeze %dma_start3A_191 : memref<1x2x125xi32, #tpu.memory_space<vmem>> -> memref<2x125xi32, #tpu.memory_space<vmem>>
      %dma_start3A_193 = arith.constant 0 : i32
      %dma_start3A_194 = tpu.memref_slice %dma_start3A_192[%dma_start3A_184, %dma_start3A_193] : memref<2x125xi32, #tpu.memory_space<vmem>> -> memref<1x125xi32, #tpu.memory_space<vmem>>
      %dma_start3A_195 = tpu.memref_squeeze %dma_start3A_194 : memref<1x125xi32, #tpu.memory_space<vmem>> -> memref<125xi32, #tpu.memory_space<vmem>>
      %dma_start3A_196 = arith.constant 0 : i32
      %dma_start3A_197 = arith.constant 0 : i32
      %dma_start3A_198 = tpu.memref_slice %arg8[%dma_start3A_196, %dma_start3A_197] : memref<10112x128xf32, #tpu.memory_space<vmem_shared>> -> memref<10112x128xf32, #tpu.memory_space<vmem_shared>>
      tpu.enqueue_indirect_dma source(%dma_start3A_188 : memref<125x128xf32, #tpu.memory_space<vmem>>) target(%dma_start3A_198 : memref<10112x128xf32, #tpu.memory_space<vmem_shared>>) offsets(%dma_start3A_195 : memref<125xi32, #tpu.memory_space<vmem>>) semaphore(%arg12 : memref<!tpu.dma_semaphore, #tpu.memory_space<semaphore_mem>>) {add = true}
    }
    %scan3A_7 = arith.constant 20 : i32
    %dma_wait3A = arith.constant 0 : i32
    %dma_wait3A_8 = arith.constant 0 : i32
    %dma_wait3A_9 = arith.constant 1 : i32
    %dma_wait3A_10 = arith.constant 0 : i32
    %dma_wait3A_11 = arith.constant 0 : i32
    %dma_wait3A_12 = tpu.memref_slice %arg7[%dma_wait3A, %dma_wait3A_10, %dma_wait3A_11] : memref<2x125x128xf32, #tpu.memory_space<vmem>> -> memref<1x125x128xf32, #tpu.memory_space<vmem>>
    %dma_wait3A_13 = tpu.memref_squeeze %dma_wait3A_12 : memref<1x125x128xf32, #tpu.memory_space<vmem>> -> memref<125x128xf32, #tpu.memory_space<vmem>>
    %dma_wait3A_14 = arith.constant 0 : i32
    %dma_wait3A_15 = arith.constant 0 : i32
    %dma_wait3A_16 = tpu.memref_slice %arg6[%dma_wait3A_8, %dma_wait3A_14, %dma_wait3A_15] : memref<40x2x125xi32, #tpu.memory_space<vmem>> -> memref<1x2x125xi32, #tpu.memory_space<vmem>>
    %dma_wait3A_17 = tpu.memref_squeeze %dma_wait3A_16 : memref<1x2x125xi32, #tpu.memory_space<vmem>> -> memref<2x125xi32, #tpu.memory_space<vmem>>
    %dma_wait3A_18 = arith.constant 0 : i32
    %dma_wait3A_19 = tpu.memref_slice %dma_wait3A_17[%dma_wait3A_9, %dma_wait3A_18] : memref<2x125xi32, #tpu.memory_space<vmem>> -> memref<1x125xi32, #tpu.memory_space<vmem>>
    %dma_wait3A_20 = tpu.memref_squeeze %dma_wait3A_19 : memref<1x125xi32, #tpu.memory_space<vmem>> -> memref<125xi32, #tpu.memory_space<vmem>>
    %dma_wait3A_21 = arith.constant 0 : i32
    %dma_wait3A_22 = arith.constant 0 : i32
    %dma_wait3A_23 = tpu.memref_slice %arg8[%dma_wait3A_21, %dma_wait3A_22] : memref<10112x128xf32, #tpu.memory_space<vmem_shared>> -> memref<10112x128xf32, #tpu.memory_space<vmem_shared>>
    tpu.wait_indirect_dma semaphore(%arg11 : memref<!tpu.dma_semaphore, #tpu.memory_space<semaphore_mem>>) src(%dma_wait3A_13 : memref<125x128xf32, #tpu.memory_space<vmem>>) dst(%dma_wait3A_23 : memref<10112x128xf32, #tpu.memory_space<vmem_shared>>)
    %dma_wait3A_24 = arith.constant 1 : i32
    %dma_wait3A_25 = arith.constant 1 : i32
    %dma_wait3A_26 = arith.constant 1 : i32
    %dma_wait3A_27 = arith.constant 0 : i32
    %dma_wait3A_28 = arith.constant 0 : i32
    %dma_wait3A_29 = tpu.memref_slice %arg7[%dma_wait3A_24, %dma_wait3A_27, %dma_wait3A_28] : memref<2x125x128xf32, #tpu.memory_space<vmem>> -> memref<1x125x128xf32, #tpu.memory_space<vmem>>
    %dma_wait3A_30 = tpu.memref_squeeze %dma_wait3A_29 : memref<1x125x128xf32, #tpu.memory_space<vmem>> -> memref<125x128xf32, #tpu.memory_space<vmem>>
    %dma_wait3A_31 = arith.constant 0 : i32
    %dma_wait3A_32 = arith.constant 0 : i32
    %dma_wait3A_33 = tpu.memref_slice %arg6[%dma_wait3A_25, %dma_wait3A_31, %dma_wait3A_32] : memref<40x2x125xi32, #tpu.memory_space<vmem>> -> memref<1x2x125xi32, #tpu.memory_space<vmem>>
    %dma_wait3A_34 = tpu.memref_squeeze %dma_wait3A_33 : memref<1x2x125xi32, #tpu.memory_space<vmem>> -> memref<2x125xi32, #tpu.memory_space<vmem>>
    %dma_wait3A_35 = arith.constant 0 : i32
    %dma_wait3A_36 = tpu.memref_slice %dma_wait3A_34[%dma_wait3A_26, %dma_wait3A_35] : memref<2x125xi32, #tpu.memory_space<vmem>> -> memref<1x125xi32, #tpu.memory_space<vmem>>
    %dma_wait3A_37 = tpu.memref_squeeze %dma_wait3A_36 : memref<1x125xi32, #tpu.memory_space<vmem>> -> memref<125xi32, #tpu.memory_space<vmem>>
    %dma_wait3A_38 = arith.constant 0 : i32
    %dma_wait3A_39 = arith.constant 0 : i32
    %dma_wait3A_40 = tpu.memref_slice %arg8[%dma_wait3A_38, %dma_wait3A_39] : memref<10112x128xf32, #tpu.memory_space<vmem_shared>> -> memref<10112x128xf32, #tpu.memory_space<vmem_shared>>
    tpu.wait_indirect_dma semaphore(%arg12 : memref<!tpu.dma_semaphore, #tpu.memory_space<semaphore_mem>>) src(%dma_wait3A_30 : memref<125x128xf32, #tpu.memory_space<vmem>>) dst(%dma_wait3A_40 : memref<10112x128xf32, #tpu.memory_space<vmem_shared>>)
    %add3A = arith.constant 40 : i32
    %add3A_41 = arith.addi %mul3A_0, %add3A : i32
    "tpu.region"() ({
      %run_scoped3A = tpu.sem_alloc : memref<!tpu.dma_semaphore, #tpu.memory_space<semaphore_mem>>
      %dma_start3A = arith.constant 0 : i32
      %dma_start3A_85 = arith.constant 0 : i32
      %dma_start3A_86 = arith.constant 0 : i32
      %dma_start3A_87 = tpu.memref_slice %arg3[%arg0, %dma_start3A, %dma_start3A_85, %dma_start3A_86] : memref<2x1280x2x125xi32, #tpu.memory_space<hbm>> -> memref<1x1280x2x125xi32, #tpu.memory_space<hbm>>
      %dma_start3A_88 = tpu.memref_squeeze %dma_start3A_87 : memref<1x1280x2x125xi32, #tpu.memory_space<hbm>> -> memref<1280x2x125xi32, #tpu.memory_space<hbm>>
      %dma_start3A_89 = arith.constant 0 : i32
      %dma_start3A_90 = arith.constant 0 : i32
      %dma_start3A_91 = tpu.memref_slice %dma_start3A_88[%add3A_41, %dma_start3A_89, %dma_start3A_90] : memref<1280x2x125xi32, #tpu.memory_space<hbm>> -> memref<40x2x125xi32, #tpu.memory_space<hbm>>
      %dma_start3A_92 = arith.constant 0 : i32
      %dma_start3A_93 = arith.constant 0 : i32
      %dma_start3A_94 = arith.constant 0 : i32
      %dma_start3A_95 = tpu.memref_slice %arg3[%arg0, %dma_start3A_92, %dma_start3A_93, %dma_start3A_94] : memref<2x1280x2x125xi32, #tpu.memory_space<hbm>> -> memref<1x1280x2x125xi32, #tpu.memory_space<hbm>>
      %dma_start3A_96 = tpu.memref_squeeze %dma_start3A_95 : memref<1x1280x2x125xi32, #tpu.memory_space<hbm>> -> memref<1280x2x125xi32, #tpu.memory_space<hbm>>
      %dma_start3A_97 = arith.constant 0 : i32
      %dma_start3A_98 = arith.constant 0 : i32
      %dma_start3A_99 = tpu.memref_slice %dma_start3A_96[%add3A_41, %dma_start3A_97, %dma_start3A_98] : memref<1280x2x125xi32, #tpu.memory_space<hbm>> -> memref<40x2x125xi32, #tpu.memory_space<hbm>>
      tpu.enqueue_dma source(%dma_start3A_99 : memref<40x2x125xi32, #tpu.memory_space<hbm>>) target(%arg6 : memref<40x2x125xi32, #tpu.memory_space<vmem>>) target_semaphore(%run_scoped3A : memref<!tpu.dma_semaphore, #tpu.memory_space<semaphore_mem>>)
      %dma_wait3A_100 = arith.constant 0 : i32
      %dma_wait3A_101 = arith.constant 0 : i32
      %dma_wait3A_102 = arith.constant 0 : i32
      %dma_wait3A_103 = tpu.memref_slice %arg3[%arg0, %dma_wait3A_100, %dma_wait3A_101, %dma_wait3A_102] : memref<2x1280x2x125xi32, #tpu.memory_space<hbm>> -> memref<1x1280x2x125xi32, #tpu.memory_space<hbm>>
      %dma_wait3A_104 = tpu.memref_squeeze %dma_wait3A_103 : memref<1x1280x2x125xi32, #tpu.memory_space<hbm>> -> memref<1280x2x125xi32, #tpu.memory_space<hbm>>
      %dma_wait3A_105 = arith.constant 0 : i32
      %dma_wait3A_106 = arith.constant 0 : i32
      %dma_wait3A_107 = tpu.memref_slice %dma_wait3A_104[%add3A_41, %dma_wait3A_105, %dma_wait3A_106] : memref<1280x2x125xi32, #tpu.memory_space<hbm>> -> memref<40x2x125xi32, #tpu.memory_space<hbm>>
      %dma_wait3A_108 = arith.constant 0 : i32
      %dma_wait3A_109 = arith.constant 0 : i32
      %dma_wait3A_110 = arith.constant 0 : i32
      %dma_wait3A_111 = tpu.memref_slice %arg3[%arg0, %dma_wait3A_108, %dma_wait3A_109, %dma_wait3A_110] : memref<2x1280x2x125xi32, #tpu.memory_space<hbm>> -> memref<1x1280x2x125xi32, #tpu.memory_space<hbm>>
      %dma_wait3A_112 = tpu.memref_squeeze %dma_wait3A_111 : memref<1x1280x2x125xi32, #tpu.memory_space<hbm>> -> memref<1280x2x125xi32, #tpu.memory_space<hbm>>
      %dma_wait3A_113 = arith.constant 0 : i32
      %dma_wait3A_114 = arith.constant 0 : i32
      %dma_wait3A_115 = tpu.memref_slice %dma_wait3A_112[%add3A_41, %dma_wait3A_113, %dma_wait3A_114] : memref<1280x2x125xi32, #tpu.memory_space<hbm>> -> memref<40x2x125xi32, #tpu.memory_space<hbm>>
      tpu.wait_dma2 semaphore(%run_scoped3A : memref<!tpu.dma_semaphore, #tpu.memory_space<semaphore_mem>>) src(%dma_wait3A_115 : memref<40x2x125xi32, #tpu.memory_space<hbm>>) dst(%arg6 : memref<40x2x125xi32, #tpu.memory_space<vmem>>)
      tpu.yield
    }) : () -> ()
    %scan3A_42 = arith.constant 0 : i32
    %scan3A_43 = arith.constant 0 : i32
    %scan3A_44 = arith.constant 20 : i32
    %scan3A_45 = arith.addi %scan3A_43, %scan3A_44 : i32
    %scan3A_46 = arith.constant 1 : i32
    scf.for %scan3A_85 = %scan3A_43 to %scan3A_45 step %scan3A_46  : i32 {
      %gt3A = arith.constant 0 : i32
      %gt3A_86 = arith.cmpi sgt, %scan3A_85, %gt3A : i32
      %convert_element_type3A = arith.extui %gt3A_86 : i1 to i32
      %cond3A = arith.constant 0 : i32
      %cond3A_87 = arith.cmpi ne, %convert_element_type3A, %cond3A : i32
      scf.if %cond3A_87 {
        %dma_wait3A_199 = arith.constant 0 : i32
        %dma_wait3A_200 = arith.constant 0 : i32
        %dma_wait3A_201 = arith.constant 1 : i32
        %dma_wait3A_202 = arith.constant 0 : i32
        %dma_wait3A_203 = arith.constant 0 : i32
        %dma_wait3A_204 = tpu.memref_slice %arg7[%dma_wait3A_199, %dma_wait3A_202, %dma_wait3A_203] : memref<2x125x128xf32, #tpu.memory_space<vmem>> -> memref<1x125x128xf32, #tpu.memory_space<vmem>>
        %dma_wait3A_205 = tpu.memref_squeeze %dma_wait3A_204 : memref<1x125x128xf32, #tpu.memory_space<vmem>> -> memref<125x128xf32, #tpu.memory_space<vmem>>
        %dma_wait3A_206 = arith.constant 0 : i32
        %dma_wait3A_207 = arith.constant 0 : i32
        %dma_wait3A_208 = tpu.memref_slice %arg6[%dma_wait3A_200, %dma_wait3A_206, %dma_wait3A_207] : memref<40x2x125xi32, #tpu.memory_space<vmem>> -> memref<1x2x125xi32, #tpu.memory_space<vmem>>
        %dma_wait3A_209 = tpu.memref_squeeze %dma_wait3A_208 : memref<1x2x125xi32, #tpu.memory_space<vmem>> -> memref<2x125xi32, #tpu.memory_space<vmem>>
        %dma_wait3A_210 = arith.constant 0 : i32
        %dma_wait3A_211 = tpu.memref_slice %dma_wait3A_209[%dma_wait3A_201, %dma_wait3A_210] : memref<2x125xi32, #tpu.memory_space<vmem>> -> memref<1x125xi32, #tpu.memory_space<vmem>>
        %dma_wait3A_212 = tpu.memref_squeeze %dma_wait3A_211 : memref<1x125xi32, #tpu.memory_space<vmem>> -> memref<125xi32, #tpu.memory_space<vmem>>
        %dma_wait3A_213 = arith.constant 0 : i32
        %dma_wait3A_214 = arith.constant 0 : i32
        %dma_wait3A_215 = tpu.memref_slice %arg8[%dma_wait3A_213, %dma_wait3A_214] : memref<10112x128xf32, #tpu.memory_space<vmem_shared>> -> memref<10112x128xf32, #tpu.memory_space<vmem_shared>>
        tpu.wait_indirect_dma semaphore(%arg11 : memref<!tpu.dma_semaphore, #tpu.memory_space<semaphore_mem>>) src(%dma_wait3A_205 : memref<125x128xf32, #tpu.memory_space<vmem>>) dst(%dma_wait3A_215 : memref<10112x128xf32, #tpu.memory_space<vmem_shared>>)
        %dma_wait3A_216 = arith.constant 1 : i32
        %dma_wait3A_217 = arith.constant 1 : i32
        %dma_wait3A_218 = arith.constant 1 : i32
        %dma_wait3A_219 = arith.constant 0 : i32
        %dma_wait3A_220 = arith.constant 0 : i32
        %dma_wait3A_221 = tpu.memref_slice %arg7[%dma_wait3A_216, %dma_wait3A_219, %dma_wait3A_220] : memref<2x125x128xf32, #tpu.memory_space<vmem>> -> memref<1x125x128xf32, #tpu.memory_space<vmem>>
        %dma_wait3A_222 = tpu.memref_squeeze %dma_wait3A_221 : memref<1x125x128xf32, #tpu.memory_space<vmem>> -> memref<125x128xf32, #tpu.memory_space<vmem>>
        %dma_wait3A_223 = arith.constant 0 : i32
        %dma_wait3A_224 = arith.constant 0 : i32
        %dma_wait3A_225 = tpu.memref_slice %arg6[%dma_wait3A_217, %dma_wait3A_223, %dma_wait3A_224] : memref<40x2x125xi32, #tpu.memory_space<vmem>> -> memref<1x2x125xi32, #tpu.memory_space<vmem>>
        %dma_wait3A_226 = tpu.memref_squeeze %dma_wait3A_225 : memref<1x2x125xi32, #tpu.memory_space<vmem>> -> memref<2x125xi32, #tpu.memory_space<vmem>>
        %dma_wait3A_227 = arith.constant 0 : i32
        %dma_wait3A_228 = tpu.memref_slice %dma_wait3A_226[%dma_wait3A_218, %dma_wait3A_227] : memref<2x125xi32, #tpu.memory_space<vmem>> -> memref<1x125xi32, #tpu.memory_space<vmem>>
        %dma_wait3A_229 = tpu.memref_squeeze %dma_wait3A_228 : memref<1x125xi32, #tpu.memory_space<vmem>> -> memref<125xi32, #tpu.memory_space<vmem>>
        %dma_wait3A_230 = arith.constant 0 : i32
        %dma_wait3A_231 = arith.constant 0 : i32
        %dma_wait3A_232 = tpu.memref_slice %arg8[%dma_wait3A_230, %dma_wait3A_231] : memref<10112x128xf32, #tpu.memory_space<vmem_shared>> -> memref<10112x128xf32, #tpu.memory_space<vmem_shared>>
        tpu.wait_indirect_dma semaphore(%arg12 : memref<!tpu.dma_semaphore, #tpu.memory_space<semaphore_mem>>) src(%dma_wait3A_222 : memref<125x128xf32, #tpu.memory_space<vmem>>) dst(%dma_wait3A_232 : memref<10112x128xf32, #tpu.memory_space<vmem_shared>>)
      } else {
      }
      %mul3A_88 = arith.constant 2 : i32
      %mul3A_89 = arith.muli %mul3A_88, %scan3A_85 : i32
      %add3A_90 = arith.constant 0 : i32
      %add3A_91 = arith.addi %mul3A_89, %add3A_90 : i32
      %dma_start3A = arith.constant 0 : i32
      %dma_start3A_92 = arith.constant 0 : i32
      %dma_start3A_93 = arith.constant 0 : i32
      %dma_start3A_94 = arith.constant 0 : i32
      %dma_start3A_95 = tpu.memref_slice %arg7[%dma_start3A_92, %dma_start3A_93, %dma_start3A_94] : memref<2x125x128xf32, #tpu.memory_space<vmem>> -> memref<1x125x128xf32, #tpu.memory_space<vmem>>
      %dma_start3A_96 = tpu.memref_squeeze %dma_start3A_95 : memref<1x125x128xf32, #tpu.memory_space<vmem>> -> memref<125x128xf32, #tpu.memory_space<vmem>>
      %dma_start3A_97 = arith.constant 0 : i32
      %dma_start3A_98 = arith.constant 0 : i32
      %dma_start3A_99 = tpu.memref_slice %arg6[%add3A_91, %dma_start3A_97, %dma_start3A_98] : memref<40x2x125xi32, #tpu.memory_space<vmem>> -> memref<1x2x125xi32, #tpu.memory_space<vmem>>
      %dma_start3A_100 = tpu.memref_squeeze %dma_start3A_99 : memref<1x2x125xi32, #tpu.memory_space<vmem>> -> memref<2x125xi32, #tpu.memory_space<vmem>>
      %dma_start3A_101 = arith.constant 0 : i32
      %dma_start3A_102 = tpu.memref_slice %dma_start3A_100[%dma_start3A, %dma_start3A_101] : memref<2x125xi32, #tpu.memory_space<vmem>> -> memref<1x125xi32, #tpu.memory_space<vmem>>
      %dma_start3A_103 = tpu.memref_squeeze %dma_start3A_102 : memref<1x125xi32, #tpu.memory_space<vmem>> -> memref<125xi32, #tpu.memory_space<vmem>>
      %dma_start3A_104 = arith.constant 0 : i32
      %dma_start3A_105 = arith.constant 0 : i32
      %dma_start3A_106 = tpu.memref_slice %arg2[%dma_start3A_104, %dma_start3A_105] : memref<20000x128xf32, #tpu.memory_space<hbm>> -> memref<20000x128xf32, #tpu.memory_space<hbm>>
      tpu.enqueue_indirect_dma source(%dma_start3A_106 : memref<20000x128xf32, #tpu.memory_space<hbm>>) target(%dma_start3A_96 : memref<125x128xf32, #tpu.memory_space<vmem>>) offsets(%dma_start3A_103 : memref<125xi32, #tpu.memory_space<vmem>>) semaphore(%arg9 : memref<!tpu.dma_semaphore, #tpu.memory_space<semaphore_mem>>)
      %mul3A_107 = arith.constant 2 : i32
      %mul3A_108 = arith.muli %mul3A_107, %scan3A_85 : i32
      %add3A_109 = arith.constant 1 : i32
      %add3A_110 = arith.addi %mul3A_108, %add3A_109 : i32
      %dma_start3A_111 = arith.constant 0 : i32
      %dma_start3A_112 = arith.constant 1 : i32
      %dma_start3A_113 = arith.constant 0 : i32
      %dma_start3A_114 = arith.constant 0 : i32
      %dma_start3A_115 = tpu.memref_slice %arg7[%dma_start3A_112, %dma_start3A_113, %dma_start3A_114] : memref<2x125x128xf32, #tpu.memory_space<vmem>> -> memref<1x125x128xf32, #tpu.memory_space<vmem>>
      %dma_start3A_116 = tpu.memref_squeeze %dma_start3A_115 : memref<1x125x128xf32, #tpu.memory_space<vmem>> -> memref<125x128xf32, #tpu.memory_space<vmem>>
      %dma_start3A_117 = arith.constant 0 : i32
      %dma_start3A_118 = arith.constant 0 : i32
      %dma_start3A_119 = tpu.memref_slice %arg6[%add3A_110, %dma_start3A_117, %dma_start3A_118] : memref<40x2x125xi32, #tpu.memory_space<vmem>> -> memref<1x2x125xi32, #tpu.memory_space<vmem>>
      %dma_start3A_120 = tpu.memref_squeeze %dma_start3A_119 : memref<1x2x125xi32, #tpu.memory_space<vmem>> -> memref<2x125xi32, #tpu.memory_space<vmem>>
      %dma_start3A_121 = arith.constant 0 : i32
      %dma_start3A_122 = tpu.memref_slice %dma_start3A_120[%dma_start3A_111, %dma_start3A_121] : memref<2x125xi32, #tpu.memory_space<vmem>> -> memref<1x125xi32, #tpu.memory_space<vmem>>
      %dma_start3A_123 = tpu.memref_squeeze %dma_start3A_122 : memref<1x125xi32, #tpu.memory_space<vmem>> -> memref<125xi32, #tpu.memory_space<vmem>>
      %dma_start3A_124 = arith.constant 0 : i32
      %dma_start3A_125 = arith.constant 0 : i32
      %dma_start3A_126 = tpu.memref_slice %arg2[%dma_start3A_124, %dma_start3A_125] : memref<20000x128xf32, #tpu.memory_space<hbm>> -> memref<20000x128xf32, #tpu.memory_space<hbm>>
      tpu.enqueue_indirect_dma source(%dma_start3A_126 : memref<20000x128xf32, #tpu.memory_space<hbm>>) target(%dma_start3A_116 : memref<125x128xf32, #tpu.memory_space<vmem>>) offsets(%dma_start3A_123 : memref<125xi32, #tpu.memory_space<vmem>>) semaphore(%arg10 : memref<!tpu.dma_semaphore, #tpu.memory_space<semaphore_mem>>)
      %dma_wait3A_127 = arith.constant 0 : i32
      %dma_wait3A_128 = arith.constant 0 : i32
      %dma_wait3A_129 = arith.constant 0 : i32
      %dma_wait3A_130 = arith.constant 0 : i32
      %dma_wait3A_131 = tpu.memref_slice %arg7[%dma_wait3A_128, %dma_wait3A_129, %dma_wait3A_130] : memref<2x125x128xf32, #tpu.memory_space<vmem>> -> memref<1x125x128xf32, #tpu.memory_space<vmem>>
      %dma_wait3A_132 = tpu.memref_squeeze %dma_wait3A_131 : memref<1x125x128xf32, #tpu.memory_space<vmem>> -> memref<125x128xf32, #tpu.memory_space<vmem>>
      %dma_wait3A_133 = arith.constant 0 : i32
      %dma_wait3A_134 = arith.constant 0 : i32
      %dma_wait3A_135 = tpu.memref_slice %arg6[%add3A_91, %dma_wait3A_133, %dma_wait3A_134] : memref<40x2x125xi32, #tpu.memory_space<vmem>> -> memref<1x2x125xi32, #tpu.memory_space<vmem>>
      %dma_wait3A_136 = tpu.memref_squeeze %dma_wait3A_135 : memref<1x2x125xi32, #tpu.memory_space<vmem>> -> memref<2x125xi32, #tpu.memory_space<vmem>>
      %dma_wait3A_137 = arith.constant 0 : i32
      %dma_wait3A_138 = tpu.memref_slice %dma_wait3A_136[%dma_wait3A_127, %dma_wait3A_137] : memref<2x125xi32, #tpu.memory_space<vmem>> -> memref<1x125xi32, #tpu.memory_space<vmem>>
      %dma_wait3A_139 = tpu.memref_squeeze %dma_wait3A_138 : memref<1x125xi32, #tpu.memory_space<vmem>> -> memref<125xi32, #tpu.memory_space<vmem>>
      %dma_wait3A_140 = arith.constant 0 : i32
      %dma_wait3A_141 = arith.constant 0 : i32
      %dma_wait3A_142 = tpu.memref_slice %arg2[%dma_wait3A_140, %dma_wait3A_141] : memref<20000x128xf32, #tpu.memory_space<hbm>> -> memref<20000x128xf32, #tpu.memory_space<hbm>>
      tpu.wait_indirect_dma semaphore(%arg9 : memref<!tpu.dma_semaphore, #tpu.memory_space<semaphore_mem>>) src(%dma_wait3A_142 : memref<20000x128xf32, #tpu.memory_space<hbm>>) dst(%dma_wait3A_132 : memref<125x128xf32, #tpu.memory_space<vmem>>)
      %mul3A_143 = arith.constant 2 : i32
      %mul3A_144 = arith.muli %mul3A_143, %scan3A_85 : i32
      %add3A_145 = arith.constant 0 : i32
      %add3A_146 = arith.addi %mul3A_144, %add3A_145 : i32
      %dma_start3A_147 = arith.constant 0 : i32
      %dma_start3A_148 = arith.constant 1 : i32
      %dma_start3A_149 = arith.constant 0 : i32
      %dma_start3A_150 = arith.constant 0 : i32
      %dma_start3A_151 = tpu.memref_slice %arg7[%dma_start3A_147, %dma_start3A_149, %dma_start3A_150] : memref<2x125x128xf32, #tpu.memory_space<vmem>> -> memref<1x125x128xf32, #tpu.memory_space<vmem>>
      %dma_start3A_152 = tpu.memref_squeeze %dma_start3A_151 : memref<1x125x128xf32, #tpu.memory_space<vmem>> -> memref<125x128xf32, #tpu.memory_space<vmem>>
      %dma_start3A_153 = arith.constant 0 : i32
      %dma_start3A_154 = arith.constant 0 : i32
      %dma_start3A_155 = tpu.memref_slice %arg6[%add3A_146, %dma_start3A_153, %dma_start3A_154] : memref<40x2x125xi32, #tpu.memory_space<vmem>> -> memref<1x2x125xi32, #tpu.memory_space<vmem>>
      %dma_start3A_156 = tpu.memref_squeeze %dma_start3A_155 : memref<1x2x125xi32, #tpu.memory_space<vmem>> -> memref<2x125xi32, #tpu.memory_space<vmem>>
      %dma_start3A_157 = arith.constant 0 : i32
      %dma_start3A_158 = tpu.memref_slice %dma_start3A_156[%dma_start3A_148, %dma_start3A_157] : memref<2x125xi32, #tpu.memory_space<vmem>> -> memref<1x125xi32, #tpu.memory_space<vmem>>
      %dma_start3A_159 = tpu.memref_squeeze %dma_start3A_158 : memref<1x125xi32, #tpu.memory_space<vmem>> -> memref<125xi32, #tpu.memory_space<vmem>>
      %dma_start3A_160 = arith.constant 0 : i32
      %dma_start3A_161 = arith.constant 0 : i32
      %dma_start3A_162 = tpu.memref_slice %arg8[%dma_start3A_160, %dma_start3A_161] : memref<10112x128xf32, #tpu.memory_space<vmem_shared>> -> memref<10112x128xf32, #tpu.memory_space<vmem_shared>>
      tpu.enqueue_indirect_dma source(%dma_start3A_152 : memref<125x128xf32, #tpu.memory_space<vmem>>) target(%dma_start3A_162 : memref<10112x128xf32, #tpu.memory_space<vmem_shared>>) offsets(%dma_start3A_159 : memref<125xi32, #tpu.memory_space<vmem>>) semaphore(%arg11 : memref<!tpu.dma_semaphore, #tpu.memory_space<semaphore_mem>>) {add = true}
      %dma_wait3A_163 = arith.constant 0 : i32
      %dma_wait3A_164 = arith.constant 1 : i32
      %dma_wait3A_165 = arith.constant 0 : i32
      %dma_wait3A_166 = arith.constant 0 : i32
      %dma_wait3A_167 = tpu.memref_slice %arg7[%dma_wait3A_164, %dma_wait3A_165, %dma_wait3A_166] : memref<2x125x128xf32, #tpu.memory_space<vmem>> -> memref<1x125x128xf32, #tpu.memory_space<vmem>>
      %dma_wait3A_168 = tpu.memref_squeeze %dma_wait3A_167 : memref<1x125x128xf32, #tpu.memory_space<vmem>> -> memref<125x128xf32, #tpu.memory_space<vmem>>
      %dma_wait3A_169 = arith.constant 0 : i32
      %dma_wait3A_170 = arith.constant 0 : i32
      %dma_wait3A_171 = tpu.memref_slice %arg6[%add3A_110, %dma_wait3A_169, %dma_wait3A_170] : memref<40x2x125xi32, #tpu.memory_space<vmem>> -> memref<1x2x125xi32, #tpu.memory_space<vmem>>
      %dma_wait3A_172 = tpu.memref_squeeze %dma_wait3A_171 : memref<1x2x125xi32, #tpu.memory_space<vmem>> -> memref<2x125xi32, #tpu.memory_space<vmem>>
      %dma_wait3A_173 = arith.constant 0 : i32
      %dma_wait3A_174 = tpu.memref_slice %dma_wait3A_172[%dma_wait3A_163, %dma_wait3A_173] : memref<2x125xi32, #tpu.memory_space<vmem>> -> memref<1x125xi32, #tpu.memory_space<vmem>>
      %dma_wait3A_175 = tpu.memref_squeeze %dma_wait3A_174 : memref<1x125xi32, #tpu.memory_space<vmem>> -> memref<125xi32, #tpu.memory_space<vmem>>
      %dma_wait3A_176 = arith.constant 0 : i32
      %dma_wait3A_177 = arith.constant 0 : i32
      %dma_wait3A_178 = tpu.memref_slice %arg2[%dma_wait3A_176, %dma_wait3A_177] : memref<20000x128xf32, #tpu.memory_space<hbm>> -> memref<20000x128xf32, #tpu.memory_space<hbm>>
      tpu.wait_indirect_dma semaphore(%arg10 : memref<!tpu.dma_semaphore, #tpu.memory_space<semaphore_mem>>) src(%dma_wait3A_178 : memref<20000x128xf32, #tpu.memory_space<hbm>>) dst(%dma_wait3A_168 : memref<125x128xf32, #tpu.memory_space<vmem>>)
      %mul3A_179 = arith.constant 2 : i32
      %mul3A_180 = arith.muli %mul3A_179, %scan3A_85 : i32
      %add3A_181 = arith.constant 1 : i32
      %add3A_182 = arith.addi %mul3A_180, %add3A_181 : i32
      %dma_start3A_183 = arith.constant 1 : i32
      %dma_start3A_184 = arith.constant 1 : i32
      %dma_start3A_185 = arith.constant 0 : i32
      %dma_start3A_186 = arith.constant 0 : i32
      %dma_start3A_187 = tpu.memref_slice %arg7[%dma_start3A_183, %dma_start3A_185, %dma_start3A_186] : memref<2x125x128xf32, #tpu.memory_space<vmem>> -> memref<1x125x128xf32, #tpu.memory_space<vmem>>
      %dma_start3A_188 = tpu.memref_squeeze %dma_start3A_187 : memref<1x125x128xf32, #tpu.memory_space<vmem>> -> memref<125x128xf32, #tpu.memory_space<vmem>>
      %dma_start3A_189 = arith.constant 0 : i32
      %dma_start3A_190 = arith.constant 0 : i32
      %dma_start3A_191 = tpu.memref_slice %arg6[%add3A_182, %dma_start3A_189, %dma_start3A_190] : memref<40x2x125xi32, #tpu.memory_space<vmem>> -> memref<1x2x125xi32, #tpu.memory_space<vmem>>
      %dma_start3A_192 = tpu.memref_squeeze %dma_start3A_191 : memref<1x2x125xi32, #tpu.memory_space<vmem>> -> memref<2x125xi32, #tpu.memory_space<vmem>>
      %dma_start3A_193 = arith.constant 0 : i32
      %dma_start3A_194 = tpu.memref_slice %dma_start3A_192[%dma_start3A_184, %dma_start3A_193] : memref<2x125xi32, #tpu.memory_space<vmem>> -> memref<1x125xi32, #tpu.memory_space<vmem>>
      %dma_start3A_195 = tpu.memref_squeeze %dma_start3A_194 : memref<1x125xi32, #tpu.memory_space<vmem>> -> memref<125xi32, #tpu.memory_space<vmem>>
      %dma_start3A_196 = arith.constant 0 : i32
      %dma_start3A_197 = arith.constant 0 : i32
      %dma_start3A_198 = tpu.memref_slice %arg8[%dma_start3A_196, %dma_start3A_197] : memref<10112x128xf32, #tpu.memory_space<vmem_shared>> -> memref<10112x128xf32, #tpu.memory_space<vmem_shared>>
      tpu.enqueue_indirect_dma source(%dma_start3A_188 : memref<125x128xf32, #tpu.memory_space<vmem>>) target(%dma_start3A_198 : memref<10112x128xf32, #tpu.memory_space<vmem_shared>>) offsets(%dma_start3A_195 : memref<125xi32, #tpu.memory_space<vmem>>) semaphore(%arg12 : memref<!tpu.dma_semaphore, #tpu.memory_space<semaphore_mem>>) {add = true}
    }
    %scan3A_47 = arith.constant 20 : i32
    %dma_wait3A_48 = arith.constant 0 : i32
    %dma_wait3A_49 = arith.constant 0 : i32
    %dma_wait3A_50 = arith.constant 1 : i32
    %dma_wait3A_51 = arith.constant 0 : i32
    %dma_wait3A_52 = arith.constant 0 : i32
    %dma_wait3A_53 = tpu.memref_slice %arg7[%dma_wait3A_48, %dma_wait3A_51, %dma_wait3A_52] : memref<2x125x128xf32, #tpu.memory_space<vmem>> -> memref<1x125x128xf32, #tpu.memory_space<vmem>>
    %dma_wait3A_54 = tpu.memref_squeeze %dma_wait3A_53 : memref<1x125x128xf32, #tpu.memory_space<vmem>> -> memref<125x128xf32, #tpu.memory_space<vmem>>
    %dma_wait3A_55 = arith.constant 0 : i32
    %dma_wait3A_56 = arith.constant 0 : i32
    %dma_wait3A_57 = tpu.memref_slice %arg6[%dma_wait3A_49, %dma_wait3A_55, %dma_wait3A_56] : memref<40x2x125xi32, #tpu.memory_space<vmem>> -> memref<1x2x125xi32, #tpu.memory_space<vmem>>
    %dma_wait3A_58 = tpu.memref_squeeze %dma_wait3A_57 : memref<1x2x125xi32, #tpu.memory_space<vmem>> -> memref<2x125xi32, #tpu.memory_space<vmem>>
    %dma_wait3A_59 = arith.constant 0 : i32
    %dma_wait3A_60 = tpu.memref_slice %dma_wait3A_58[%dma_wait3A_50, %dma_wait3A_59] : memref<2x125xi32, #tpu.memory_space<vmem>> -> memref<1x125xi32, #tpu.memory_space<vmem>>
    %dma_wait3A_61 = tpu.memref_squeeze %dma_wait3A_60 : memref<1x125xi32, #tpu.memory_space<vmem>> -> memref<125xi32, #tpu.memory_space<vmem>>
    %dma_wait3A_62 = arith.constant 0 : i32
    %dma_wait3A_63 = arith.constant 0 : i32
    %dma_wait3A_64 = tpu.memref_slice %arg8[%dma_wait3A_62, %dma_wait3A_63] : memref<10112x128xf32, #tpu.memory_space<vmem_shared>> -> memref<10112x128xf32, #tpu.memory_space<vmem_shared>>
    tpu.wait_indirect_dma semaphore(%arg11 : memref<!tpu.dma_semaphore, #tpu.memory_space<semaphore_mem>>) src(%dma_wait3A_54 : memref<125x128xf32, #tpu.memory_space<vmem>>) dst(%dma_wait3A_64 : memref<10112x128xf32, #tpu.memory_space<vmem_shared>>)
    %dma_wait3A_65 = arith.constant 1 : i32
    %dma_wait3A_66 = arith.constant 1 : i32
    %dma_wait3A_67 = arith.constant 1 : i32
    %dma_wait3A_68 = arith.constant 0 : i32
    %dma_wait3A_69 = arith.constant 0 : i32
    %dma_wait3A_70 = tpu.memref_slice %arg7[%dma_wait3A_65, %dma_wait3A_68, %dma_wait3A_69] : memref<2x125x128xf32, #tpu.memory_space<vmem>> -> memref<1x125x128xf32, #tpu.memory_space<vmem>>
    %dma_wait3A_71 = tpu.memref_squeeze %dma_wait3A_70 : memref<1x125x128xf32, #tpu.memory_space<vmem>> -> memref<125x128xf32, #tpu.memory_space<vmem>>
    %dma_wait3A_72 = arith.constant 0 : i32
    %dma_wait3A_73 = arith.constant 0 : i32
    %dma_wait3A_74 = tpu.memref_slice %arg6[%dma_wait3A_66, %dma_wait3A_72, %dma_wait3A_73] : memref<40x2x125xi32, #tpu.memory_space<vmem>> -> memref<1x2x125xi32, #tpu.memory_space<vmem>>
    %dma_wait3A_75 = tpu.memref_squeeze %dma_wait3A_74 : memref<1x2x125xi32, #tpu.memory_space<vmem>> -> memref<2x125xi32, #tpu.memory_space<vmem>>
    %dma_wait3A_76 = arith.constant 0 : i32
    %dma_wait3A_77 = tpu.memref_slice %dma_wait3A_75[%dma_wait3A_67, %dma_wait3A_76] : memref<2x125xi32, #tpu.memory_space<vmem>> -> memref<1x125xi32, #tpu.memory_space<vmem>>
    %dma_wait3A_78 = tpu.memref_squeeze %dma_wait3A_77 : memref<1x125xi32, #tpu.memory_space<vmem>> -> memref<125xi32, #tpu.memory_space<vmem>>
    %dma_wait3A_79 = arith.constant 0 : i32
    %dma_wait3A_80 = arith.constant 0 : i32
    %dma_wait3A_81 = tpu.memref_slice %arg8[%dma_wait3A_79, %dma_wait3A_80] : memref<10112x128xf32, #tpu.memory_space<vmem_shared>> -> memref<10112x128xf32, #tpu.memory_space<vmem_shared>>
    tpu.wait_indirect_dma semaphore(%arg12 : memref<!tpu.dma_semaphore, #tpu.memory_space<semaphore_mem>>) src(%dma_wait3A_71 : memref<125x128xf32, #tpu.memory_space<vmem>>) dst(%dma_wait3A_81 : memref<10112x128xf32, #tpu.memory_space<vmem_shared>>)
    %barrier3A_82 = arith.constant 0 : index
    tpu.barrier barrier_id(%barrier3A_82)
    %mul3A_83 = arith.constant 632 : i32
    %mul3A_84 = arith.muli %arg1, %mul3A_83 : i32
    "tpu.region"() ({
      %run_scoped3A = tpu.sem_alloc : memref<!tpu.dma_semaphore, #tpu.memory_space<semaphore_mem>>
      %dma_start3A = arith.constant 0 : i32
      %dma_start3A_85 = arith.constant 0 : i32
      %dma_start3A_86 = tpu.memref_slice %arg5[%arg0, %dma_start3A, %dma_start3A_85] : memref<2x10112x128xf32, #tpu.memory_space<hbm>> -> memref<1x10112x128xf32, #tpu.memory_space<hbm>>
      %dma_start3A_87 = tpu.memref_squeeze %dma_start3A_86 : memref<1x10112x128xf32, #tpu.memory_space<hbm>> -> memref<10112x128xf32, #tpu.memory_space<hbm>>
      %dma_start3A_88 = arith.constant 0 : i32
      %dma_start3A_89 = tpu.memref_slice %dma_start3A_87[%mul3A_84, %dma_start3A_88] : memref<10112x128xf32, #tpu.memory_space<hbm>> -> memref<632x128xf32, #tpu.memory_space<hbm>>
      %dma_start3A_90 = arith.constant 0 : i32
      %dma_start3A_91 = tpu.memref_slice %arg8[%mul3A_84, %dma_start3A_90] : memref<10112x128xf32, #tpu.memory_space<vmem_shared>> -> memref<632x128xf32, #tpu.memory_space<vmem_shared>>
      tpu.enqueue_dma source(%dma_start3A_91 : memref<632x128xf32, #tpu.memory_space<vmem_shared>>) target(%dma_start3A_89 : memref<632x128xf32, #tpu.memory_space<hbm>>) target_semaphore(%run_scoped3A : memref<!tpu.dma_semaphore, #tpu.memory_space<semaphore_mem>>)
      %dma_wait3A_92 = arith.constant 0 : i32
      %dma_wait3A_93 = arith.constant 0 : i32
      %dma_wait3A_94 = tpu.memref_slice %arg5[%arg0, %dma_wait3A_92, %dma_wait3A_93] : memref<2x10112x128xf32, #tpu.memory_space<hbm>> -> memref<1x10112x128xf32, #tpu.memory_space<hbm>>
      %dma_wait3A_95 = tpu.memref_squeeze %dma_wait3A_94 : memref<1x10112x128xf32, #tpu.memory_space<hbm>> -> memref<10112x128xf32, #tpu.memory_space<hbm>>
      %dma_wait3A_96 = arith.constant 0 : i32
      %dma_wait3A_97 = tpu.memref_slice %dma_wait3A_95[%mul3A_84, %dma_wait3A_96] : memref<10112x128xf32, #tpu.memory_space<hbm>> -> memref<632x128xf32, #tpu.memory_space<hbm>>
      %dma_wait3A_98 = arith.constant 0 : i32
      %dma_wait3A_99 = tpu.memref_slice %arg8[%mul3A_84, %dma_wait3A_98] : memref<10112x128xf32, #tpu.memory_space<vmem_shared>> -> memref<632x128xf32, #tpu.memory_space<vmem_shared>>
      tpu.wait_dma2 semaphore(%run_scoped3A : memref<!tpu.dma_semaphore, #tpu.memory_space<semaphore_mem>>) src(%dma_wait3A_99 : memref<632x128xf32, #tpu.memory_space<vmem_shared>>) dst(%dma_wait3A_97 : memref<632x128xf32, #tpu.memory_space<hbm>>)
      tpu.yield
    }) : () -> ()
    return
  }
}

#map = affine_map<(d0, d1) -> (0, 0)>
#map1 = affine_map<(d0, d1) -> (0, 0, 0, 0)>
#map2 = affine_map<(d0, d1) -> (0, 0, 0)>
module attributes {stable_mosaic.version = 14 : i64} {
  func.func @_sc_agg_body(%arg0: i32, %arg1: i32, %arg2: memref<20000x128xf32, #tpu.memory_space<hbm>>, %arg3: memref<2x1280x2x125xi32, #tpu.memory_space<hbm>>, %arg4: memref<632x128xf32, #tpu.memory_space<hbm>>, %arg5: memref<2x10112x128xf32, #tpu.memory_space<hbm>>, %arg6: memref<40x2x125xi32, #tpu.memory_space<vmem>>, %arg7: memref<2x125x128xf32, #tpu.memory_space<vmem>>, %arg8: memref<10112x128xf32, #tpu.memory_space<vmem_shared>>, %arg9: memref<!tpu.dma_semaphore, #tpu.memory_space<semaphore_mem>>, %arg10: memref<!tpu.dma_semaphore, #tpu.memory_space<semaphore_mem>>, %arg11: memref<!tpu.dma_semaphore, #tpu.memory_space<semaphore_mem>>, %arg12: memref<!tpu.dma_semaphore, #tpu.memory_space<semaphore_mem>>) attributes {dimension_semantics = [#tpu.dimension_semantics<core_parallel>, #tpu.dimension_semantics<subcore_parallel>], iteration_bounds = array<i64: 2, 16>, scalar_prefetch = 0 : i64, scratch_operands = 7 : i64, tpu.core_type = #tpu.core_type<sc_vector_subcore>, window_params = [{transform_indices = #map}, {transform_indices = #map1}, {transform_indices = #map}, {transform_indices = #map2}]} {
    %mul3A = arith.constant 80 : i32
    %mul3A_0 = arith.muli %arg1, %mul3A : i32
    %mul3A_1 = arith.constant 632 : i32
    %mul3A_2 = arith.muli %arg1, %mul3A_1 : i32
    "tpu.region"() ({
      %run_scoped3A = tpu.sem_alloc : memref<!tpu.dma_semaphore, #tpu.memory_space<semaphore_mem>>
      %dma_start3A = arith.constant 0 : i32
      %dma_start3A_85 = tpu.memref_slice %arg8[%mul3A_2, %dma_start3A] : memref<10112x128xf32, #tpu.memory_space<vmem_shared>> -> memref<632x128xf32, #tpu.memory_space<vmem_shared>>
      tpu.enqueue_dma source(%arg4 : memref<632x128xf32, #tpu.memory_space<hbm>>) target(%dma_start3A_85 : memref<632x128xf32, #tpu.memory_space<vmem_shared>>) target_semaphore(%run_scoped3A : memref<!tpu.dma_semaphore, #tpu.memory_space<semaphore_mem>>)
      %dma_wait3A_86 = arith.constant 0 : i32
      %dma_wait3A_87 = tpu.memref_slice %arg8[%mul3A_2, %dma_wait3A_86] : memref<10112x128xf32, #tpu.memory_space<vmem_shared>> -> memref<632x128xf32, #tpu.memory_space<vmem_shared>>
      tpu.wait_dma2 semaphore(%run_scoped3A : memref<!tpu.dma_semaphore, #tpu.memory_space<semaphore_mem>>) src(%arg4 : memref<632x128xf32, #tpu.memory_space<hbm>>) dst(%dma_wait3A_87 : memref<632x128xf32, #tpu.memory_space<vmem_shared>>)
      tpu.yield
    }) : () -> ()
    "tpu.region"() ({
      %run_scoped3A = tpu.sem_alloc : memref<!tpu.dma_semaphore, #tpu.memory_space<semaphore_mem>>
      %dma_start3A = arith.constant 0 : i32
      %dma_start3A_85 = arith.constant 0 : i32
      %dma_start3A_86 = arith.constant 0 : i32
      %dma_start3A_87 = tpu.memref_slice %arg3[%arg0, %dma_start3A, %dma_start3A_85, %dma_start3A_86] : memref<2x1280x2x125xi32, #tpu.memory_space<hbm>> -> memref<1x1280x2x125xi32, #tpu.memory_space<hbm>>
      %dma_start3A_88 = tpu.memref_squeeze %dma_start3A_87 : memref<1x1280x2x125xi32, #tpu.memory_space<hbm>> -> memref<1280x2x125xi32, #tpu.memory_space<hbm>>
      %dma_start3A_89 = arith.constant 0 : i32
      %dma_start3A_90 = arith.constant 0 : i32
      %dma_start3A_91 = tpu.memref_slice %dma_start3A_88[%mul3A_0, %dma_start3A_89, %dma_start3A_90] : memref<1280x2x125xi32, #tpu.memory_space<hbm>> -> memref<40x2x125xi32, #tpu.memory_space<hbm>>
      %dma_start3A_92 = arith.constant 0 : i32
      %dma_start3A_93 = arith.constant 0 : i32
      %dma_start3A_94 = arith.constant 0 : i32
      %dma_start3A_95 = tpu.memref_slice %arg3[%arg0, %dma_start3A_92, %dma_start3A_93, %dma_start3A_94] : memref<2x1280x2x125xi32, #tpu.memory_space<hbm>> -> memref<1x1280x2x125xi32, #tpu.memory_space<hbm>>
      %dma_start3A_96 = tpu.memref_squeeze %dma_start3A_95 : memref<1x1280x2x125xi32, #tpu.memory_space<hbm>> -> memref<1280x2x125xi32, #tpu.memory_space<hbm>>
      %dma_start3A_97 = arith.constant 0 : i32
      %dma_start3A_98 = arith.constant 0 : i32
      %dma_start3A_99 = tpu.memref_slice %dma_start3A_96[%mul3A_0, %dma_start3A_97, %dma_start3A_98] : memref<1280x2x125xi32, #tpu.memory_space<hbm>> -> memref<40x2x125xi32, #tpu.memory_space<hbm>>
      tpu.enqueue_dma source(%dma_start3A_99 : memref<40x2x125xi32, #tpu.memory_space<hbm>>) target(%arg6 : memref<40x2x125xi32, #tpu.memory_space<vmem>>) target_semaphore(%run_scoped3A : memref<!tpu.dma_semaphore, #tpu.memory_space<semaphore_mem>>)
      %dma_wait3A_100 = arith.constant 0 : i32
      %dma_wait3A_101 = arith.constant 0 : i32
      %dma_wait3A_102 = arith.constant 0 : i32
      %dma_wait3A_103 = tpu.memref_slice %arg3[%arg0, %dma_wait3A_100, %dma_wait3A_101, %dma_wait3A_102] : memref<2x1280x2x125xi32, #tpu.memory_space<hbm>> -> memref<1x1280x2x125xi32, #tpu.memory_space<hbm>>
      %dma_wait3A_104 = tpu.memref_squeeze %dma_wait3A_103 : memref<1x1280x2x125xi32, #tpu.memory_space<hbm>> -> memref<1280x2x125xi32, #tpu.memory_space<hbm>>
      %dma_wait3A_105 = arith.constant 0 : i32
      %dma_wait3A_106 = arith.constant 0 : i32
      %dma_wait3A_107 = tpu.memref_slice %dma_wait3A_104[%mul3A_0, %dma_wait3A_105, %dma_wait3A_106] : memref<1280x2x125xi32, #tpu.memory_space<hbm>> -> memref<40x2x125xi32, #tpu.memory_space<hbm>>
      %dma_wait3A_108 = arith.constant 0 : i32
      %dma_wait3A_109 = arith.constant 0 : i32
      %dma_wait3A_110 = arith.constant 0 : i32
      %dma_wait3A_111 = tpu.memref_slice %arg3[%arg0, %dma_wait3A_108, %dma_wait3A_109, %dma_wait3A_110] : memref<2x1280x2x125xi32, #tpu.memory_space<hbm>> -> memref<1x1280x2x125xi32, #tpu.memory_space<hbm>>
      %dma_wait3A_112 = tpu.memref_squeeze %dma_wait3A_111 : memref<1x1280x2x125xi32, #tpu.memory_space<hbm>> -> memref<1280x2x125xi32, #tpu.memory_space<hbm>>
      %dma_wait3A_113 = arith.constant 0 : i32
      %dma_wait3A_114 = arith.constant 0 : i32
      %dma_wait3A_115 = tpu.memref_slice %dma_wait3A_112[%mul3A_0, %dma_wait3A_113, %dma_wait3A_114] : memref<1280x2x125xi32, #tpu.memory_space<hbm>> -> memref<40x2x125xi32, #tpu.memory_space<hbm>>
      tpu.wait_dma2 semaphore(%run_scoped3A : memref<!tpu.dma_semaphore, #tpu.memory_space<semaphore_mem>>) src(%dma_wait3A_115 : memref<40x2x125xi32, #tpu.memory_space<hbm>>) dst(%arg6 : memref<40x2x125xi32, #tpu.memory_space<vmem>>)
      tpu.yield
    }) : () -> ()
    %barrier3A = arith.constant 0 : index
    tpu.barrier barrier_id(%barrier3A)
    %scan3A = arith.constant 0 : i32
    %scan3A_3 = arith.constant 0 : i32
    %scan3A_4 = arith.constant 20 : i32
    %scan3A_5 = arith.addi %scan3A_3, %scan3A_4 : i32
    %scan3A_6 = arith.constant 1 : i32
    scf.for %scan3A_85 = %scan3A_3 to %scan3A_5 step %scan3A_6  : i32 {
      %gt3A = arith.constant 0 : i32
      %gt3A_86 = arith.cmpi sgt, %scan3A_85, %gt3A : i32
      %convert_element_type3A = arith.extui %gt3A_86 : i1 to i32
      %cond3A = arith.constant 0 : i32
      %cond3A_87 = arith.cmpi ne, %convert_element_type3A, %cond3A : i32
      scf.if %cond3A_87 {
        %dma_wait3A_199 = arith.constant 0 : i32
        %dma_wait3A_200 = arith.constant 0 : i32
        %dma_wait3A_201 = arith.constant 1 : i32
        %dma_wait3A_202 = arith.constant 0 : i32
        %dma_wait3A_203 = arith.constant 0 : i32
        %dma_wait3A_204 = tpu.memref_slice %arg7[%dma_wait3A_199, %dma_wait3A_202, %dma_wait3A_203] : memref<2x125x128xf32, #tpu.memory_space<vmem>> -> memref<1x125x128xf32, #tpu.memory_space<vmem>>
        %dma_wait3A_205 = tpu.memref_squeeze %dma_wait3A_204 : memref<1x125x128xf32, #tpu.memory_space<vmem>> -> memref<125x128xf32, #tpu.memory_space<vmem>>
        %dma_wait3A_206 = arith.constant 0 : i32
        %dma_wait3A_207 = arith.constant 0 : i32
        %dma_wait3A_208 = tpu.memref_slice %arg6[%dma_wait3A_200, %dma_wait3A_206, %dma_wait3A_207] : memref<40x2x125xi32, #tpu.memory_space<vmem>> -> memref<1x2x125xi32, #tpu.memory_space<vmem>>
        %dma_wait3A_209 = tpu.memref_squeeze %dma_wait3A_208 : memref<1x2x125xi32, #tpu.memory_space<vmem>> -> memref<2x125xi32, #tpu.memory_space<vmem>>
        %dma_wait3A_210 = arith.constant 0 : i32
        %dma_wait3A_211 = tpu.memref_slice %dma_wait3A_209[%dma_wait3A_201, %dma_wait3A_210] : memref<2x125xi32, #tpu.memory_space<vmem>> -> memref<1x125xi32, #tpu.memory_space<vmem>>
        %dma_wait3A_212 = tpu.memref_squeeze %dma_wait3A_211 : memref<1x125xi32, #tpu.memory_space<vmem>> -> memref<125xi32, #tpu.memory_space<vmem>>
        %dma_wait3A_213 = arith.constant 0 : i32
        %dma_wait3A_214 = arith.constant 0 : i32
        %dma_wait3A_215 = tpu.memref_slice %arg8[%dma_wait3A_213, %dma_wait3A_214] : memref<10112x128xf32, #tpu.memory_space<vmem_shared>> -> memref<10112x128xf32, #tpu.memory_space<vmem_shared>>
        tpu.wait_indirect_dma semaphore(%arg11 : memref<!tpu.dma_semaphore, #tpu.memory_space<semaphore_mem>>) src(%dma_wait3A_205 : memref<125x128xf32, #tpu.memory_space<vmem>>) dst(%dma_wait3A_215 : memref<10112x128xf32, #tpu.memory_space<vmem_shared>>)
        %dma_wait3A_216 = arith.constant 1 : i32
        %dma_wait3A_217 = arith.constant 1 : i32
        %dma_wait3A_218 = arith.constant 1 : i32
        %dma_wait3A_219 = arith.constant 0 : i32
        %dma_wait3A_220 = arith.constant 0 : i32
        %dma_wait3A_221 = tpu.memref_slice %arg7[%dma_wait3A_216, %dma_wait3A_219, %dma_wait3A_220] : memref<2x125x128xf32, #tpu.memory_space<vmem>> -> memref<1x125x128xf32, #tpu.memory_space<vmem>>
        %dma_wait3A_222 = tpu.memref_squeeze %dma_wait3A_221 : memref<1x125x128xf32, #tpu.memory_space<vmem>> -> memref<125x128xf32, #tpu.memory_space<vmem>>
        %dma_wait3A_223 = arith.constant 0 : i32
        %dma_wait3A_224 = arith.constant 0 : i32
        %dma_wait3A_225 = tpu.memref_slice %arg6[%dma_wait3A_217, %dma_wait3A_223, %dma_wait3A_224] : memref<40x2x125xi32, #tpu.memory_space<vmem>> -> memref<1x2x125xi32, #tpu.memory_space<vmem>>
        %dma_wait3A_226 = tpu.memref_squeeze %dma_wait3A_225 : memref<1x2x125xi32, #tpu.memory_space<vmem>> -> memref<2x125xi32, #tpu.memory_space<vmem>>
        %dma_wait3A_227 = arith.constant 0 : i32
        %dma_wait3A_228 = tpu.memref_slice %dma_wait3A_226[%dma_wait3A_218, %dma_wait3A_227] : memref<2x125xi32, #tpu.memory_space<vmem>> -> memref<1x125xi32, #tpu.memory_space<vmem>>
        %dma_wait3A_229 = tpu.memref_squeeze %dma_wait3A_228 : memref<1x125xi32, #tpu.memory_space<vmem>> -> memref<125xi32, #tpu.memory_space<vmem>>
        %dma_wait3A_230 = arith.constant 0 : i32
        %dma_wait3A_231 = arith.constant 0 : i32
        %dma_wait3A_232 = tpu.memref_slice %arg8[%dma_wait3A_230, %dma_wait3A_231] : memref<10112x128xf32, #tpu.memory_space<vmem_shared>> -> memref<10112x128xf32, #tpu.memory_space<vmem_shared>>
        tpu.wait_indirect_dma semaphore(%arg12 : memref<!tpu.dma_semaphore, #tpu.memory_space<semaphore_mem>>) src(%dma_wait3A_222 : memref<125x128xf32, #tpu.memory_space<vmem>>) dst(%dma_wait3A_232 : memref<10112x128xf32, #tpu.memory_space<vmem_shared>>)
      } else {
      }
      %mul3A_88 = arith.constant 2 : i32
      %mul3A_89 = arith.muli %mul3A_88, %scan3A_85 : i32
      %add3A_90 = arith.constant 0 : i32
      %add3A_91 = arith.addi %mul3A_89, %add3A_90 : i32
      %dma_start3A = arith.constant 0 : i32
      %dma_start3A_92 = arith.constant 0 : i32
      %dma_start3A_93 = arith.constant 0 : i32
      %dma_start3A_94 = arith.constant 0 : i32
      %dma_start3A_95 = tpu.memref_slice %arg7[%dma_start3A_92, %dma_start3A_93, %dma_start3A_94] : memref<2x125x128xf32, #tpu.memory_space<vmem>> -> memref<1x125x128xf32, #tpu.memory_space<vmem>>
      %dma_start3A_96 = tpu.memref_squeeze %dma_start3A_95 : memref<1x125x128xf32, #tpu.memory_space<vmem>> -> memref<125x128xf32, #tpu.memory_space<vmem>>
      %dma_start3A_97 = arith.constant 0 : i32
      %dma_start3A_98 = arith.constant 0 : i32
      %dma_start3A_99 = tpu.memref_slice %arg6[%add3A_91, %dma_start3A_97, %dma_start3A_98] : memref<40x2x125xi32, #tpu.memory_space<vmem>> -> memref<1x2x125xi32, #tpu.memory_space<vmem>>
      %dma_start3A_100 = tpu.memref_squeeze %dma_start3A_99 : memref<1x2x125xi32, #tpu.memory_space<vmem>> -> memref<2x125xi32, #tpu.memory_space<vmem>>
      %dma_start3A_101 = arith.constant 0 : i32
      %dma_start3A_102 = tpu.memref_slice %dma_start3A_100[%dma_start3A, %dma_start3A_101] : memref<2x125xi32, #tpu.memory_space<vmem>> -> memref<1x125xi32, #tpu.memory_space<vmem>>
      %dma_start3A_103 = tpu.memref_squeeze %dma_start3A_102 : memref<1x125xi32, #tpu.memory_space<vmem>> -> memref<125xi32, #tpu.memory_space<vmem>>
      %dma_start3A_104 = arith.constant 0 : i32
      %dma_start3A_105 = arith.constant 0 : i32
      %dma_start3A_106 = tpu.memref_slice %arg2[%dma_start3A_104, %dma_start3A_105] : memref<20000x128xf32, #tpu.memory_space<hbm>> -> memref<20000x128xf32, #tpu.memory_space<hbm>>
      tpu.enqueue_indirect_dma source(%dma_start3A_106 : memref<20000x128xf32, #tpu.memory_space<hbm>>) target(%dma_start3A_96 : memref<125x128xf32, #tpu.memory_space<vmem>>) offsets(%dma_start3A_103 : memref<125xi32, #tpu.memory_space<vmem>>) semaphore(%arg9 : memref<!tpu.dma_semaphore, #tpu.memory_space<semaphore_mem>>)
      %mul3A_107 = arith.constant 2 : i32
      %mul3A_108 = arith.muli %mul3A_107, %scan3A_85 : i32
      %add3A_109 = arith.constant 1 : i32
      %add3A_110 = arith.addi %mul3A_108, %add3A_109 : i32
      %dma_start3A_111 = arith.constant 0 : i32
      %dma_start3A_112 = arith.constant 1 : i32
      %dma_start3A_113 = arith.constant 0 : i32
      %dma_start3A_114 = arith.constant 0 : i32
      %dma_start3A_115 = tpu.memref_slice %arg7[%dma_start3A_112, %dma_start3A_113, %dma_start3A_114] : memref<2x125x128xf32, #tpu.memory_space<vmem>> -> memref<1x125x128xf32, #tpu.memory_space<vmem>>
      %dma_start3A_116 = tpu.memref_squeeze %dma_start3A_115 : memref<1x125x128xf32, #tpu.memory_space<vmem>> -> memref<125x128xf32, #tpu.memory_space<vmem>>
      %dma_start3A_117 = arith.constant 0 : i32
      %dma_start3A_118 = arith.constant 0 : i32
      %dma_start3A_119 = tpu.memref_slice %arg6[%add3A_110, %dma_start3A_117, %dma_start3A_118] : memref<40x2x125xi32, #tpu.memory_space<vmem>> -> memref<1x2x125xi32, #tpu.memory_space<vmem>>
      %dma_start3A_120 = tpu.memref_squeeze %dma_start3A_119 : memref<1x2x125xi32, #tpu.memory_space<vmem>> -> memref<2x125xi32, #tpu.memory_space<vmem>>
      %dma_start3A_121 = arith.constant 0 : i32
      %dma_start3A_122 = tpu.memref_slice %dma_start3A_120[%dma_start3A_111, %dma_start3A_121] : memref<2x125xi32, #tpu.memory_space<vmem>> -> memref<1x125xi32, #tpu.memory_space<vmem>>
      %dma_start3A_123 = tpu.memref_squeeze %dma_start3A_122 : memref<1x125xi32, #tpu.memory_space<vmem>> -> memref<125xi32, #tpu.memory_space<vmem>>
      %dma_start3A_124 = arith.constant 0 : i32
      %dma_start3A_125 = arith.constant 0 : i32
      %dma_start3A_126 = tpu.memref_slice %arg2[%dma_start3A_124, %dma_start3A_125] : memref<20000x128xf32, #tpu.memory_space<hbm>> -> memref<20000x128xf32, #tpu.memory_space<hbm>>
      tpu.enqueue_indirect_dma source(%dma_start3A_126 : memref<20000x128xf32, #tpu.memory_space<hbm>>) target(%dma_start3A_116 : memref<125x128xf32, #tpu.memory_space<vmem>>) offsets(%dma_start3A_123 : memref<125xi32, #tpu.memory_space<vmem>>) semaphore(%arg10 : memref<!tpu.dma_semaphore, #tpu.memory_space<semaphore_mem>>)
      %dma_wait3A_127 = arith.constant 0 : i32
      %dma_wait3A_128 = arith.constant 0 : i32
      %dma_wait3A_129 = arith.constant 0 : i32
      %dma_wait3A_130 = arith.constant 0 : i32
      %dma_wait3A_131 = tpu.memref_slice %arg7[%dma_wait3A_128, %dma_wait3A_129, %dma_wait3A_130] : memref<2x125x128xf32, #tpu.memory_space<vmem>> -> memref<1x125x128xf32, #tpu.memory_space<vmem>>
      %dma_wait3A_132 = tpu.memref_squeeze %dma_wait3A_131 : memref<1x125x128xf32, #tpu.memory_space<vmem>> -> memref<125x128xf32, #tpu.memory_space<vmem>>
      %dma_wait3A_133 = arith.constant 0 : i32
      %dma_wait3A_134 = arith.constant 0 : i32
      %dma_wait3A_135 = tpu.memref_slice %arg6[%add3A_91, %dma_wait3A_133, %dma_wait3A_134] : memref<40x2x125xi32, #tpu.memory_space<vmem>> -> memref<1x2x125xi32, #tpu.memory_space<vmem>>
      %dma_wait3A_136 = tpu.memref_squeeze %dma_wait3A_135 : memref<1x2x125xi32, #tpu.memory_space<vmem>> -> memref<2x125xi32, #tpu.memory_space<vmem>>
      %dma_wait3A_137 = arith.constant 0 : i32
      %dma_wait3A_138 = tpu.memref_slice %dma_wait3A_136[%dma_wait3A_127, %dma_wait3A_137] : memref<2x125xi32, #tpu.memory_space<vmem>> -> memref<1x125xi32, #tpu.memory_space<vmem>>
      %dma_wait3A_139 = tpu.memref_squeeze %dma_wait3A_138 : memref<1x125xi32, #tpu.memory_space<vmem>> -> memref<125xi32, #tpu.memory_space<vmem>>
      %dma_wait3A_140 = arith.constant 0 : i32
      %dma_wait3A_141 = arith.constant 0 : i32
      %dma_wait3A_142 = tpu.memref_slice %arg2[%dma_wait3A_140, %dma_wait3A_141] : memref<20000x128xf32, #tpu.memory_space<hbm>> -> memref<20000x128xf32, #tpu.memory_space<hbm>>
      tpu.wait_indirect_dma semaphore(%arg9 : memref<!tpu.dma_semaphore, #tpu.memory_space<semaphore_mem>>) src(%dma_wait3A_142 : memref<20000x128xf32, #tpu.memory_space<hbm>>) dst(%dma_wait3A_132 : memref<125x128xf32, #tpu.memory_space<vmem>>)
      %mul3A_143 = arith.constant 2 : i32
      %mul3A_144 = arith.muli %mul3A_143, %scan3A_85 : i32
      %add3A_145 = arith.constant 0 : i32
      %add3A_146 = arith.addi %mul3A_144, %add3A_145 : i32
      %dma_start3A_147 = arith.constant 0 : i32
      %dma_start3A_148 = arith.constant 1 : i32
      %dma_start3A_149 = arith.constant 0 : i32
      %dma_start3A_150 = arith.constant 0 : i32
      %dma_start3A_151 = tpu.memref_slice %arg7[%dma_start3A_147, %dma_start3A_149, %dma_start3A_150] : memref<2x125x128xf32, #tpu.memory_space<vmem>> -> memref<1x125x128xf32, #tpu.memory_space<vmem>>
      %dma_start3A_152 = tpu.memref_squeeze %dma_start3A_151 : memref<1x125x128xf32, #tpu.memory_space<vmem>> -> memref<125x128xf32, #tpu.memory_space<vmem>>
      %dma_start3A_153 = arith.constant 0 : i32
      %dma_start3A_154 = arith.constant 0 : i32
      %dma_start3A_155 = tpu.memref_slice %arg6[%add3A_146, %dma_start3A_153, %dma_start3A_154] : memref<40x2x125xi32, #tpu.memory_space<vmem>> -> memref<1x2x125xi32, #tpu.memory_space<vmem>>
      %dma_start3A_156 = tpu.memref_squeeze %dma_start3A_155 : memref<1x2x125xi32, #tpu.memory_space<vmem>> -> memref<2x125xi32, #tpu.memory_space<vmem>>
      %dma_start3A_157 = arith.constant 0 : i32
      %dma_start3A_158 = tpu.memref_slice %dma_start3A_156[%dma_start3A_148, %dma_start3A_157] : memref<2x125xi32, #tpu.memory_space<vmem>> -> memref<1x125xi32, #tpu.memory_space<vmem>>
      %dma_start3A_159 = tpu.memref_squeeze %dma_start3A_158 : memref<1x125xi32, #tpu.memory_space<vmem>> -> memref<125xi32, #tpu.memory_space<vmem>>
      %dma_start3A_160 = arith.constant 0 : i32
      %dma_start3A_161 = arith.constant 0 : i32
      %dma_start3A_162 = tpu.memref_slice %arg8[%dma_start3A_160, %dma_start3A_161] : memref<10112x128xf32, #tpu.memory_space<vmem_shared>> -> memref<10112x128xf32, #tpu.memory_space<vmem_shared>>
      tpu.enqueue_indirect_dma source(%dma_start3A_152 : memref<125x128xf32, #tpu.memory_space<vmem>>) target(%dma_start3A_162 : memref<10112x128xf32, #tpu.memory_space<vmem_shared>>) offsets(%dma_start3A_159 : memref<125xi32, #tpu.memory_space<vmem>>) semaphore(%arg11 : memref<!tpu.dma_semaphore, #tpu.memory_space<semaphore_mem>>) {add = true}
      %dma_wait3A_163 = arith.constant 0 : i32
      %dma_wait3A_164 = arith.constant 1 : i32
      %dma_wait3A_165 = arith.constant 0 : i32
      %dma_wait3A_166 = arith.constant 0 : i32
      %dma_wait3A_167 = tpu.memref_slice %arg7[%dma_wait3A_164, %dma_wait3A_165, %dma_wait3A_166] : memref<2x125x128xf32, #tpu.memory_space<vmem>> -> memref<1x125x128xf32, #tpu.memory_space<vmem>>
      %dma_wait3A_168 = tpu.memref_squeeze %dma_wait3A_167 : memref<1x125x128xf32, #tpu.memory_space<vmem>> -> memref<125x128xf32, #tpu.memory_space<vmem>>
      %dma_wait3A_169 = arith.constant 0 : i32
      %dma_wait3A_170 = arith.constant 0 : i32
      %dma_wait3A_171 = tpu.memref_slice %arg6[%add3A_110, %dma_wait3A_169, %dma_wait3A_170] : memref<40x2x125xi32, #tpu.memory_space<vmem>> -> memref<1x2x125xi32, #tpu.memory_space<vmem>>
      %dma_wait3A_172 = tpu.memref_squeeze %dma_wait3A_171 : memref<1x2x125xi32, #tpu.memory_space<vmem>> -> memref<2x125xi32, #tpu.memory_space<vmem>>
      %dma_wait3A_173 = arith.constant 0 : i32
      %dma_wait3A_174 = tpu.memref_slice %dma_wait3A_172[%dma_wait3A_163, %dma_wait3A_173] : memref<2x125xi32, #tpu.memory_space<vmem>> -> memref<1x125xi32, #tpu.memory_space<vmem>>
      %dma_wait3A_175 = tpu.memref_squeeze %dma_wait3A_174 : memref<1x125xi32, #tpu.memory_space<vmem>> -> memref<125xi32, #tpu.memory_space<vmem>>
      %dma_wait3A_176 = arith.constant 0 : i32
      %dma_wait3A_177 = arith.constant 0 : i32
      %dma_wait3A_178 = tpu.memref_slice %arg2[%dma_wait3A_176, %dma_wait3A_177] : memref<20000x128xf32, #tpu.memory_space<hbm>> -> memref<20000x128xf32, #tpu.memory_space<hbm>>
      tpu.wait_indirect_dma semaphore(%arg10 : memref<!tpu.dma_semaphore, #tpu.memory_space<semaphore_mem>>) src(%dma_wait3A_178 : memref<20000x128xf32, #tpu.memory_space<hbm>>) dst(%dma_wait3A_168 : memref<125x128xf32, #tpu.memory_space<vmem>>)
      %mul3A_179 = arith.constant 2 : i32
      %mul3A_180 = arith.muli %mul3A_179, %scan3A_85 : i32
      %add3A_181 = arith.constant 1 : i32
      %add3A_182 = arith.addi %mul3A_180, %add3A_181 : i32
      %dma_start3A_183 = arith.constant 1 : i32
      %dma_start3A_184 = arith.constant 1 : i32
      %dma_start3A_185 = arith.constant 0 : i32
      %dma_start3A_186 = arith.constant 0 : i32
      %dma_start3A_187 = tpu.memref_slice %arg7[%dma_start3A_183, %dma_start3A_185, %dma_start3A_186] : memref<2x125x128xf32, #tpu.memory_space<vmem>> -> memref<1x125x128xf32, #tpu.memory_space<vmem>>
      %dma_start3A_188 = tpu.memref_squeeze %dma_start3A_187 : memref<1x125x128xf32, #tpu.memory_space<vmem>> -> memref<125x128xf32, #tpu.memory_space<vmem>>
      %dma_start3A_189 = arith.constant 0 : i32
      %dma_start3A_190 = arith.constant 0 : i32
      %dma_start3A_191 = tpu.memref_slice %arg6[%add3A_182, %dma_start3A_189, %dma_start3A_190] : memref<40x2x125xi32, #tpu.memory_space<vmem>> -> memref<1x2x125xi32, #tpu.memory_space<vmem>>
      %dma_start3A_192 = tpu.memref_squeeze %dma_start3A_191 : memref<1x2x125xi32, #tpu.memory_space<vmem>> -> memref<2x125xi32, #tpu.memory_space<vmem>>
      %dma_start3A_193 = arith.constant 0 : i32
      %dma_start3A_194 = tpu.memref_slice %dma_start3A_192[%dma_start3A_184, %dma_start3A_193] : memref<2x125xi32, #tpu.memory_space<vmem>> -> memref<1x125xi32, #tpu.memory_space<vmem>>
      %dma_start3A_195 = tpu.memref_squeeze %dma_start3A_194 : memref<1x125xi32, #tpu.memory_space<vmem>> -> memref<125xi32, #tpu.memory_space<vmem>>
      %dma_start3A_196 = arith.constant 0 : i32
      %dma_start3A_197 = arith.constant 0 : i32
      %dma_start3A_198 = tpu.memref_slice %arg8[%dma_start3A_196, %dma_start3A_197] : memref<10112x128xf32, #tpu.memory_space<vmem_shared>> -> memref<10112x128xf32, #tpu.memory_space<vmem_shared>>
      tpu.enqueue_indirect_dma source(%dma_start3A_188 : memref<125x128xf32, #tpu.memory_space<vmem>>) target(%dma_start3A_198 : memref<10112x128xf32, #tpu.memory_space<vmem_shared>>) offsets(%dma_start3A_195 : memref<125xi32, #tpu.memory_space<vmem>>) semaphore(%arg12 : memref<!tpu.dma_semaphore, #tpu.memory_space<semaphore_mem>>) {add = true}
    }
    %scan3A_7 = arith.constant 20 : i32
    %dma_wait3A = arith.constant 0 : i32
    %dma_wait3A_8 = arith.constant 0 : i32
    %dma_wait3A_9 = arith.constant 1 : i32
    %dma_wait3A_10 = arith.constant 0 : i32
    %dma_wait3A_11 = arith.constant 0 : i32
    %dma_wait3A_12 = tpu.memref_slice %arg7[%dma_wait3A, %dma_wait3A_10, %dma_wait3A_11] : memref<2x125x128xf32, #tpu.memory_space<vmem>> -> memref<1x125x128xf32, #tpu.memory_space<vmem>>
    %dma_wait3A_13 = tpu.memref_squeeze %dma_wait3A_12 : memref<1x125x128xf32, #tpu.memory_space<vmem>> -> memref<125x128xf32, #tpu.memory_space<vmem>>
    %dma_wait3A_14 = arith.constant 0 : i32
    %dma_wait3A_15 = arith.constant 0 : i32
    %dma_wait3A_16 = tpu.memref_slice %arg6[%dma_wait3A_8, %dma_wait3A_14, %dma_wait3A_15] : memref<40x2x125xi32, #tpu.memory_space<vmem>> -> memref<1x2x125xi32, #tpu.memory_space<vmem>>
    %dma_wait3A_17 = tpu.memref_squeeze %dma_wait3A_16 : memref<1x2x125xi32, #tpu.memory_space<vmem>> -> memref<2x125xi32, #tpu.memory_space<vmem>>
    %dma_wait3A_18 = arith.constant 0 : i32
    %dma_wait3A_19 = tpu.memref_slice %dma_wait3A_17[%dma_wait3A_9, %dma_wait3A_18] : memref<2x125xi32, #tpu.memory_space<vmem>> -> memref<1x125xi32, #tpu.memory_space<vmem>>
    %dma_wait3A_20 = tpu.memref_squeeze %dma_wait3A_19 : memref<1x125xi32, #tpu.memory_space<vmem>> -> memref<125xi32, #tpu.memory_space<vmem>>
    %dma_wait3A_21 = arith.constant 0 : i32
    %dma_wait3A_22 = arith.constant 0 : i32
    %dma_wait3A_23 = tpu.memref_slice %arg8[%dma_wait3A_21, %dma_wait3A_22] : memref<10112x128xf32, #tpu.memory_space<vmem_shared>> -> memref<10112x128xf32, #tpu.memory_space<vmem_shared>>
    tpu.wait_indirect_dma semaphore(%arg11 : memref<!tpu.dma_semaphore, #tpu.memory_space<semaphore_mem>>) src(%dma_wait3A_13 : memref<125x128xf32, #tpu.memory_space<vmem>>) dst(%dma_wait3A_23 : memref<10112x128xf32, #tpu.memory_space<vmem_shared>>)
    %dma_wait3A_24 = arith.constant 1 : i32
    %dma_wait3A_25 = arith.constant 1 : i32
    %dma_wait3A_26 = arith.constant 1 : i32
    %dma_wait3A_27 = arith.constant 0 : i32
    %dma_wait3A_28 = arith.constant 0 : i32
    %dma_wait3A_29 = tpu.memref_slice %arg7[%dma_wait3A_24, %dma_wait3A_27, %dma_wait3A_28] : memref<2x125x128xf32, #tpu.memory_space<vmem>> -> memref<1x125x128xf32, #tpu.memory_space<vmem>>
    %dma_wait3A_30 = tpu.memref_squeeze %dma_wait3A_29 : memref<1x125x128xf32, #tpu.memory_space<vmem>> -> memref<125x128xf32, #tpu.memory_space<vmem>>
    %dma_wait3A_31 = arith.constant 0 : i32
    %dma_wait3A_32 = arith.constant 0 : i32
    %dma_wait3A_33 = tpu.memref_slice %arg6[%dma_wait3A_25, %dma_wait3A_31, %dma_wait3A_32] : memref<40x2x125xi32, #tpu.memory_space<vmem>> -> memref<1x2x125xi32, #tpu.memory_space<vmem>>
    %dma_wait3A_34 = tpu.memref_squeeze %dma_wait3A_33 : memref<1x2x125xi32, #tpu.memory_space<vmem>> -> memref<2x125xi32, #tpu.memory_space<vmem>>
    %dma_wait3A_35 = arith.constant 0 : i32
    %dma_wait3A_36 = tpu.memref_slice %dma_wait3A_34[%dma_wait3A_26, %dma_wait3A_35] : memref<2x125xi32, #tpu.memory_space<vmem>> -> memref<1x125xi32, #tpu.memory_space<vmem>>
    %dma_wait3A_37 = tpu.memref_squeeze %dma_wait3A_36 : memref<1x125xi32, #tpu.memory_space<vmem>> -> memref<125xi32, #tpu.memory_space<vmem>>
    %dma_wait3A_38 = arith.constant 0 : i32
    %dma_wait3A_39 = arith.constant 0 : i32
    %dma_wait3A_40 = tpu.memref_slice %arg8[%dma_wait3A_38, %dma_wait3A_39] : memref<10112x128xf32, #tpu.memory_space<vmem_shared>> -> memref<10112x128xf32, #tpu.memory_space<vmem_shared>>
    tpu.wait_indirect_dma semaphore(%arg12 : memref<!tpu.dma_semaphore, #tpu.memory_space<semaphore_mem>>) src(%dma_wait3A_30 : memref<125x128xf32, #tpu.memory_space<vmem>>) dst(%dma_wait3A_40 : memref<10112x128xf32, #tpu.memory_space<vmem_shared>>)
    %add3A = arith.constant 40 : i32
    %add3A_41 = arith.addi %mul3A_0, %add3A : i32
    "tpu.region"() ({
      %run_scoped3A = tpu.sem_alloc : memref<!tpu.dma_semaphore, #tpu.memory_space<semaphore_mem>>
      %dma_start3A = arith.constant 0 : i32
      %dma_start3A_85 = arith.constant 0 : i32
      %dma_start3A_86 = arith.constant 0 : i32
      %dma_start3A_87 = tpu.memref_slice %arg3[%arg0, %dma_start3A, %dma_start3A_85, %dma_start3A_86] : memref<2x1280x2x125xi32, #tpu.memory_space<hbm>> -> memref<1x1280x2x125xi32, #tpu.memory_space<hbm>>
      %dma_start3A_88 = tpu.memref_squeeze %dma_start3A_87 : memref<1x1280x2x125xi32, #tpu.memory_space<hbm>> -> memref<1280x2x125xi32, #tpu.memory_space<hbm>>
      %dma_start3A_89 = arith.constant 0 : i32
      %dma_start3A_90 = arith.constant 0 : i32
      %dma_start3A_91 = tpu.memref_slice %dma_start3A_88[%add3A_41, %dma_start3A_89, %dma_start3A_90] : memref<1280x2x125xi32, #tpu.memory_space<hbm>> -> memref<40x2x125xi32, #tpu.memory_space<hbm>>
      %dma_start3A_92 = arith.constant 0 : i32
      %dma_start3A_93 = arith.constant 0 : i32
      %dma_start3A_94 = arith.constant 0 : i32
      %dma_start3A_95 = tpu.memref_slice %arg3[%arg0, %dma_start3A_92, %dma_start3A_93, %dma_start3A_94] : memref<2x1280x2x125xi32, #tpu.memory_space<hbm>> -> memref<1x1280x2x125xi32, #tpu.memory_space<hbm>>
      %dma_start3A_96 = tpu.memref_squeeze %dma_start3A_95 : memref<1x1280x2x125xi32, #tpu.memory_space<hbm>> -> memref<1280x2x125xi32, #tpu.memory_space<hbm>>
      %dma_start3A_97 = arith.constant 0 : i32
      %dma_start3A_98 = arith.constant 0 : i32
      %dma_start3A_99 = tpu.memref_slice %dma_start3A_96[%add3A_41, %dma_start3A_97, %dma_start3A_98] : memref<1280x2x125xi32, #tpu.memory_space<hbm>> -> memref<40x2x125xi32, #tpu.memory_space<hbm>>
      tpu.enqueue_dma source(%dma_start3A_99 : memref<40x2x125xi32, #tpu.memory_space<hbm>>) target(%arg6 : memref<40x2x125xi32, #tpu.memory_space<vmem>>) target_semaphore(%run_scoped3A : memref<!tpu.dma_semaphore, #tpu.memory_space<semaphore_mem>>)
      %dma_wait3A_100 = arith.constant 0 : i32
      %dma_wait3A_101 = arith.constant 0 : i32
      %dma_wait3A_102 = arith.constant 0 : i32
      %dma_wait3A_103 = tpu.memref_slice %arg3[%arg0, %dma_wait3A_100, %dma_wait3A_101, %dma_wait3A_102] : memref<2x1280x2x125xi32, #tpu.memory_space<hbm>> -> memref<1x1280x2x125xi32, #tpu.memory_space<hbm>>
      %dma_wait3A_104 = tpu.memref_squeeze %dma_wait3A_103 : memref<1x1280x2x125xi32, #tpu.memory_space<hbm>> -> memref<1280x2x125xi32, #tpu.memory_space<hbm>>
      %dma_wait3A_105 = arith.constant 0 : i32
      %dma_wait3A_106 = arith.constant 0 : i32
      %dma_wait3A_107 = tpu.memref_slice %dma_wait3A_104[%add3A_41, %dma_wait3A_105, %dma_wait3A_106] : memref<1280x2x125xi32, #tpu.memory_space<hbm>> -> memref<40x2x125xi32, #tpu.memory_space<hbm>>
      %dma_wait3A_108 = arith.constant 0 : i32
      %dma_wait3A_109 = arith.constant 0 : i32
      %dma_wait3A_110 = arith.constant 0 : i32
      %dma_wait3A_111 = tpu.memref_slice %arg3[%arg0, %dma_wait3A_108, %dma_wait3A_109, %dma_wait3A_110] : memref<2x1280x2x125xi32, #tpu.memory_space<hbm>> -> memref<1x1280x2x125xi32, #tpu.memory_space<hbm>>
      %dma_wait3A_112 = tpu.memref_squeeze %dma_wait3A_111 : memref<1x1280x2x125xi32, #tpu.memory_space<hbm>> -> memref<1280x2x125xi32, #tpu.memory_space<hbm>>
      %dma_wait3A_113 = arith.constant 0 : i32
      %dma_wait3A_114 = arith.constant 0 : i32
      %dma_wait3A_115 = tpu.memref_slice %dma_wait3A_112[%add3A_41, %dma_wait3A_113, %dma_wait3A_114] : memref<1280x2x125xi32, #tpu.memory_space<hbm>> -> memref<40x2x125xi32, #tpu.memory_space<hbm>>
      tpu.wait_dma2 semaphore(%run_scoped3A : memref<!tpu.dma_semaphore, #tpu.memory_space<semaphore_mem>>) src(%dma_wait3A_115 : memref<40x2x125xi32, #tpu.memory_space<hbm>>) dst(%arg6 : memref<40x2x125xi32, #tpu.memory_space<vmem>>)
      tpu.yield
    }) : () -> ()
    %scan3A_42 = arith.constant 0 : i32
    %scan3A_43 = arith.constant 0 : i32
    %scan3A_44 = arith.constant 20 : i32
    %scan3A_45 = arith.addi %scan3A_43, %scan3A_44 : i32
    %scan3A_46 = arith.constant 1 : i32
    scf.for %scan3A_85 = %scan3A_43 to %scan3A_45 step %scan3A_46  : i32 {
      %gt3A = arith.constant 0 : i32
      %gt3A_86 = arith.cmpi sgt, %scan3A_85, %gt3A : i32
      %convert_element_type3A = arith.extui %gt3A_86 : i1 to i32
      %cond3A = arith.constant 0 : i32
      %cond3A_87 = arith.cmpi ne, %convert_element_type3A, %cond3A : i32
      scf.if %cond3A_87 {
        %dma_wait3A_199 = arith.constant 0 : i32
        %dma_wait3A_200 = arith.constant 0 : i32
        %dma_wait3A_201 = arith.constant 1 : i32
        %dma_wait3A_202 = arith.constant 0 : i32
        %dma_wait3A_203 = arith.constant 0 : i32
        %dma_wait3A_204 = tpu.memref_slice %arg7[%dma_wait3A_199, %dma_wait3A_202, %dma_wait3A_203] : memref<2x125x128xf32, #tpu.memory_space<vmem>> -> memref<1x125x128xf32, #tpu.memory_space<vmem>>
        %dma_wait3A_205 = tpu.memref_squeeze %dma_wait3A_204 : memref<1x125x128xf32, #tpu.memory_space<vmem>> -> memref<125x128xf32, #tpu.memory_space<vmem>>
        %dma_wait3A_206 = arith.constant 0 : i32
        %dma_wait3A_207 = arith.constant 0 : i32
        %dma_wait3A_208 = tpu.memref_slice %arg6[%dma_wait3A_200, %dma_wait3A_206, %dma_wait3A_207] : memref<40x2x125xi32, #tpu.memory_space<vmem>> -> memref<1x2x125xi32, #tpu.memory_space<vmem>>
        %dma_wait3A_209 = tpu.memref_squeeze %dma_wait3A_208 : memref<1x2x125xi32, #tpu.memory_space<vmem>> -> memref<2x125xi32, #tpu.memory_space<vmem>>
        %dma_wait3A_210 = arith.constant 0 : i32
        %dma_wait3A_211 = tpu.memref_slice %dma_wait3A_209[%dma_wait3A_201, %dma_wait3A_210] : memref<2x125xi32, #tpu.memory_space<vmem>> -> memref<1x125xi32, #tpu.memory_space<vmem>>
        %dma_wait3A_212 = tpu.memref_squeeze %dma_wait3A_211 : memref<1x125xi32, #tpu.memory_space<vmem>> -> memref<125xi32, #tpu.memory_space<vmem>>
        %dma_wait3A_213 = arith.constant 0 : i32
        %dma_wait3A_214 = arith.constant 0 : i32
        %dma_wait3A_215 = tpu.memref_slice %arg8[%dma_wait3A_213, %dma_wait3A_214] : memref<10112x128xf32, #tpu.memory_space<vmem_shared>> -> memref<10112x128xf32, #tpu.memory_space<vmem_shared>>
        tpu.wait_indirect_dma semaphore(%arg11 : memref<!tpu.dma_semaphore, #tpu.memory_space<semaphore_mem>>) src(%dma_wait3A_205 : memref<125x128xf32, #tpu.memory_space<vmem>>) dst(%dma_wait3A_215 : memref<10112x128xf32, #tpu.memory_space<vmem_shared>>)
        %dma_wait3A_216 = arith.constant 1 : i32
        %dma_wait3A_217 = arith.constant 1 : i32
        %dma_wait3A_218 = arith.constant 1 : i32
        %dma_wait3A_219 = arith.constant 0 : i32
        %dma_wait3A_220 = arith.constant 0 : i32
        %dma_wait3A_221 = tpu.memref_slice %arg7[%dma_wait3A_216, %dma_wait3A_219, %dma_wait3A_220] : memref<2x125x128xf32, #tpu.memory_space<vmem>> -> memref<1x125x128xf32, #tpu.memory_space<vmem>>
        %dma_wait3A_222 = tpu.memref_squeeze %dma_wait3A_221 : memref<1x125x128xf32, #tpu.memory_space<vmem>> -> memref<125x128xf32, #tpu.memory_space<vmem>>
        %dma_wait3A_223 = arith.constant 0 : i32
        %dma_wait3A_224 = arith.constant 0 : i32
        %dma_wait3A_225 = tpu.memref_slice %arg6[%dma_wait3A_217, %dma_wait3A_223, %dma_wait3A_224] : memref<40x2x125xi32, #tpu.memory_space<vmem>> -> memref<1x2x125xi32, #tpu.memory_space<vmem>>
        %dma_wait3A_226 = tpu.memref_squeeze %dma_wait3A_225 : memref<1x2x125xi32, #tpu.memory_space<vmem>> -> memref<2x125xi32, #tpu.memory_space<vmem>>
        %dma_wait3A_227 = arith.constant 0 : i32
        %dma_wait3A_228 = tpu.memref_slice %dma_wait3A_226[%dma_wait3A_218, %dma_wait3A_227] : memref<2x125xi32, #tpu.memory_space<vmem>> -> memref<1x125xi32, #tpu.memory_space<vmem>>
        %dma_wait3A_229 = tpu.memref_squeeze %dma_wait3A_228 : memref<1x125xi32, #tpu.memory_space<vmem>> -> memref<125xi32, #tpu.memory_space<vmem>>
        %dma_wait3A_230 = arith.constant 0 : i32
        %dma_wait3A_231 = arith.constant 0 : i32
        %dma_wait3A_232 = tpu.memref_slice %arg8[%dma_wait3A_230, %dma_wait3A_231] : memref<10112x128xf32, #tpu.memory_space<vmem_shared>> -> memref<10112x128xf32, #tpu.memory_space<vmem_shared>>
        tpu.wait_indirect_dma semaphore(%arg12 : memref<!tpu.dma_semaphore, #tpu.memory_space<semaphore_mem>>) src(%dma_wait3A_222 : memref<125x128xf32, #tpu.memory_space<vmem>>) dst(%dma_wait3A_232 : memref<10112x128xf32, #tpu.memory_space<vmem_shared>>)
      } else {
      }
      %mul3A_88 = arith.constant 2 : i32
      %mul3A_89 = arith.muli %mul3A_88, %scan3A_85 : i32
      %add3A_90 = arith.constant 0 : i32
      %add3A_91 = arith.addi %mul3A_89, %add3A_90 : i32
      %dma_start3A = arith.constant 0 : i32
      %dma_start3A_92 = arith.constant 0 : i32
      %dma_start3A_93 = arith.constant 0 : i32
      %dma_start3A_94 = arith.constant 0 : i32
      %dma_start3A_95 = tpu.memref_slice %arg7[%dma_start3A_92, %dma_start3A_93, %dma_start3A_94] : memref<2x125x128xf32, #tpu.memory_space<vmem>> -> memref<1x125x128xf32, #tpu.memory_space<vmem>>
      %dma_start3A_96 = tpu.memref_squeeze %dma_start3A_95 : memref<1x125x128xf32, #tpu.memory_space<vmem>> -> memref<125x128xf32, #tpu.memory_space<vmem>>
      %dma_start3A_97 = arith.constant 0 : i32
      %dma_start3A_98 = arith.constant 0 : i32
      %dma_start3A_99 = tpu.memref_slice %arg6[%add3A_91, %dma_start3A_97, %dma_start3A_98] : memref<40x2x125xi32, #tpu.memory_space<vmem>> -> memref<1x2x125xi32, #tpu.memory_space<vmem>>
      %dma_start3A_100 = tpu.memref_squeeze %dma_start3A_99 : memref<1x2x125xi32, #tpu.memory_space<vmem>> -> memref<2x125xi32, #tpu.memory_space<vmem>>
      %dma_start3A_101 = arith.constant 0 : i32
      %dma_start3A_102 = tpu.memref_slice %dma_start3A_100[%dma_start3A, %dma_start3A_101] : memref<2x125xi32, #tpu.memory_space<vmem>> -> memref<1x125xi32, #tpu.memory_space<vmem>>
      %dma_start3A_103 = tpu.memref_squeeze %dma_start3A_102 : memref<1x125xi32, #tpu.memory_space<vmem>> -> memref<125xi32, #tpu.memory_space<vmem>>
      %dma_start3A_104 = arith.constant 0 : i32
      %dma_start3A_105 = arith.constant 0 : i32
      %dma_start3A_106 = tpu.memref_slice %arg2[%dma_start3A_104, %dma_start3A_105] : memref<20000x128xf32, #tpu.memory_space<hbm>> -> memref<20000x128xf32, #tpu.memory_space<hbm>>
      tpu.enqueue_indirect_dma source(%dma_start3A_106 : memref<20000x128xf32, #tpu.memory_space<hbm>>) target(%dma_start3A_96 : memref<125x128xf32, #tpu.memory_space<vmem>>) offsets(%dma_start3A_103 : memref<125xi32, #tpu.memory_space<vmem>>) semaphore(%arg9 : memref<!tpu.dma_semaphore, #tpu.memory_space<semaphore_mem>>)
      %mul3A_107 = arith.constant 2 : i32
      %mul3A_108 = arith.muli %mul3A_107, %scan3A_85 : i32
      %add3A_109 = arith.constant 1 : i32
      %add3A_110 = arith.addi %mul3A_108, %add3A_109 : i32
      %dma_start3A_111 = arith.constant 0 : i32
      %dma_start3A_112 = arith.constant 1 : i32
      %dma_start3A_113 = arith.constant 0 : i32
      %dma_start3A_114 = arith.constant 0 : i32
      %dma_start3A_115 = tpu.memref_slice %arg7[%dma_start3A_112, %dma_start3A_113, %dma_start3A_114] : memref<2x125x128xf32, #tpu.memory_space<vmem>> -> memref<1x125x128xf32, #tpu.memory_space<vmem>>
      %dma_start3A_116 = tpu.memref_squeeze %dma_start3A_115 : memref<1x125x128xf32, #tpu.memory_space<vmem>> -> memref<125x128xf32, #tpu.memory_space<vmem>>
      %dma_start3A_117 = arith.constant 0 : i32
      %dma_start3A_118 = arith.constant 0 : i32
      %dma_start3A_119 = tpu.memref_slice %arg6[%add3A_110, %dma_start3A_117, %dma_start3A_118] : memref<40x2x125xi32, #tpu.memory_space<vmem>> -> memref<1x2x125xi32, #tpu.memory_space<vmem>>
      %dma_start3A_120 = tpu.memref_squeeze %dma_start3A_119 : memref<1x2x125xi32, #tpu.memory_space<vmem>> -> memref<2x125xi32, #tpu.memory_space<vmem>>
      %dma_start3A_121 = arith.constant 0 : i32
      %dma_start3A_122 = tpu.memref_slice %dma_start3A_120[%dma_start3A_111, %dma_start3A_121] : memref<2x125xi32, #tpu.memory_space<vmem>> -> memref<1x125xi32, #tpu.memory_space<vmem>>
      %dma_start3A_123 = tpu.memref_squeeze %dma_start3A_122 : memref<1x125xi32, #tpu.memory_space<vmem>> -> memref<125xi32, #tpu.memory_space<vmem>>
      %dma_start3A_124 = arith.constant 0 : i32
      %dma_start3A_125 = arith.constant 0 : i32
      %dma_start3A_126 = tpu.memref_slice %arg2[%dma_start3A_124, %dma_start3A_125] : memref<20000x128xf32, #tpu.memory_space<hbm>> -> memref<20000x128xf32, #tpu.memory_space<hbm>>
      tpu.enqueue_indirect_dma source(%dma_start3A_126 : memref<20000x128xf32, #tpu.memory_space<hbm>>) target(%dma_start3A_116 : memref<125x128xf32, #tpu.memory_space<vmem>>) offsets(%dma_start3A_123 : memref<125xi32, #tpu.memory_space<vmem>>) semaphore(%arg10 : memref<!tpu.dma_semaphore, #tpu.memory_space<semaphore_mem>>)
      %dma_wait3A_127 = arith.constant 0 : i32
      %dma_wait3A_128 = arith.constant 0 : i32
      %dma_wait3A_129 = arith.constant 0 : i32
      %dma_wait3A_130 = arith.constant 0 : i32
      %dma_wait3A_131 = tpu.memref_slice %arg7[%dma_wait3A_128, %dma_wait3A_129, %dma_wait3A_130] : memref<2x125x128xf32, #tpu.memory_space<vmem>> -> memref<1x125x128xf32, #tpu.memory_space<vmem>>
      %dma_wait3A_132 = tpu.memref_squeeze %dma_wait3A_131 : memref<1x125x128xf32, #tpu.memory_space<vmem>> -> memref<125x128xf32, #tpu.memory_space<vmem>>
      %dma_wait3A_133 = arith.constant 0 : i32
      %dma_wait3A_134 = arith.constant 0 : i32
      %dma_wait3A_135 = tpu.memref_slice %arg6[%add3A_91, %dma_wait3A_133, %dma_wait3A_134] : memref<40x2x125xi32, #tpu.memory_space<vmem>> -> memref<1x2x125xi32, #tpu.memory_space<vmem>>
      %dma_wait3A_136 = tpu.memref_squeeze %dma_wait3A_135 : memref<1x2x125xi32, #tpu.memory_space<vmem>> -> memref<2x125xi32, #tpu.memory_space<vmem>>
      %dma_wait3A_137 = arith.constant 0 : i32
      %dma_wait3A_138 = tpu.memref_slice %dma_wait3A_136[%dma_wait3A_127, %dma_wait3A_137] : memref<2x125xi32, #tpu.memory_space<vmem>> -> memref<1x125xi32, #tpu.memory_space<vmem>>
      %dma_wait3A_139 = tpu.memref_squeeze %dma_wait3A_138 : memref<1x125xi32, #tpu.memory_space<vmem>> -> memref<125xi32, #tpu.memory_space<vmem>>
      %dma_wait3A_140 = arith.constant 0 : i32
      %dma_wait3A_141 = arith.constant 0 : i32
      %dma_wait3A_142 = tpu.memref_slice %arg2[%dma_wait3A_140, %dma_wait3A_141] : memref<20000x128xf32, #tpu.memory_space<hbm>> -> memref<20000x128xf32, #tpu.memory_space<hbm>>
      tpu.wait_indirect_dma semaphore(%arg9 : memref<!tpu.dma_semaphore, #tpu.memory_space<semaphore_mem>>) src(%dma_wait3A_142 : memref<20000x128xf32, #tpu.memory_space<hbm>>) dst(%dma_wait3A_132 : memref<125x128xf32, #tpu.memory_space<vmem>>)
      %mul3A_143 = arith.constant 2 : i32
      %mul3A_144 = arith.muli %mul3A_143, %scan3A_85 : i32
      %add3A_145 = arith.constant 0 : i32
      %add3A_146 = arith.addi %mul3A_144, %add3A_145 : i32
      %dma_start3A_147 = arith.constant 0 : i32
      %dma_start3A_148 = arith.constant 1 : i32
      %dma_start3A_149 = arith.constant 0 : i32
      %dma_start3A_150 = arith.constant 0 : i32
      %dma_start3A_151 = tpu.memref_slice %arg7[%dma_start3A_147, %dma_start3A_149, %dma_start3A_150] : memref<2x125x128xf32, #tpu.memory_space<vmem>> -> memref<1x125x128xf32, #tpu.memory_space<vmem>>
      %dma_start3A_152 = tpu.memref_squeeze %dma_start3A_151 : memref<1x125x128xf32, #tpu.memory_space<vmem>> -> memref<125x128xf32, #tpu.memory_space<vmem>>
      %dma_start3A_153 = arith.constant 0 : i32
      %dma_start3A_154 = arith.constant 0 : i32
      %dma_start3A_155 = tpu.memref_slice %arg6[%add3A_146, %dma_start3A_153, %dma_start3A_154] : memref<40x2x125xi32, #tpu.memory_space<vmem>> -> memref<1x2x125xi32, #tpu.memory_space<vmem>>
      %dma_start3A_156 = tpu.memref_squeeze %dma_start3A_155 : memref<1x2x125xi32, #tpu.memory_space<vmem>> -> memref<2x125xi32, #tpu.memory_space<vmem>>
      %dma_start3A_157 = arith.constant 0 : i32
      %dma_start3A_158 = tpu.memref_slice %dma_start3A_156[%dma_start3A_148, %dma_start3A_157] : memref<2x125xi32, #tpu.memory_space<vmem>> -> memref<1x125xi32, #tpu.memory_space<vmem>>
      %dma_start3A_159 = tpu.memref_squeeze %dma_start3A_158 : memref<1x125xi32, #tpu.memory_space<vmem>> -> memref<125xi32, #tpu.memory_space<vmem>>
      %dma_start3A_160 = arith.constant 0 : i32
      %dma_start3A_161 = arith.constant 0 : i32
      %dma_start3A_162 = tpu.memref_slice %arg8[%dma_start3A_160, %dma_start3A_161] : memref<10112x128xf32, #tpu.memory_space<vmem_shared>> -> memref<10112x128xf32, #tpu.memory_space<vmem_shared>>
      tpu.enqueue_indirect_dma source(%dma_start3A_152 : memref<125x128xf32, #tpu.memory_space<vmem>>) target(%dma_start3A_162 : memref<10112x128xf32, #tpu.memory_space<vmem_shared>>) offsets(%dma_start3A_159 : memref<125xi32, #tpu.memory_space<vmem>>) semaphore(%arg11 : memref<!tpu.dma_semaphore, #tpu.memory_space<semaphore_mem>>) {add = true}
      %dma_wait3A_163 = arith.constant 0 : i32
      %dma_wait3A_164 = arith.constant 1 : i32
      %dma_wait3A_165 = arith.constant 0 : i32
      %dma_wait3A_166 = arith.constant 0 : i32
      %dma_wait3A_167 = tpu.memref_slice %arg7[%dma_wait3A_164, %dma_wait3A_165, %dma_wait3A_166] : memref<2x125x128xf32, #tpu.memory_space<vmem>> -> memref<1x125x128xf32, #tpu.memory_space<vmem>>
      %dma_wait3A_168 = tpu.memref_squeeze %dma_wait3A_167 : memref<1x125x128xf32, #tpu.memory_space<vmem>> -> memref<125x128xf32, #tpu.memory_space<vmem>>
      %dma_wait3A_169 = arith.constant 0 : i32
      %dma_wait3A_170 = arith.constant 0 : i32
      %dma_wait3A_171 = tpu.memref_slice %arg6[%add3A_110, %dma_wait3A_169, %dma_wait3A_170] : memref<40x2x125xi32, #tpu.memory_space<vmem>> -> memref<1x2x125xi32, #tpu.memory_space<vmem>>
      %dma_wait3A_172 = tpu.memref_squeeze %dma_wait3A_171 : memref<1x2x125xi32, #tpu.memory_space<vmem>> -> memref<2x125xi32, #tpu.memory_space<vmem>>
      %dma_wait3A_173 = arith.constant 0 : i32
      %dma_wait3A_174 = tpu.memref_slice %dma_wait3A_172[%dma_wait3A_163, %dma_wait3A_173] : memref<2x125xi32, #tpu.memory_space<vmem>> -> memref<1x125xi32, #tpu.memory_space<vmem>>
      %dma_wait3A_175 = tpu.memref_squeeze %dma_wait3A_174 : memref<1x125xi32, #tpu.memory_space<vmem>> -> memref<125xi32, #tpu.memory_space<vmem>>
      %dma_wait3A_176 = arith.constant 0 : i32
      %dma_wait3A_177 = arith.constant 0 : i32
      %dma_wait3A_178 = tpu.memref_slice %arg2[%dma_wait3A_176, %dma_wait3A_177] : memref<20000x128xf32, #tpu.memory_space<hbm>> -> memref<20000x128xf32, #tpu.memory_space<hbm>>
      tpu.wait_indirect_dma semaphore(%arg10 : memref<!tpu.dma_semaphore, #tpu.memory_space<semaphore_mem>>) src(%dma_wait3A_178 : memref<20000x128xf32, #tpu.memory_space<hbm>>) dst(%dma_wait3A_168 : memref<125x128xf32, #tpu.memory_space<vmem>>)
      %mul3A_179 = arith.constant 2 : i32
      %mul3A_180 = arith.muli %mul3A_179, %scan3A_85 : i32
      %add3A_181 = arith.constant 1 : i32
      %add3A_182 = arith.addi %mul3A_180, %add3A_181 : i32
      %dma_start3A_183 = arith.constant 1 : i32
      %dma_start3A_184 = arith.constant 1 : i32
      %dma_start3A_185 = arith.constant 0 : i32
      %dma_start3A_186 = arith.constant 0 : i32
      %dma_start3A_187 = tpu.memref_slice %arg7[%dma_start3A_183, %dma_start3A_185, %dma_start3A_186] : memref<2x125x128xf32, #tpu.memory_space<vmem>> -> memref<1x125x128xf32, #tpu.memory_space<vmem>>
      %dma_start3A_188 = tpu.memref_squeeze %dma_start3A_187 : memref<1x125x128xf32, #tpu.memory_space<vmem>> -> memref<125x128xf32, #tpu.memory_space<vmem>>
      %dma_start3A_189 = arith.constant 0 : i32
      %dma_start3A_190 = arith.constant 0 : i32
      %dma_start3A_191 = tpu.memref_slice %arg6[%add3A_182, %dma_start3A_189, %dma_start3A_190] : memref<40x2x125xi32, #tpu.memory_space<vmem>> -> memref<1x2x125xi32, #tpu.memory_space<vmem>>
      %dma_start3A_192 = tpu.memref_squeeze %dma_start3A_191 : memref<1x2x125xi32, #tpu.memory_space<vmem>> -> memref<2x125xi32, #tpu.memory_space<vmem>>
      %dma_start3A_193 = arith.constant 0 : i32
      %dma_start3A_194 = tpu.memref_slice %dma_start3A_192[%dma_start3A_184, %dma_start3A_193] : memref<2x125xi32, #tpu.memory_space<vmem>> -> memref<1x125xi32, #tpu.memory_space<vmem>>
      %dma_start3A_195 = tpu.memref_squeeze %dma_start3A_194 : memref<1x125xi32, #tpu.memory_space<vmem>> -> memref<125xi32, #tpu.memory_space<vmem>>
      %dma_start3A_196 = arith.constant 0 : i32
      %dma_start3A_197 = arith.constant 0 : i32
      %dma_start3A_198 = tpu.memref_slice %arg8[%dma_start3A_196, %dma_start3A_197] : memref<10112x128xf32, #tpu.memory_space<vmem_shared>> -> memref<10112x128xf32, #tpu.memory_space<vmem_shared>>
      tpu.enqueue_indirect_dma source(%dma_start3A_188 : memref<125x128xf32, #tpu.memory_space<vmem>>) target(%dma_start3A_198 : memref<10112x128xf32, #tpu.memory_space<vmem_shared>>) offsets(%dma_start3A_195 : memref<125xi32, #tpu.memory_space<vmem>>) semaphore(%arg12 : memref<!tpu.dma_semaphore, #tpu.memory_space<semaphore_mem>>) {add = true}
    }
    %scan3A_47 = arith.constant 20 : i32
    %dma_wait3A_48 = arith.constant 0 : i32
    %dma_wait3A_49 = arith.constant 0 : i32
    %dma_wait3A_50 = arith.constant 1 : i32
    %dma_wait3A_51 = arith.constant 0 : i32
    %dma_wait3A_52 = arith.constant 0 : i32
    %dma_wait3A_53 = tpu.memref_slice %arg7[%dma_wait3A_48, %dma_wait3A_51, %dma_wait3A_52] : memref<2x125x128xf32, #tpu.memory_space<vmem>> -> memref<1x125x128xf32, #tpu.memory_space<vmem>>
    %dma_wait3A_54 = tpu.memref_squeeze %dma_wait3A_53 : memref<1x125x128xf32, #tpu.memory_space<vmem>> -> memref<125x128xf32, #tpu.memory_space<vmem>>
    %dma_wait3A_55 = arith.constant 0 : i32
    %dma_wait3A_56 = arith.constant 0 : i32
    %dma_wait3A_57 = tpu.memref_slice %arg6[%dma_wait3A_49, %dma_wait3A_55, %dma_wait3A_56] : memref<40x2x125xi32, #tpu.memory_space<vmem>> -> memref<1x2x125xi32, #tpu.memory_space<vmem>>
    %dma_wait3A_58 = tpu.memref_squeeze %dma_wait3A_57 : memref<1x2x125xi32, #tpu.memory_space<vmem>> -> memref<2x125xi32, #tpu.memory_space<vmem>>
    %dma_wait3A_59 = arith.constant 0 : i32
    %dma_wait3A_60 = tpu.memref_slice %dma_wait3A_58[%dma_wait3A_50, %dma_wait3A_59] : memref<2x125xi32, #tpu.memory_space<vmem>> -> memref<1x125xi32, #tpu.memory_space<vmem>>
    %dma_wait3A_61 = tpu.memref_squeeze %dma_wait3A_60 : memref<1x125xi32, #tpu.memory_space<vmem>> -> memref<125xi32, #tpu.memory_space<vmem>>
    %dma_wait3A_62 = arith.constant 0 : i32
    %dma_wait3A_63 = arith.constant 0 : i32
    %dma_wait3A_64 = tpu.memref_slice %arg8[%dma_wait3A_62, %dma_wait3A_63] : memref<10112x128xf32, #tpu.memory_space<vmem_shared>> -> memref<10112x128xf32, #tpu.memory_space<vmem_shared>>
    tpu.wait_indirect_dma semaphore(%arg11 : memref<!tpu.dma_semaphore, #tpu.memory_space<semaphore_mem>>) src(%dma_wait3A_54 : memref<125x128xf32, #tpu.memory_space<vmem>>) dst(%dma_wait3A_64 : memref<10112x128xf32, #tpu.memory_space<vmem_shared>>)
    %dma_wait3A_65 = arith.constant 1 : i32
    %dma_wait3A_66 = arith.constant 1 : i32
    %dma_wait3A_67 = arith.constant 1 : i32
    %dma_wait3A_68 = arith.constant 0 : i32
    %dma_wait3A_69 = arith.constant 0 : i32
    %dma_wait3A_70 = tpu.memref_slice %arg7[%dma_wait3A_65, %dma_wait3A_68, %dma_wait3A_69] : memref<2x125x128xf32, #tpu.memory_space<vmem>> -> memref<1x125x128xf32, #tpu.memory_space<vmem>>
    %dma_wait3A_71 = tpu.memref_squeeze %dma_wait3A_70 : memref<1x125x128xf32, #tpu.memory_space<vmem>> -> memref<125x128xf32, #tpu.memory_space<vmem>>
    %dma_wait3A_72 = arith.constant 0 : i32
    %dma_wait3A_73 = arith.constant 0 : i32
    %dma_wait3A_74 = tpu.memref_slice %arg6[%dma_wait3A_66, %dma_wait3A_72, %dma_wait3A_73] : memref<40x2x125xi32, #tpu.memory_space<vmem>> -> memref<1x2x125xi32, #tpu.memory_space<vmem>>
    %dma_wait3A_75 = tpu.memref_squeeze %dma_wait3A_74 : memref<1x2x125xi32, #tpu.memory_space<vmem>> -> memref<2x125xi32, #tpu.memory_space<vmem>>
    %dma_wait3A_76 = arith.constant 0 : i32
    %dma_wait3A_77 = tpu.memref_slice %dma_wait3A_75[%dma_wait3A_67, %dma_wait3A_76] : memref<2x125xi32, #tpu.memory_space<vmem>> -> memref<1x125xi32, #tpu.memory_space<vmem>>
    %dma_wait3A_78 = tpu.memref_squeeze %dma_wait3A_77 : memref<1x125xi32, #tpu.memory_space<vmem>> -> memref<125xi32, #tpu.memory_space<vmem>>
    %dma_wait3A_79 = arith.constant 0 : i32
    %dma_wait3A_80 = arith.constant 0 : i32
    %dma_wait3A_81 = tpu.memref_slice %arg8[%dma_wait3A_79, %dma_wait3A_80] : memref<10112x128xf32, #tpu.memory_space<vmem_shared>> -> memref<10112x128xf32, #tpu.memory_space<vmem_shared>>
    tpu.wait_indirect_dma semaphore(%arg12 : memref<!tpu.dma_semaphore, #tpu.memory_space<semaphore_mem>>) src(%dma_wait3A_71 : memref<125x128xf32, #tpu.memory_space<vmem>>) dst(%dma_wait3A_81 : memref<10112x128xf32, #tpu.memory_space<vmem_shared>>)
    %barrier3A_82 = arith.constant 0 : index
    tpu.barrier barrier_id(%barrier3A_82)
    %mul3A_83 = arith.constant 632 : i32
    %mul3A_84 = arith.muli %arg1, %mul3A_83 : i32
    "tpu.region"() ({
      %run_scoped3A = tpu.sem_alloc : memref<!tpu.dma_semaphore, #tpu.memory_space<semaphore_mem>>
      %dma_start3A = arith.constant 0 : i32
      %dma_start3A_85 = arith.constant 0 : i32
      %dma_start3A_86 = tpu.memref_slice %arg5[%arg0, %dma_start3A, %dma_start3A_85] : memref<2x10112x128xf32, #tpu.memory_space<hbm>> -> memref<1x10112x128xf32, #tpu.memory_space<hbm>>
      %dma_start3A_87 = tpu.memref_squeeze %dma_start3A_86 : memref<1x10112x128xf32, #tpu.memory_space<hbm>> -> memref<10112x128xf32, #tpu.memory_space<hbm>>
      %dma_start3A_88 = arith.constant 0 : i32
      %dma_start3A_89 = tpu.memref_slice %dma_start3A_87[%mul3A_84, %dma_start3A_88] : memref<10112x128xf32, #tpu.memory_space<hbm>> -> memref<632x128xf32, #tpu.memory_space<hbm>>
      %dma_start3A_90 = arith.constant 0 : i32
      %dma_start3A_91 = tpu.memref_slice %arg8[%mul3A_84, %dma_start3A_90] : memref<10112x128xf32, #tpu.memory_space<vmem_shared>> -> memref<632x128xf32, #tpu.memory_space<vmem_shared>>
      tpu.enqueue_dma source(%dma_start3A_91 : memref<632x128xf32, #tpu.memory_space<vmem_shared>>) target(%dma_start3A_89 : memref<632x128xf32, #tpu.memory_space<hbm>>) target_semaphore(%run_scoped3A : memref<!tpu.dma_semaphore, #tpu.memory_space<semaphore_mem>>)
      %dma_wait3A_92 = arith.constant 0 : i32
      %dma_wait3A_93 = arith.constant 0 : i32
      %dma_wait3A_94 = tpu.memref_slice %arg5[%arg0, %dma_wait3A_92, %dma_wait3A_93] : memref<2x10112x128xf32, #tpu.memory_space<hbm>> -> memref<1x10112x128xf32, #tpu.memory_space<hbm>>
      %dma_wait3A_95 = tpu.memref_squeeze %dma_wait3A_94 : memref<1x10112x128xf32, #tpu.memory_space<hbm>> -> memref<10112x128xf32, #tpu.memory_space<hbm>>
      %dma_wait3A_96 = arith.constant 0 : i32
      %dma_wait3A_97 = tpu.memref_slice %dma_wait3A_95[%mul3A_84, %dma_wait3A_96] : memref<10112x128xf32, #tpu.memory_space<hbm>> -> memref<632x128xf32, #tpu.memory_space<hbm>>
      %dma_wait3A_98 = arith.constant 0 : i32
      %dma_wait3A_99 = tpu.memref_slice %arg8[%mul3A_84, %dma_wait3A_98] : memref<10112x128xf32, #tpu.memory_space<vmem_shared>> -> memref<632x128xf32, #tpu.memory_space<vmem_shared>>
      tpu.wait_dma2 semaphore(%run_scoped3A : memref<!tpu.dma_semaphore, #tpu.memory_space<semaphore_mem>>) src(%dma_wait3A_99 : memref<632x128xf32, #tpu.memory_space<vmem_shared>>) dst(%dma_wait3A_97 : memref<632x128xf32, #tpu.memory_space<hbm>>)
      tpu.yield
    }) : () -> ()
    return
  }
}

module attributes {stable_mosaic.version = 14 : i64} {
  func.func @_mm_first_body(%arg0: i32, %arg1: memref<2000x256xf32, #tpu.memory_space<vmem>>, %arg2: memref<256x256xf32, #tpu.memory_space<vmem>>, %arg3: memref<2x2000x128xf32, #tpu.memory_space<vmem>>) attributes {dimension_semantics = [#tpu.dimension_semantics<arbitrary>], iteration_bounds = array<i64: 5>, scalar_prefetch = 0 : i64, scratch_operands = 0 : i64, tpu.core_type = #tpu.core_type<tc>, window_params = [{transform_indices = @transform_0, window_bounds = array<i64: 2000, 256>}, {pipeline_mode = #tpu.pipeline_mode<synchronous>, transform_indices = @transform_1, window_bounds = array<i64: 256, 256>}, {transform_indices = @transform_2, window_bounds = array<i64: 2, 2000, 128>}]} {
    %get3A = arith.constant 0 : index
    %get3A_0 = arith.constant 0 : index
    %get3A_1 = vector.load %arg1[%get3A, %get3A_0] : memref<2000x256xf32, #tpu.memory_space<vmem>>, vector<2000x256xf32>
    %get3A_2 = arith.constant 0 : index
    %get3A_3 = arith.constant 0 : index
    %get3A_4 = vector.load %arg2[%get3A_2, %get3A_3] : memref<256x256xf32, #tpu.memory_space<vmem>>, vector<256x128xf32>
    %dot_general3A = arith.constant dense<0.000000e+00> : vector<2000x128xf32>
    %dot_general3A_5 = tpu.matmul %get3A_1, %get3A_4, %dot_general3A {dimension_numbers = #tpu.dot_dimension_numbers<[1], [0], [0], [1], [0, 0, 1, 1], [], []>, transpose_lhs_hint = false} : vector<2000x256xf32>, vector<256x128xf32>, vector<2000x128xf32> -> vector<2000x128xf32>
    %swap3A = arith.constant 0 : index
    %swap3A_6 = arith.constant 0 : index
    %swap3A_7 = arith.constant 0 : index
    %swap3A_8 = vector.load %arg3[%swap3A, %swap3A_6, %swap3A_7] : memref<2x2000x128xf32, #tpu.memory_space<vmem>>, vector<1x2000x128xf32>
    %swap3A_9 = vector.shape_cast %swap3A_8 : vector<1x2000x128xf32> to vector<2000x128xf32>
    %swap3A_10 = vector.shape_cast %dot_general3A_5 : vector<2000x128xf32> to vector<1x2000x128xf32>
    tpu.vector_store %arg3[%swap3A, %swap3A_6, %swap3A_7], %swap3A_10 {strides = array<i32>} : memref<2x2000x128xf32, #tpu.memory_space<vmem>>, vector<1x2000x128xf32>,
    %get3A_11 = arith.constant 0 : index
    %get3A_12 = arith.constant 128 : index
    %get3A_13 = vector.load %arg2[%get3A_11, %get3A_12] : memref<256x256xf32, #tpu.memory_space<vmem>>, vector<256x128xf32>
    %dot_general3A_14 = arith.constant dense<0.000000e+00> : vector<2000x128xf32>
    %dot_general3A_15 = tpu.matmul %get3A_1, %get3A_13, %dot_general3A_14 {dimension_numbers = #tpu.dot_dimension_numbers<[1], [0], [0], [1], [0, 0, 1, 1], [], []>, transpose_lhs_hint = false} : vector<2000x256xf32>, vector<256x128xf32>, vector<2000x128xf32> -> vector<2000x128xf32>
    %swap3A_16 = arith.constant 1 : index
    %swap3A_17 = arith.constant 0 : index
    %swap3A_18 = arith.constant 0 : index
    %swap3A_19 = vector.load %arg3[%swap3A_16, %swap3A_17, %swap3A_18] : memref<2x2000x128xf32, #tpu.memory_space<vmem>>, vector<1x2000x128xf32>
    %swap3A_20 = vector.shape_cast %swap3A_19 : vector<1x2000x128xf32> to vector<2000x128xf32>
    %swap3A_21 = vector.shape_cast %dot_general3A_15 : vector<2000x128xf32> to vector<1x2000x128xf32>
    tpu.vector_store %arg3[%swap3A_16, %swap3A_17, %swap3A_18], %swap3A_21 {strides = array<i32>} : memref<2x2000x128xf32, #tpu.memory_space<vmem>>, vector<1x2000x128xf32>,
    return
  }
  func.func @transform_0(%arg0: i32) -> (i32, i32) {
    %c0_i32 = arith.constant 0 : i32
    %c0_i32_0 = arith.constant 0 : i32
    return %arg0, %c0_i32 : i32, i32
  }
  func.func @transform_1(%arg0: i32) -> (i32, i32) {
    %c0_i32 = arith.constant 0 : i32
    %c0_i32_0 = arith.constant 0 : i32
    %c0_i32_1 = arith.constant 0 : i32
    return %c0_i32, %c0_i32_0 : i32, i32
  }
  func.func @transform_2(%arg0: i32) -> (i32, i32, i32) {
    %c0_i32 = arith.constant 0 : i32
    %c0_i32_0 = arith.constant 0 : i32
    %c0_i32_1 = arith.constant 0 : i32
    return %c0_i32, %arg0, %c0_i32_0 : i32, i32, i32
  }
}

module attributes {stable_mosaic.version = 14 : i64} {
  func.func @_mm_mid_body(%arg0: i32, %arg1: memref<2x2000x128xf32, #tpu.memory_space<vmem>>, %arg2: memref<2x2000x128xf32, #tpu.memory_space<vmem>>, %arg3: memref<2x1x128xf32, #tpu.memory_space<vmem>>, %arg4: memref<256x256xf32, #tpu.memory_space<vmem>>, %arg5: memref<2x2000x128xf32, #tpu.memory_space<vmem>>) attributes {dimension_semantics = [#tpu.dimension_semantics<arbitrary>], iteration_bounds = array<i64: 5>, scalar_prefetch = 0 : i64, scratch_operands = 0 : i64, tpu.core_type = #tpu.core_type<tc>, window_params = [{transform_indices = @transform_0, window_bounds = array<i64: 2, 2000, 128>}, {transform_indices = @transform_1, window_bounds = array<i64: 2, 2000, 128>}, {pipeline_mode = #tpu.pipeline_mode<synchronous>, transform_indices = @transform_2, window_bounds = array<i64: 2, 1, 128>}, {pipeline_mode = #tpu.pipeline_mode<synchronous>, transform_indices = @transform_3, window_bounds = array<i64: 256, 256>}, {transform_indices = @transform_4, window_bounds = array<i64: 2, 2000, 128>}]} {
    %get3A = arith.constant 0 : index
    %get3A_0 = arith.constant 0 : index
    %get3A_1 = arith.constant 0 : index
    %get3A_2 = vector.load %arg1[%get3A, %get3A_0, %get3A_1] : memref<2x2000x128xf32, #tpu.memory_space<vmem>>, vector<1x2000x128xf32>
    %get3A_3 = vector.shape_cast %get3A_2 : vector<1x2000x128xf32> to vector<2000x128xf32>
    %get3A_4 = arith.constant 0 : index
    %get3A_5 = arith.constant 0 : index
    %get3A_6 = arith.constant 0 : index
    %get3A_7 = vector.load %arg2[%get3A_4, %get3A_5, %get3A_6] : memref<2x2000x128xf32, #tpu.memory_space<vmem>>, vector<1x2000x128xf32>
    %get3A_8 = vector.shape_cast %get3A_7 : vector<1x2000x128xf32> to vector<2000x128xf32>
    %add3A = arith.addf %get3A_3, %get3A_8 : vector<2000x128xf32>
    %get3A_9 = arith.constant 0 : index
    %get3A_10 = arith.constant 0 : index
    %get3A_11 = arith.constant 0 : index
    %get3A_12 = vector.load %arg3[%get3A_9, %get3A_10, %get3A_11] : memref<2x1x128xf32, #tpu.memory_space<vmem>>, vector<1x1x128xf32>
    %get3A_13 = vector.shape_cast %get3A_12 : vector<1x1x128xf32> to vector<1x128xf32>
    %add3A_14 = vector.broadcast %get3A_13 : vector<1x128xf32> to vector<2000x128xf32>
    %add3A_15 = arith.addf %add3A, %add3A_14 : vector<2000x128xf32>
    %gt3A = arith.constant 0.000000e+00 : f32
    %gt3A_16 = vector.broadcast %gt3A : f32 to vector<2000x128xf32>
    %gt3A_17 = arith.cmpf ogt, %add3A_15, %gt3A_16 : vector<2000x128xf32>
    %exp3A = math.exp %add3A_15 : vector<2000x128xf32>
    %sub3A = arith.constant 1.000000e+00 : f32
    %sub3A_18 = vector.broadcast %sub3A : f32 to vector<2000x128xf32>
    %sub3A_19 = arith.subf %exp3A, %sub3A_18 : vector<2000x128xf32>
    %select_n3A = arith.select %gt3A_17, %add3A_15, %sub3A_19 : vector<2000x128xi1>, vector<2000x128xf32>
    %get3A_20 = arith.constant 1 : index
    %get3A_21 = arith.constant 0 : index
    %get3A_22 = arith.constant 0 : index
    %get3A_23 = vector.load %arg1[%get3A_20, %get3A_21, %get3A_22] : memref<2x2000x128xf32, #tpu.memory_space<vmem>>, vector<1x2000x128xf32>
    %get3A_24 = vector.shape_cast %get3A_23 : vector<1x2000x128xf32> to vector<2000x128xf32>
    %get3A_25 = arith.constant 1 : index
    %get3A_26 = arith.constant 0 : index
    %get3A_27 = arith.constant 0 : index
    %get3A_28 = vector.load %arg2[%get3A_25, %get3A_26, %get3A_27] : memref<2x2000x128xf32, #tpu.memory_space<vmem>>, vector<1x2000x128xf32>
    %get3A_29 = vector.shape_cast %get3A_28 : vector<1x2000x128xf32> to vector<2000x128xf32>
    %add3A_30 = arith.addf %get3A_24, %get3A_29 : vector<2000x128xf32>
    %get3A_31 = arith.constant 1 : index
    %get3A_32 = arith.constant 0 : index
    %get3A_33 = arith.constant 0 : index
    %get3A_34 = vector.load %arg3[%get3A_31, %get3A_32, %get3A_33] : memref<2x1x128xf32, #tpu.memory_space<vmem>>, vector<1x1x128xf32>
    %get3A_35 = vector.shape_cast %get3A_34 : vector<1x1x128xf32> to vector<1x128xf32>
    %add3A_36 = vector.broadcast %get3A_35 : vector<1x128xf32> to vector<2000x128xf32>
    %add3A_37 = arith.addf %add3A_30, %add3A_36 : vector<2000x128xf32>
    %gt3A_38 = arith.constant 0.000000e+00 : f32
    %gt3A_39 = vector.broadcast %gt3A_38 : f32 to vector<2000x128xf32>
    %gt3A_40 = arith.cmpf ogt, %add3A_37, %gt3A_39 : vector<2000x128xf32>
    %exp3A_41 = math.exp %add3A_37 : vector<2000x128xf32>
    %sub3A_42 = arith.constant 1.000000e+00 : f32
    %sub3A_43 = vector.broadcast %sub3A_42 : f32 to vector<2000x128xf32>
    %sub3A_44 = arith.subf %exp3A_41, %sub3A_43 : vector<2000x128xf32>
    %select_n3A_45 = arith.select %gt3A_40, %add3A_37, %sub3A_44 : vector<2000x128xi1>, vector<2000x128xf32>
    %get3A_46 = arith.constant 0 : index
    %get3A_47 = arith.constant 0 : index
    %get3A_48 = vector.load %arg4[%get3A_46, %get3A_47] : memref<256x256xf32, #tpu.memory_space<vmem>>, vector<128x256xf32>
    %dot_general3A = arith.constant dense<0.000000e+00> : vector<2000x256xf32>
    %dot_general3A_49 = tpu.matmul %select_n3A, %get3A_48, %dot_general3A {dimension_numbers = #tpu.dot_dimension_numbers<[1], [0], [0], [1], [0, 0, 1, 1], [], []>, transpose_lhs_hint = false} : vector<2000x128xf32>, vector<128x256xf32>, vector<2000x256xf32> -> vector<2000x256xf32>
    %get3A_50 = arith.constant 128 : index
    %get3A_51 = arith.constant 0 : index
    %get3A_52 = vector.load %arg4[%get3A_50, %get3A_51] : memref<256x256xf32, #tpu.memory_space<vmem>>, vector<128x256xf32>
    %dot_general3A_53 = arith.constant dense<0.000000e+00> : vector<2000x256xf32>
    %dot_general3A_54 = tpu.matmul %select_n3A_45, %get3A_52, %dot_general3A_53 {dimension_numbers = #tpu.dot_dimension_numbers<[1], [0], [0], [1], [0, 0, 1, 1], [], []>, transpose_lhs_hint = false} : vector<2000x128xf32>, vector<128x256xf32>, vector<2000x256xf32> -> vector<2000x256xf32>
    %add3A_55 = arith.addf %dot_general3A_49, %dot_general3A_54 : vector<2000x256xf32>
    %slice3A = vector.extract_strided_slice %add3A_55 {offsets = [0, 0], sizes = [2000, 128], strides = [1, 1]} : vector<2000x256xf32> to vector<2000x128xf32>
    %swap3A = arith.constant 0 : index
    %swap3A_56 = arith.constant 0 : index
    %swap3A_57 = arith.constant 0 : index
    %swap3A_58 = vector.load %arg5[%swap3A, %swap3A_56, %swap3A_57] : memref<2x2000x128xf32, #tpu.memory_space<vmem>>, vector<1x2000x128xf32>
    %swap3A_59 = vector.shape_cast %swap3A_58 : vector<1x2000x128xf32> to vector<2000x128xf32>
    %swap3A_60 = vector.shape_cast %slice3A : vector<2000x128xf32> to vector<1x2000x128xf32>
    tpu.vector_store %arg5[%swap3A, %swap3A_56, %swap3A_57], %swap3A_60 {strides = array<i32>} : memref<2x2000x128xf32, #tpu.memory_space<vmem>>, vector<1x2000x128xf32>,
    %slice3A_61 = vector.extract_strided_slice %add3A_55 {offsets = [0, 128], sizes = [2000, 128], strides = [1, 1]} : vector<2000x256xf32> to vector<2000x128xf32>
    %swap3A_62 = arith.constant 1 : index
    %swap3A_63 = arith.constant 0 : index
    %swap3A_64 = arith.constant 0 : index
    %swap3A_65 = vector.load %arg5[%swap3A_62, %swap3A_63, %swap3A_64] : memref<2x2000x128xf32, #tpu.memory_space<vmem>>, vector<1x2000x128xf32>
    %swap3A_66 = vector.shape_cast %swap3A_65 : vector<1x2000x128xf32> to vector<2000x128xf32>
    %swap3A_67 = vector.shape_cast %slice3A_61 : vector<2000x128xf32> to vector<1x2000x128xf32>
    tpu.vector_store %arg5[%swap3A_62, %swap3A_63, %swap3A_64], %swap3A_67 {strides = array<i32>} : memref<2x2000x128xf32, #tpu.memory_space<vmem>>, vector<1x2000x128xf32>,
    return
  }
  func.func @transform_0(%arg0: i32) -> (i32, i32, i32) {
    %c0_i32 = arith.constant 0 : i32
    %c0_i32_0 = arith.constant 0 : i32
    %c0_i32_1 = arith.constant 0 : i32
    return %c0_i32, %arg0, %c0_i32_0 : i32, i32, i32
  }
  func.func @transform_1(%arg0: i32) -> (i32, i32, i32) {
    %c0_i32 = arith.constant 0 : i32
    %c0_i32_0 = arith.constant 0 : i32
    %c0_i32_1 = arith.constant 0 : i32
    return %c0_i32, %arg0, %c0_i32_0 : i32, i32, i32
  }
  func.func @transform_2(%arg0: i32) -> (i32, i32, i32) {
    %c0_i32 = arith.constant 0 : i32
    %c0_i32_0 = arith.constant 0 : i32
    %c0_i32_1 = arith.constant 0 : i32
    %c0_i32_2 = arith.constant 0 : i32
    return %c0_i32, %c0_i32_0, %c0_i32_1 : i32, i32, i32
  }
  func.func @transform_3(%arg0: i32) -> (i32, i32) {
    %c0_i32 = arith.constant 0 : i32
    %c0_i32_0 = arith.constant 0 : i32
    %c0_i32_1 = arith.constant 0 : i32
    return %c0_i32, %c0_i32_0 : i32, i32
  }
  func.func @transform_4(%arg0: i32) -> (i32, i32, i32) {
    %c0_i32 = arith.constant 0 : i32
    %c0_i32_0 = arith.constant 0 : i32
    %c0_i32_1 = arith.constant 0 : i32
    return %c0_i32, %arg0, %c0_i32_0 : i32, i32, i32
  }
}

module attributes {stable_mosaic.version = 14 : i64} {
  func.func @_final_body(%arg0: i32, %arg1: memref<2x2000x128xf32, #tpu.memory_space<vmem>>, %arg2: memref<2x2000x128xf32, #tpu.memory_space<vmem>>, %arg3: memref<2x1x128xf32, #tpu.memory_space<vmem>>, %arg4: memref<2000x256xf32, #tpu.memory_space<vmem>>) attributes {dimension_semantics = [#tpu.dimension_semantics<arbitrary>], iteration_bounds = array<i64: 5>, scalar_prefetch = 0 : i64, scratch_operands = 0 : i64, tpu.core_type = #tpu.core_type<tc>, window_params = [{transform_indices = @transform_0, window_bounds = array<i64: 2, 2000, 128>}, {transform_indices = @transform_1, window_bounds = array<i64: 2, 2000, 128>}, {pipeline_mode = #tpu.pipeline_mode<synchronous>, transform_indices = @transform_2, window_bounds = array<i64: 2, 1, 128>}, {transform_indices = @transform_3, window_bounds = array<i64: 2000, 256>}]} {
    %get3A = arith.constant 0 : index
    %get3A_0 = arith.constant 0 : index
    %get3A_1 = arith.constant 0 : index
    %get3A_2 = vector.load %arg1[%get3A, %get3A_0, %get3A_1] : memref<2x2000x128xf32, #tpu.memory_space<vmem>>, vector<1x2000x128xf32>
    %get3A_3 = vector.shape_cast %get3A_2 : vector<1x2000x128xf32> to vector<2000x128xf32>
    %get3A_4 = arith.constant 0 : index
    %get3A_5 = arith.constant 0 : index
    %get3A_6 = arith.constant 0 : index
    %get3A_7 = vector.load %arg2[%get3A_4, %get3A_5, %get3A_6] : memref<2x2000x128xf32, #tpu.memory_space<vmem>>, vector<1x2000x128xf32>
    %get3A_8 = vector.shape_cast %get3A_7 : vector<1x2000x128xf32> to vector<2000x128xf32>
    %add3A = arith.addf %get3A_3, %get3A_8 : vector<2000x128xf32>
    %get3A_9 = arith.constant 0 : index
    %get3A_10 = arith.constant 0 : index
    %get3A_11 = arith.constant 0 : index
    %get3A_12 = vector.load %arg3[%get3A_9, %get3A_10, %get3A_11] : memref<2x1x128xf32, #tpu.memory_space<vmem>>, vector<1x1x128xf32>
    %get3A_13 = vector.shape_cast %get3A_12 : vector<1x1x128xf32> to vector<1x128xf32>
    %add3A_14 = vector.broadcast %get3A_13 : vector<1x128xf32> to vector<2000x128xf32>
    %add3A_15 = arith.addf %add3A, %add3A_14 : vector<2000x128xf32>
    %swap3A = arith.constant 0 : index
    %swap3A_16 = arith.constant 0 : index
    %swap3A_17 = vector.load %arg4[%swap3A, %swap3A_16] : memref<2000x256xf32, #tpu.memory_space<vmem>>, vector<2000x128xf32>
    tpu.vector_store %arg4[%swap3A, %swap3A_16], %add3A_15 {strides = array<i32>} : memref<2000x256xf32, #tpu.memory_space<vmem>>, vector<2000x128xf32>,
    %get3A_18 = arith.constant 1 : index
    %get3A_19 = arith.constant 0 : index
    %get3A_20 = arith.constant 0 : index
    %get3A_21 = vector.load %arg1[%get3A_18, %get3A_19, %get3A_20] : memref<2x2000x128xf32, #tpu.memory_space<vmem>>, vector<1x2000x128xf32>
    %get3A_22 = vector.shape_cast %get3A_21 : vector<1x2000x128xf32> to vector<2000x128xf32>
    %get3A_23 = arith.constant 1 : index
    %get3A_24 = arith.constant 0 : index
    %get3A_25 = arith.constant 0 : index
    %get3A_26 = vector.load %arg2[%get3A_23, %get3A_24, %get3A_25] : memref<2x2000x128xf32, #tpu.memory_space<vmem>>, vector<1x2000x128xf32>
    %get3A_27 = vector.shape_cast %get3A_26 : vector<1x2000x128xf32> to vector<2000x128xf32>
    %add3A_28 = arith.addf %get3A_22, %get3A_27 : vector<2000x128xf32>
    %get3A_29 = arith.constant 1 : index
    %get3A_30 = arith.constant 0 : index
    %get3A_31 = arith.constant 0 : index
    %get3A_32 = vector.load %arg3[%get3A_29, %get3A_30, %get3A_31] : memref<2x1x128xf32, #tpu.memory_space<vmem>>, vector<1x1x128xf32>
    %get3A_33 = vector.shape_cast %get3A_32 : vector<1x1x128xf32> to vector<1x128xf32>
    %add3A_34 = vector.broadcast %get3A_33 : vector<1x128xf32> to vector<2000x128xf32>
    %add3A_35 = arith.addf %add3A_28, %add3A_34 : vector<2000x128xf32>
    %swap3A_36 = arith.constant 0 : index
    %swap3A_37 = arith.constant 128 : index
    %swap3A_38 = vector.load %arg4[%swap3A_36, %swap3A_37] : memref<2000x256xf32, #tpu.memory_space<vmem>>, vector<2000x128xf32>
    tpu.vector_store %arg4[%swap3A_36, %swap3A_37], %add3A_35 {strides = array<i32>} : memref<2000x256xf32, #tpu.memory_space<vmem>>, vector<2000x128xf32>,
    return
  }
  func.func @transform_0(%arg0: i32) -> (i32, i32, i32) {
    %c0_i32 = arith.constant 0 : i32
    %c0_i32_0 = arith.constant 0 : i32
    %c0_i32_1 = arith.constant 0 : i32
    return %c0_i32, %arg0, %c0_i32_0 : i32, i32, i32
  }
  func.func @transform_1(%arg0: i32) -> (i32, i32, i32) {
    %c0_i32 = arith.constant 0 : i32
    %c0_i32_0 = arith.constant 0 : i32
    %c0_i32_1 = arith.constant 0 : i32
    return %c0_i32, %arg0, %c0_i32_0 : i32, i32, i32
  }
  func.func @transform_2(%arg0: i32) -> (i32, i32, i32) {
    %c0_i32 = arith.constant 0 : i32
    %c0_i32_0 = arith.constant 0 : i32
    %c0_i32_1 = arith.constant 0 : i32
    %c0_i32_2 = arith.constant 0 : i32
    return %c0_i32, %c0_i32_0, %c0_i32_1 : i32, i32, i32
  }
  func.func @transform_3(%arg0: i32) -> (i32, i32) {
    %c0_i32 = arith.constant 0 : i32
    %c0_i32_0 = arith.constant 0 : i32
    return %arg0, %c0_i32 : i32, i32
  }
}

</mosaic_0001>

<sc_bundles>
// kernel: kernel.12.cloned.1.call-start
scs
__scs_entry_jumppad:
0x0: {  	(pc) =	sbr.rel $0x88, $3  }
0x1: {  	(tag) =	ssettag $0x0;
	lr =	simm.s32 $0x1  }
0x2: {  	[smem:$0x3F99] =	sst lr;
	_ =	strace $0xD0000000  }
0x3: {  	_ = 	snop  }
0x4: {  	_ = 	snop  }
0x5: {  	_ = 	snop  }
0x6: {  	_ = 	snop  }
0x7: {  	_ = 	snop  }
__scs_overlays_trampoline_lowered:
0x8: {  	[smem:$0x3FA8] =	sst s0  }
0x9: {  	[smem:$0x3FA9] =	sst s1  }
0xa: {  	[smem:$0x3FAA] =	sst s2  }
0xb: {  	[smem:$0x3FAB] =	sst s3  }
0xc: {  	[smem:$0x3FAC] =	sst s4  }
0xd: {  	[smem:$0x3FAD] =	sst s5  }
0xe: {  	[smem:$0x3FAE] =	sst s6  }
0xf: {  	[smem:$0x3FAF] =	sst s7  }
0x10: {  	[smem:$0x3FB0] =	sst s8  }
0x11: {  	[smem:$0x3FB1] =	sst s9;
	s0 =	simm.s32 @!p0 $0x0  }
0x12: {  	s1 =	sld [smem:$0x3F97];
	s0 =	simm.s32 @p0 $0x1  }
0x13: {  	[smem:$0x3FB2] =	sst s0;
	s0 =	simm.s32 @!p1 $0x0  }
0x14: {  	s2 =	sld [smem:$0x3F96];
	s0 =	simm.s32 @p1 $0x1  }
0x15: {  	[smem:$0x3FB3] =	sst s0;
	s0 =	simm.s32 @!p2 $0x0  }
0x16: {  	s3 =	sld [smem:$0x3FDB];
	s0 =	simm.s32 @p2 $0x1  }
0x17: {  	s4 =	simm.s32 $0x1BF5;
	[smem:$0x3FB5] =	sst s0  }
0x18: {  	s0 =	sld [smem:$0x3F98];
	_ =	swait.ge [sflag:s4], $0x0  }
0x19: {  	s7 =	sld [smem:$0x3F99]  }
0x1a: {  	s8 =	sadd.s32 $0xFFFFE003, lr  }
0x1b: {  	s9 =	sadd.s32 $0xFFFFFEF7, lr;
	s5 =	simm.s32 $0xFFFFFFFF;
	p2 =	slt.u32 s8, $0xFFFFF086  }
0x1c: {  	p1 =	slt.u32 s9, $0xF7A;
	s5 =	simm.s32 @!p2 $0x0  }
0x1d: {  	s5 =	simm.s32 @p1 $0x1;
	p0 =	seq.s32 s7, s2  }
0x1e: {  	s7 =	smul.u32 @!p0 $0xF7A, s2;
	p2 =	seq.s32 @!p0 s5, $0x0  }
0x1f: {  	s9 =	smul.u32 $0xF7A, s1;
	s8 =	simm.s32 @!p0 $0x1BF5;
	p2 =	por !p2, p0  }
0x20: {  	[sflag:s8] =	ssyncset.s32 @!p0 $0xFFFFF086;
	s6 =	sadd.s32 @!p0 s3, s7;
	s7 =	simm.s32 @!p0 $0x108  }
0x21: {  	s3 =	sadd.s32 s3, s9;
	s6 =	sadd.s32 @!p0 $0x88, s6;
	s7 =	simm.s32 @p2 $0x1082  }
0x22: {  	[simem:s7], [sflag:s8] =	dma.local @!p0 [hbm:s6], $0xF7A  }
0x23: {  	s9 =	sor.u32 $0xD0000000, s2;
	s6 =	simm.s32 $0x108;
	_ =	swait.ge @!p0 [sflag:s8], $0x0  }
0x24: {  	s3 =	sadd.s32 $0x88, s3;
	s6 =	simm.s32 @!p1 $0x1082;
	[sflag:s4] =	ssyncset.s32 $0xFFFFF086  }
0x25: {  	[simem:s6], [sflag:s4] =	dma.local [hbm:s3], $0xF7A  }
0x26: {  	[smem:$0x3F99] =	sst s1;
	(tag) =	ssettag s2;
	_ =	strace s9  }
0x27: {  	s1 =	sld [smem:$0x3FA9]  }
0x28: {  	s2 =	sld [smem:$0x3FAA]  }
0x29: {  	s4 =	sld [smem:$0x3FAC]  }
0x2a: {  	p0 =	seq.s32 s5, $0x0;
	s5 =	sld [smem:$0x3FAD]  }
0x2b: {  	s6 =	sld [smem:$0x3FAE]  }
0x2c: {  	s7 =	sld [smem:$0x3FAF]  }
0x2d: {  	s3 =	simm.s32 $0x108;
	s8 =	sld [smem:$0x3FB0]  }
0x2e: {  	s3 =	simm.s32 @!p0 $0x1082;
	s9 =	sld [smem:$0x3FB1]  }
0x2f: {  	lr =	sadd.s32 s0, s3;
	s0 =	sld [smem:$0x3FA8]  }
0x30: {  	s3 =	sld [smem:$0x3FAB]  }
0x31: {  	[smem:$0x3FB4] =	sst s10  }
0x32: {  	s10 =	sld [smem:$0x3FB2];
	_ =	sdelay $0x3  }
0x33: {  	p0 =	seq.s32 s10, $0x1;
	s10 =	sld [smem:$0x3FB4];
	_ =	sdelay $0x3  }
0x34: {  	[smem:$0x3FB4] =	sst s10  }
0x35: {  	s10 =	sld [smem:$0x3FB3];
	_ =	sdelay $0x3  }
0x36: {  	p1 =	seq.s32 s10, $0x1;
	s10 =	sld [smem:$0x3FB4];
	_ =	sdelay $0x3  }
0x37: {  	[smem:$0x3FB4] =	sst s10  }
0x38: {  	s10 =	sld [smem:$0x3FB5]  }
0x39: {  	_ = 	snop;
	(pc) =	sbr.ind lr, $3  }
0x3a: {  	_ = 	snop  }
0x3b: {  	_ = 	snop  }
0x3c: {  	p2 =	seq.s32 s10, $0x1;
	s10 =	sld [smem:$0x3FB4]  }
0x3d: {  	_ =	shalt  }
0x3e: {  	_ =	shalt  }
0x3f: {  	_ =	shalt  }
0x40: {  	_ =	shalt  }
0x41: {  	_ =	shalt  }
0x42: {  	_ =	shalt  }
0x43: {  	_ =	shalt  }
0x44: {  	_ =	shalt  }
0x45: {  	_ =	shalt  }
0x46: {  	_ =	shalt  }
0x47: {  	_ =	shalt  }
0x48: {  	_ =	shalt  }
0x49: {  	_ =	shalt  }
0x4a: {  	_ =	shalt  }
0x4b: {  	_ =	shalt  }
0x4c: {  	_ =	shalt  }
0x4d: {  	_ =	shalt  }
0x4e: {  	_ =	shalt  }
0x4f: {  	_ =	shalt  }
0x50: {  	_ =	shalt  }
0x51: {  	_ =	shalt  }
0x52: {  	_ =	shalt  }
0x53: {  	_ =	shalt  }
0x54: {  	_ =	shalt  }
0x55: {  	_ =	shalt  }
0x56: {  	_ =	shalt  }
0x57: {  	_ =	shalt  }
0x58: {  	_ =	shalt  }
0x59: {  	_ =	shalt  }
0x5a: {  	_ =	shalt  }
0x5b: {  	_ =	shalt  }
0x5c: {  	_ =	shalt  }
0x5d: {  	_ =	shalt  }
0x5e: {  	_ =	shalt  }
0x5f: {  	_ =	shalt  }
0x60: {  	_ =	shalt  }
0x61: {  	_ =	shalt  }
0x62: {  	_ =	shalt  }
0x63: {  	_ =	shalt  }
0x64: {  	_ =	shalt  }
0x65: {  	_ =	shalt  }
0x66: {  	_ =	shalt  }
0x67: {  	_ =	shalt  }
0x68: {  	_ =	shalt  }
0x69: {  	_ =	shalt  }
0x6a: {  	_ =	shalt  }
0x6b: {  	_ =	shalt  }
0x6c: {  	_ =	shalt  }
0x6d: {  	_ =	shalt  }
0x6e: {  	_ =	shalt  }
0x6f: {  	_ =	shalt  }
0x70: {  	_ =	shalt  }
0x71: {  	_ =	shalt  }
0x72: {  	_ =	shalt  }
0x73: {  	_ =	shalt  }
0x74: {  	_ =	shalt  }
0x75: {  	_ =	shalt  }
0x76: {  	_ =	shalt  }
0x77: {  	_ =	shalt  }
0x78: {  	_ =	shalt  }
0x79: {  	_ =	shalt  }
0x7a: {  	_ =	shalt  }
0x7b: {  	_ =	shalt  }
0x7c: {  	_ =	shalt  }
0x7d: {  	_ =	shalt  }
0x7e: {  	_ =	shalt  }
0x7f: {  	_ =	shalt  }
0x80: {  	_ =	shalt  }
0x81: {  	_ =	shalt  }
0x82: {  	_ =	shalt  }
0x83: {  	_ =	shalt  }
0x84: {  	_ =	shalt  }
0x85: {  	_ =	shalt  }
0x86: {  	_ =	shalt  }
0x87: {  	_ =	shalt  }
.Lfunc_end0:
.L_simem_size_0:
called_computation.1_lowered:
.L_overlay_start_0:
0x88: {  	s2 =	sld [smem:$0x3FD9]  }
0x89: {  	s3 =	sld [smem:$0x3FFE];
	_ =	sdelay $0x1  }
0x8a: {  	s1 =	srdreg.scid  }
0x8b: {  	s0 =	sand.u32 $0x1, s1  }
0x8c: {  	s17 =	sshll.u32 s0, $0xA;
	s2 =	sadd.s32 s3, s2  }
0x8d: {  	s2 =	sadd.s32 s2, s17  }
0x8e: {  	[smem:$0x3FC0] =	sst s2  }
0x8f: {  	_ = 	snop  }
0x90: {  	s2 =	sld [smem:$0x3FD0];
	(tm) =	ssettm $0x1  }
0x91: {  	s18 =	sld [smem:$0x3FFB];
	_ =	sdelay $0x3  }
0x92: {  	_ =	strace s18  }
0x93: {  	s3 =	sld [smem:$0x3FFC];
	_ =	sdelay $0x3  }
0x94: {  	_ =	strace s3  }
0x95: {  	s3 =	sld [smem:$0x3FFD];
	_ =	sdelay $0x3  }
0x96: {  	_ =	strace s3  }
0x97: {  	_ =	strace $0x8FFFFFFF  }
0x98: {  	s19 =	sld [smem:$0x3FDB];
	_ =	sdelay $0x1  }
0x99: {  	s4 =	simm.s32 $_scs_section_size  }
0x9a: {  	s5 =	simm.s32 $_size__tile_overlayer_lowered;
	s6 =	simm.s32 $_tile_overlayer_lowered  }
0x9b: {  	s22 =	simm.s32 $0x1BFF;
	s21 =	sshll.u32 s6, $0x1;
	s3 =	sadd.s32 s4, s19  }
0x9c: {  	s7 =	simm.s32 $0x0;
	s20 =	sshll.u32 s5, $0x1;
	s5 =	sadd.s32 s21, s3  }
0x9d: {  	[timem:s7], [sflag:s22] =	dma.local [hbm:s5], s20  }
0x9e: {  	_ =	swait.ge [sflag:s22], s20  }
0x9f: {  	s4 =	ssub.s32 $0x0, s20;
	[sflag:s22] =	ssyncset.done $0x0  }
0xa0: {  	[sflag:s22] =	ssyncadd.s32 s4;
	_ =	sdelay $0x1  }
0xa1: {  	s23 =	simm.s32 $0x1B8B  }
0xa2: {  	_ =	swait.ge [sflag:s23], $0x1  }
0xa3: {  	[sflag:s23] =	ssyncset.done $0x0  }
0xa4: {  	s25 =	simm.s32 $0x1B8E;
	s24 =	sld [smem:$0x3FFE];
	[sflag:s23] =	ssyncadd.s32 $0xFFFFFFFF  }
0xa5: {  	s26 =	simm.s32 $execute0_lowered;
	[smem:$0x3FD2] =	sst s25  }
0xa6: {  	s5 =	sshll.u32 s26, $0x1;
	_ =	strace $0x80000049;
	[dreg:$0x1] =	wrdreg $0xFFFFFFFF  }
0xa7: {  	s28 =	simm.s32 $_size_execute0_lowered;
	s3 =	sadd.s32 s3, s5;
	[dreg:$0x0] =	wrdreg $0x0  }
0xa8: {  	s5 =	sshll.u32 s28, $0x1;
	[dreg:$0x2] =	wrdreg s3  }
0xa9: {  	[dreg:$0x3] =	wrdreg s5  }
0xaa: {  	[dreg:$0x4] =	wrdreg $0xC0  }
0xab: {  	_ =	task [dreg:s7], $0x5FFFF  }
0xac: {  	[dreg:$0x1] =	wrdreg $0xFFFFFFFF  }
0xad: {  	[dreg:$0x0] =	wrdreg $0x60  }
0xae: {  	[dreg:$0x2] =	wrdreg s2  }
0xaf: {  	[dreg:$0x3] =	wrdreg s24  }
0xb0: {  	[dreg:$0x4] =	wrdreg $0xA8000  }
0xb1: {  	[dreg:$0x5] =	wrdreg $0x9  }
0xb2: {  	_ =	task.clear_ibuf [dreg:s7], $0x6FFFF;
	_ =	strace $0x90000049  }
0xb3: {  	s29 =	simm.s32 $0x9;
	_ =	strace $0x8000004B  }
0xb4: {  	_ =	swait.ge [sflag:s29], $0x1  }
0xb5: {  	[sflag:s29] =	ssyncadd.s32 $0xFFFFFFFF  }
0xb6: {  	_ =	strace $0x9000004B  }
0xb7: {  	_ =	sfence  }
0xb8: {  	s30 =	sld [smem:$0x0];
	_ =	sdelay $0x2  }
0xb9: {  	s31 =	sshll.u32 s1, $0xD;
	s1 =	sshrl.u32 s1, $0x2  }
0xba: {  	s3 =	sand.u32 $0x4000, s31;
	s1 =	sadd.s32 s1, s30  }
0xbb: {  	s0 =	sor.u32 s3, s0;
	s1 =	sshll.u32 s1, $0x11  }
0xbc: {  	s0 =	sor.u32 s1, s0  }
0xbd: {  	s0 =	sadd.s32 $0x8F2B, s0  }
0xbe: {  	[sflag:s0] =	ssyncadd.remote.s32 $0x1  }
0xbf: {  	_ =	sfence.sel $0xFFFF  }
0xc0: {  	[dreg:$0x0] =	wrdreg $0xFFFFFFFF;
	(pc) =	sbr.abs _section_cstart, $3  }
0xc1: {  	[dreg:$0x1] =	wrdreg $0xFFFFFFFF  }
0xc2: {  	_ =	task.clear_ibuf [dreg:s7], $0x2FFFF;
	_ =	strace $0x9FFFFFFF  }
0xc3: {  	(tm) =	ssettm $0x7FFFFFFF  }
tec
execute0_lowered:
.L_overlay_start_1:
0x0: {  	(tag) =	ssettag $0x1  }
0x1: {  	s1 =	rddreg [dreg:$0x0]  }
0x2: {  	s6 =	rddreg [dreg:$0x1]  }
0x3: {  	s2 =	rddreg [dreg:$0x2]  }
0x4: {  	s4 =	srdreg.scid;
	s0 =	rddreg [dreg:$0x3]  }
0x5: {  	s3 =	simm.s32 $0x0;
	s12 =	simm.s32 $0x2800;
	s13 =	simm.s32 $0x100  }
0x6: {  	s14 =	simm.s32 $0x6800;
	s15 =	simm.s32 $0x1;
	s7 =	sand.u32 $0x1, s4  }
0x7: {  	s16 =	simm.s32 $0x80;
	s17 =	simm.s32 $0x2;
	s5 =	smul.u32 $0xA000, s7  }
0x8: {  	s18 =	simm.s32 $0x180;
	s4 =	stileid.u32;
	s8 =	smul.u32 $0x27800, s7  }
0x9: {  	s19 =	simm.s32 $0x3;
	[smem:$0x7FF] =	sst s3;
	s10 =	smul.u32 $0x4F000, s4  }
0xa: {  	s20 =	simm.s32 $0x4;
	_ =	strace $0x8000004A;
	s11 =	smul.u32 $0x5000, s4  }
0xb: {  	s28 =	ssub.s32 $0x2, s7;
	s29 =	sshll.u32 s4, $0x6;
	s31 =	smul.u32 $0xA00, s4  }
0xc: {  	s24 =	smul.u32 $0x2780, s4;
	s7 =	sshrl.u32 s28, $0x1;
	s9 =	sadd.s32 s5, s6  }
0xd: {  	s5 =	sadd.s32 $0x18000, s6;
	s8 =	sadd.s32 s8, s6;
	s10 =	sshrl.u32 s10, $0x2  }
0xe: {  	s7 =	ssub.s32 s28, s7;
	s6 =	sor.u32 $0x1C05, s29;
	s30 =	sshrl.u32 s11, $0x3  }
0xf: {  	s11 =	simm.s32 $0x7D;
	s10 =	sadd.s32 s10, s2;
	s21 =	sadd.s32 $0x4000, s9  }
0x10: {  	s22 =	sadd.s32 $0x500, s30;
	s23 =	sadd.s32 $0x1A800, s8;
	s7 =	smax.u32 s7, $0x1  }
0x11: {  	s9 =	simm.s32 $0x5;
	s8 =	sshrl.u32 s10, $0x3;
	s10 =	sadd.s32 s31, s21  }
0x12: {  	s21 =	sadd.s32 s22, s21;
	s22 =	sadd.s32 s24, s23;
	s23 =	simm.s32 $0x0  }
.LBB2_1:
0x13: {  	[spmem:s8], [sflag:s6] =	dma.local [hbm:s5], $0x2780  }
0x14: {  	_ =	swait.ge [sflag:s9], $0x2780  }
0x15: {  	[sflag:s9] =	ssyncset.done $0x0  }
0x16: {  	[sflag:s9] =	ssyncadd.s32 $0xFFFFD880  }
0x17: {  	[tilespmem:s3], [sflag:$0x5] =	stream.linear.gather [hbm4b:s10+s3], $0x2800, $0x38;
	[tilespmem:$0x1E400] =	vst v63  }
0x18: {  	_ =	swait.ge [sflag:s9], $0x2800  }
0x19: {  	[sflag:s9] =	ssyncset.done $0x0  }
0x1a: {  	[sflag:s9] =	ssyncadd.s32 $0xFFFFD800  }
0x1b: {  	[bflag:$0x0] =	sbarrier.arrive $0xFFFF  }
0x1c: {  	[tilespmem:s12], [sflag:$0x1] =	stream.indirect.gather [hbm4b:s1+s11], $0x80, s3, s11, $0xb8;
	[tilespmem:$0x1E400] =	vst v63  }
0x1d: {  	_ = 	snop  }
0x1e: {  	[tilespmem:s14], [sflag:$0x2] =	stream.indirect.gather [hbm4b:s1+s11], $0x80, s13, s11, $0xb8;
	[tilespmem:$0x1E400] =	vst v63  }
0x1f: {  	_ =	swait.ge [sflag:s15], $0x3E80  }
0x20: {  	[sflag:s15] =	ssyncset.done $0x0  }
0x21: {  	[sflag:s15] =	ssyncadd.s32 $0xFFFFC180  }
0x22: {  	[spmem:s2] =	stream.indirect.scatter.add.f32 [tilespmem:s12], [sflag:$0x3], $0x80, s16, s11, $0xb8;
	[tilespmem:$0x1E400] =	vst v63  }
0x23: {  	_ =	swait.ge [sflag:s17], $0x3E80  }
0x24: {  	[sflag:s17] =	ssyncset.done $0x0  }
0x25: {  	[sflag:s17] =	ssyncadd.s32 $0xFFFFC180  }
0x26: {  	[spmem:s2] =	stream.indirect.scatter.add.f32 [tilespmem:s14], [sflag:$0x4], $0x80, s18, s11, $0xb8;
	[tilespmem:$0x1E400] =	vst v63  }
0x27: {  	_ =	swait.ge [sflag:s19], $0x3E80  }
0x28: {  	[sflag:s19] =	ssyncset.done $0x0  }
0x29: {  	[sflag:s19] =	ssyncadd.s32 $0xFFFFC180  }
0x2a: {  	_ =	swait.ge [sflag:s20], $0x3E80  }
0x2b: {  	[sflag:s20] =	ssyncset.done $0x0  }
0x2c: {  	s24 =	simm.s32 $0x200;
	[sflag:s20] =	ssyncadd.s32 $0xFFFFC180  }
0x2d: {  	[tilespmem:s12], [sflag:$0x1] =	stream.indirect.gather [hbm4b:s1+s11], $0x80, s24, s11, $0xb8;
	[tilespmem:$0x1E400] =	vst v63  }
0x2e: {  	s30 =	simm.s32 $0x300  }
0x2f: {  	[tilespmem:s14], [sflag:$0x2] =	stream.indirect.gather [hbm4b:s1+s11], $0x80, s30, s11, $0xb8;
	[tilespmem:$0x1E400] =	vst v63  }
0x30: {  	_ =	swait.ge [sflag:s15], $0x3E80  }
0x31: {  	[sflag:s15] =	ssyncset.done $0x0  }
0x32: {  	s31 =	simm.s32 $0x280;
	[sflag:s15] =	ssyncadd.s32 $0xFFFFC180  }
0x33: {  	[spmem:s2] =	stream.indirect.scatter.add.f32 [tilespmem:s12], [sflag:$0x3], $0x80, s31, s11, $0xb8;
	[tilespmem:$0x1E400] =	vst v63  }
0x34: {  	_ =	swait.ge [sflag:s17], $0x3E80  }
0x35: {  	[sflag:s17] =	ssyncset.done $0x0  }
0x36: {  	s25 =	simm.s32 $0x380;
	s24 =	simm.s32 $0xFFFF7000;
	[sflag:s17] =	ssyncadd.s32 $0xFFFFC180  }
.LBB2_2:
0x37: {  	[spmem:s2] =	stream.indirect.scatter.add.f32 [tilespmem:s14], [sflag:$0x4], $0x80, s25, s11, $0xb8;
	[tilespmem:$0x1E400] =	vst v63  }
0x38: {  	s25 =	smov.u32 s24  }
0x39: {  	p0 =	sne.s32 s24, $0xFFFFF800;
	s24 =	sadd.s32 $0x800, s24;
	_ =	swait.ge [sflag:s19], $0x3E80  }
0x3a: {  	[sflag:s19] =	ssyncset.done $0x0  }
0x3b: {  	[sflag:s19] =	ssyncadd.s32 $0xFFFFC180  }
0x3c: {  	_ =	swait.ge [sflag:s20], $0x3E80  }
0x3d: {  	s25 =	sshra.s32 s25, $0x2;
	[sflag:s20] =	ssyncset.done $0x0  }
0x3e: {  	s26 =	sadd.s32 $0x2800, s25;
	[sflag:s20] =	ssyncadd.s32 $0xFFFFC180  }
0x3f: {  	[tilespmem:s12], [sflag:$0x1] =	stream.indirect.gather [hbm4b:s1+s11], $0x80, s26, s11, $0xb8;
	[tilespmem:$0x1E400] =	vst v63  }
0x40: {  	s26 =	sadd.s32 $0x2900, s25  }
0x41: {  	[tilespmem:s14], [sflag:$0x2] =	stream.indirect.gather [hbm4b:s1+s11], $0x80, s26, s11, $0xb8;
	[tilespmem:$0x1E400] =	vst v63  }
0x42: {  	_ =	swait.ge [sflag:s15], $0x3E80  }
0x43: {  	[sflag:s15] =	ssyncset.done $0x0  }
.Ltmp0:
0x44: {  	s26 =	sadd.s32 $0x2880, s25;
	[sflag:s15] =	ssyncadd.s32 $0xFFFFC180;
	(pc) =	sbr.rel @p0 .LBB2_2-.Ltmp0, $4  }
0x45: {  	[spmem:s2] =	stream.indirect.scatter.add.f32 [tilespmem:s12], [sflag:$0x3], $0x80, s26, s11, $0xb8;
	[tilespmem:$0x1E400] =	vst v63  }
0x46: {  	_ =	swait.ge [sflag:s17], $0x3E80  }
0x47: {  	[sflag:s17] =	ssyncset.done $0x0  }
0x48: {  	s25 =	sadd.s32 $0x2980, s25;
	[sflag:s17] =	ssyncadd.s32 $0xFFFFC180  }
0x49: {  	[spmem:s2] =	stream.indirect.scatter.add.f32 [tilespmem:s14], [sflag:$0x4], $0x80, s25, s11, $0xb8;
	[tilespmem:$0x1E400] =	vst v63  }
0x4a: {  	_ =	swait.ge [sflag:s19], $0x3E80  }
0x4b: {  	[sflag:s19] =	ssyncset.done $0x0  }
0x4c: {  	[sflag:s19] =	ssyncadd.s32 $0xFFFFC180  }
0x4d: {  	_ =	swait.ge [sflag:s20], $0x3E80  }
0x4e: {  	[sflag:s20] =	ssyncset.done $0x0  }
0x4f: {  	[sflag:s20] =	ssyncadd.s32 $0xFFFFC180  }
0x50: {  	[tilespmem:s3], [sflag:$0x5] =	stream.linear.gather [hbm4b:s21+s3], $0x2800, $0x38;
	[tilespmem:$0x1E400] =	vst v63  }
0x51: {  	_ =	swait.ge [sflag:s9], $0x2800  }
0x52: {  	[sflag:s9] =	ssyncset.done $0x0  }
0x53: {  	[sflag:s9] =	ssyncadd.s32 $0xFFFFD800  }
0x54: {  	[tilespmem:s12], [sflag:$0x1] =	stream.indirect.gather [hbm4b:s1+s11], $0x80, s3, s11, $0xb8;
	[tilespmem:$0x1E400] =	vst v63  }
0x55: {  	_ = 	snop  }
0x56: {  	[tilespmem:s14], [sflag:$0x2] =	stream.indirect.gather [hbm4b:s1+s11], $0x80, s13, s11, $0xb8;
	[tilespmem:$0x1E400] =	vst v63  }
0x57: {  	_ =	swait.ge [sflag:s15], $0x3E80  }
0x58: {  	[sflag:s15] =	ssyncset.done $0x0  }
0x59: {  	[sflag:s15] =	ssyncadd.s32 $0xFFFFC180  }
0x5a: {  	[spmem:s2] =	stream.indirect.scatter.add.f32 [tilespmem:s12], [sflag:$0x3], $0x80, s16, s11, $0xb8;
	[tilespmem:$0x1E400] =	vst v63  }
0x5b: {  	_ =	swait.ge [sflag:s17], $0x3E80  }
0x5c: {  	[sflag:s17] =	ssyncset.done $0x0  }
0x5d: {  	[sflag:s17] =	ssyncadd.s32 $0xFFFFC180  }
0x5e: {  	[spmem:s2] =	stream.indirect.scatter.add.f32 [tilespmem:s14], [sflag:$0x4], $0x80, s18, s11, $0xb8;
	[tilespmem:$0x1E400] =	vst v63  }
0x5f: {  	_ =	swait.ge [sflag:s19], $0x3E80  }
0x60: {  	[sflag:s19] =	ssyncset.done $0x0  }
0x61: {  	[sflag:s19] =	ssyncadd.s32 $0xFFFFC180  }
0x62: {  	_ =	swait.ge [sflag:s20], $0x3E80  }
0x63: {  	[sflag:s20] =	ssyncset.done $0x0  }
0x64: {  	s24 =	simm.s32 $0x200;
	[sflag:s20] =	ssyncadd.s32 $0xFFFFC180  }
0x65: {  	[tilespmem:s12], [sflag:$0x1] =	stream.indirect.gather [hbm4b:s1+s11], $0x80, s24, s11, $0xb8;
	[tilespmem:$0x1E400] =	vst v63  }
0x66: {  	s30 =	simm.s32 $0x300  }
0x67: {  	[tilespmem:s14], [sflag:$0x2] =	stream.indirect.gather [hbm4b:s1+s11], $0x80, s30, s11, $0xb8;
	[tilespmem:$0x1E400] =	vst v63  }
0x68: {  	_ =	swait.ge [sflag:s15], $0x3E80  }
0x69: {  	[sflag:s15] =	ssyncset.done $0x0  }
0x6a: {  	s31 =	simm.s32 $0x280;
	[sflag:s15] =	ssyncadd.s32 $0xFFFFC180  }
0x6b: {  	[spmem:s2] =	stream.indirect.scatter.add.f32 [tilespmem:s12], [sflag:$0x3], $0x80, s31, s11, $0xb8;
	[tilespmem:$0x1E400] =	vst v63  }
0x6c: {  	_ =	swait.ge [sflag:s17], $0x3E80  }
0x6d: {  	[sflag:s17] =	ssyncset.done $0x0  }
0x6e: {  	s25 =	simm.s32 $0x380;
	s24 =	simm.s32 $0xFFFF7000;
	[sflag:s17] =	ssyncadd.s32 $0xFFFFC180  }
.LBB2_4:
0x6f: {  	[spmem:s2] =	stream.indirect.scatter.add.f32 [tilespmem:s14], [sflag:$0x4], $0x80, s25, s11, $0xb8;
	[tilespmem:$0x1E400] =	vst v63  }
0x70: {  	s25 =	smov.u32 s24  }
0x71: {  	p0 =	sne.s32 s24, $0xFFFFF800;
	s24 =	sadd.s32 $0x800, s24;
	_ =	swait.ge [sflag:s19], $0x3E80  }
0x72: {  	[sflag:s19] =	ssyncset.done $0x0  }
0x73: {  	[sflag:s19] =	ssyncadd.s32 $0xFFFFC180  }
0x74: {  	_ =	swait.ge [sflag:s20], $0x3E80  }
0x75: {  	s25 =	sshra.s32 s25, $0x2;
	[sflag:s20] =	ssyncset.done $0x0  }
0x76: {  	s26 =	sadd.s32 $0x2800, s25;
	[sflag:s20] =	ssyncadd.s32 $0xFFFFC180  }
0x77: {  	[tilespmem:s12], [sflag:$0x1] =	stream.indirect.gather [hbm4b:s1+s11], $0x80, s26, s11, $0xb8;
	[tilespmem:$0x1E400] =	vst v63  }
0x78: {  	s26 =	sadd.s32 $0x2900, s25  }
0x79: {  	[tilespmem:s14], [sflag:$0x2] =	stream.indirect.gather [hbm4b:s1+s11], $0x80, s26, s11, $0xb8;
	[tilespmem:$0x1E400] =	vst v63  }
0x7a: {  	_ =	swait.ge [sflag:s15], $0x3E80  }
0x7b: {  	[sflag:s15] =	ssyncset.done $0x0  }
.Ltmp1:
0x7c: {  	s26 =	sadd.s32 $0x2880, s25;
	[sflag:s15] =	ssyncadd.s32 $0xFFFFC180;
	(pc) =	sbr.rel @p0 .LBB2_4-.Ltmp1, $4  }
0x7d: {  	[spmem:s2] =	stream.indirect.scatter.add.f32 [tilespmem:s12], [sflag:$0x3], $0x80, s26, s11, $0xb8;
	[tilespmem:$0x1E400] =	vst v63  }
0x7e: {  	_ =	swait.ge [sflag:s17], $0x3E80  }
0x7f: {  	[sflag:s17] =	ssyncset.done $0x0  }
0x80: {  	s25 =	sadd.s32 $0x2980, s25;
	[sflag:s17] =	ssyncadd.s32 $0xFFFFC180  }
0x81: {  	[spmem:s2] =	stream.indirect.scatter.add.f32 [tilespmem:s14], [sflag:$0x4], $0x80, s25, s11, $0xb8;
	[tilespmem:$0x1E400] =	vst v63  }
0x82: {  	_ =	swait.ge [sflag:s19], $0x3E80  }
0x83: {  	[sflag:s19] =	ssyncset.done $0x0  }
0x84: {  	[sflag:s19] =	ssyncadd.s32 $0xFFFFC180  }
0x85: {  	_ =	swait.ge [sflag:s20], $0x3E80  }
0x86: {  	s23 =	sadd.s32 $0x1, s23;
	[sflag:s20] =	ssyncset.done $0x0  }
0x87: {  	p0 =	sne.s32 s23, s7;
	[sflag:s20] =	ssyncadd.s32 $0xFFFFC180  }
.Ltmp2:
0x88: {  	[bflag:$0x0] =	sbarrier.arrive $0xFFFF;
	(pc) =	sbr.rel @p0 .LBB2_1-.Ltmp2, $4  }
0x89: {  	[hbm:s22], [sflag:s6] =	dma.local [spmem:s8], $0x2780  }
0x8a: {  	_ =	swait.ge [sflag:s9], $0x2780  }
0x8b: {  	[sflag:s9] =	ssyncset.done $0x0  }
0x8c: {  	[sflag:s9] =	ssyncadd.s32 $0xFFFFD880  }
0x8d: {  	_ =	sfence.sel $0x180000  }
0x8e: {  	[bflag:$0x0] =	sbarrier.arrive $0xFFFF  }
0x8f: {  	p0 =	sne.s32 s4, $0x0;
	_ =	strace $0x9000004A  }
0x90: {  	s0 =	sadd.s32 @!p0 $0x100000, s0;
	[bflag:$0x2] =	sbarrier.arrive $0xFFFF  }
0x91: {  	[sflag:s0] =	ssyncadd.tile.s32 @!p0 $0x1;
	_ =	shalt  }
.Lfunc_end2:
_tile_overlayer_lowered:
.L_overlay_start_2:
0x92: {  	(tag) =	ssettag $0x2  }
0x93: {  	s0 =	rddreg [dreg:$0x0];
	s2 =	stileid.u32  }
0x94: {  	s1 =	rddreg [dreg:$0x1];
	p0 =	sne.s32 s2, $0x0  }
0x95: {  	s3 =	rddreg [dreg:$0x2];
	[bflag:$0x3] =	sbarrier.arrive $0xFFFF;
	s2 =	simm.s32 @!p0 $0x1C05  }
0x96: {  	[timem:s3], [sflag:s2] =	dma.local @!p0 [hbm:s0], s1  }
0x97: {  	s0 =	simm.s32 @!p0 $0x5  }
0x98: {  	_ =	swait.ge @!p0 [sflag:s0], s1  }
0x99: {  	s1 =	ssub.s32 @!p0 $0x0, s1;
	[sflag:s0] =	ssyncset.done @!p0 $0x0  }
0x9a: {  	[sflag:s0] =	ssyncadd.s32 @!p0 s1  }
0x9b: {  	[bflag:$0x3] =	sbarrier.arrive $0xFFFF  }
0x9c: {  	_ =	shalt  }

// kernel: kernel.15.cloned.1.call-start
scs
__scs_entry_jumppad:
0x0: {  	(pc) =	sbr.rel $0x88, $3  }
0x1: {  	(tag) =	ssettag $0x0;
	lr =	simm.s32 $0x1  }
0x2: {  	[smem:$0x3F99] =	sst lr;
	_ =	strace $0xD0000000  }
0x3: {  	_ = 	snop  }
0x4: {  	_ = 	snop  }
0x5: {  	_ = 	snop  }
0x6: {  	_ = 	snop  }
0x7: {  	_ = 	snop  }
__scs_overlays_trampoline_lowered:
0x8: {  	[smem:$0x3FA8] =	sst s0  }
0x9: {  	[smem:$0x3FA9] =	sst s1  }
0xa: {  	[smem:$0x3FAA] =	sst s2  }
0xb: {  	[smem:$0x3FAB] =	sst s3  }
0xc: {  	[smem:$0x3FAC] =	sst s4  }
0xd: {  	[smem:$0x3FAD] =	sst s5  }
0xe: {  	[smem:$0x3FAE] =	sst s6  }
0xf: {  	[smem:$0x3FAF] =	sst s7  }
0x10: {  	[smem:$0x3FB0] =	sst s8  }
0x11: {  	[smem:$0x3FB1] =	sst s9;
	s0 =	simm.s32 @!p0 $0x0  }
0x12: {  	s1 =	sld [smem:$0x3F97];
	s0 =	simm.s32 @p0 $0x1  }
0x13: {  	[smem:$0x3FB2] =	sst s0;
	s0 =	simm.s32 @!p1 $0x0  }
0x14: {  	s2 =	sld [smem:$0x3F96];
	s0 =	simm.s32 @p1 $0x1  }
0x15: {  	[smem:$0x3FB3] =	sst s0;
	s0 =	simm.s32 @!p2 $0x0  }
0x16: {  	s3 =	sld [smem:$0x3FDB];
	s0 =	simm.s32 @p2 $0x1  }
0x17: {  	s4 =	simm.s32 $0x1BF5;
	[smem:$0x3FB5] =	sst s0  }
0x18: {  	s0 =	sld [smem:$0x3F98];
	_ =	swait.ge [sflag:s4], $0x0  }
0x19: {  	s7 =	sld [smem:$0x3F99]  }
0x1a: {  	s8 =	sadd.s32 $0xFFFFE003, lr  }
0x1b: {  	s9 =	sadd.s32 $0xFFFFFEF7, lr;
	s5 =	simm.s32 $0xFFFFFFFF;
	p2 =	slt.u32 s8, $0xFFFFF086  }
0x1c: {  	p1 =	slt.u32 s9, $0xF7A;
	s5 =	simm.s32 @!p2 $0x0  }
0x1d: {  	s5 =	simm.s32 @p1 $0x1;
	p0 =	seq.s32 s7, s2  }
0x1e: {  	s7 =	smul.u32 @!p0 $0xF7A, s2;
	p2 =	seq.s32 @!p0 s5, $0x0  }
0x1f: {  	s9 =	smul.u32 $0xF7A, s1;
	s8 =	simm.s32 @!p0 $0x1BF5;
	p2 =	por !p2, p0  }
0x20: {  	[sflag:s8] =	ssyncset.s32 @!p0 $0xFFFFF086;
	s6 =	sadd.s32 @!p0 s3, s7;
	s7 =	simm.s32 @!p0 $0x108  }
0x21: {  	s3 =	sadd.s32 s3, s9;
	s6 =	sadd.s32 @!p0 $0x88, s6;
	s7 =	simm.s32 @p2 $0x1082  }
0x22: {  	[simem:s7], [sflag:s8] =	dma.local @!p0 [hbm:s6], $0xF7A  }
0x23: {  	s9 =	sor.u32 $0xD0000000, s2;
	s6 =	simm.s32 $0x108;
	_ =	swait.ge @!p0 [sflag:s8], $0x0  }
0x24: {  	s3 =	sadd.s32 $0x88, s3;
	s6 =	simm.s32 @!p1 $0x1082;
	[sflag:s4] =	ssyncset.s32 $0xFFFFF086  }
0x25: {  	[simem:s6], [sflag:s4] =	dma.local [hbm:s3], $0xF7A  }
0x26: {  	[smem:$0x3F99] =	sst s1;
	(tag) =	ssettag s2;
	_ =	strace s9  }
0x27: {  	s1 =	sld [smem:$0x3FA9]  }
0x28: {  	s2 =	sld [smem:$0x3FAA]  }
0x29: {  	s4 =	sld [smem:$0x3FAC]  }
0x2a: {  	p0 =	seq.s32 s5, $0x0;
	s5 =	sld [smem:$0x3FAD]  }
0x2b: {  	s6 =	sld [smem:$0x3FAE]  }
0x2c: {  	s7 =	sld [smem:$0x3FAF]  }
0x2d: {  	s3 =	simm.s32 $0x108;
	s8 =	sld [smem:$0x3FB0]  }
0x2e: {  	s3 =	simm.s32 @!p0 $0x1082;
	s9 =	sld [smem:$0x3FB1]  }
0x2f: {  	lr =	sadd.s32 s0, s3;
	s0 =	sld [smem:$0x3FA8]  }
0x30: {  	s3 =	sld [smem:$0x3FAB]  }
0x31: {  	[smem:$0x3FB4] =	sst s10  }
0x32: {  	s10 =	sld [smem:$0x3FB2];
	_ =	sdelay $0x3  }
0x33: {  	p0 =	seq.s32 s10, $0x1;
	s10 =	sld [smem:$0x3FB4];
	_ =	sdelay $0x3  }
0x34: {  	[smem:$0x3FB4] =	sst s10  }
0x35: {  	s10 =	sld [smem:$0x3FB3];
	_ =	sdelay $0x3  }
0x36: {  	p1 =	seq.s32 s10, $0x1;
	s10 =	sld [smem:$0x3FB4];
	_ =	sdelay $0x3  }
0x37: {  	[smem:$0x3FB4] =	sst s10  }
0x38: {  	s10 =	sld [smem:$0x3FB5]  }
0x39: {  	_ = 	snop;
	(pc) =	sbr.ind lr, $3  }
0x3a: {  	_ = 	snop  }
0x3b: {  	_ = 	snop  }
0x3c: {  	p2 =	seq.s32 s10, $0x1;
	s10 =	sld [smem:$0x3FB4]  }
0x3d: {  	_ =	shalt  }
0x3e: {  	_ =	shalt  }
0x3f: {  	_ =	shalt  }
0x40: {  	_ =	shalt  }
0x41: {  	_ =	shalt  }
0x42: {  	_ =	shalt  }
0x43: {  	_ =	shalt  }
0x44: {  	_ =	shalt  }
0x45: {  	_ =	shalt  }
0x46: {  	_ =	shalt  }
0x47: {  	_ =	shalt  }
0x48: {  	_ =	shalt  }
0x49: {  	_ =	shalt  }
0x4a: {  	_ =	shalt  }
0x4b: {  	_ =	shalt  }
0x4c: {  	_ =	shalt  }
0x4d: {  	_ =	shalt  }
0x4e: {  	_ =	shalt  }
0x4f: {  	_ =	shalt  }
0x50: {  	_ =	shalt  }
0x51: {  	_ =	shalt  }
0x52: {  	_ =	shalt  }
0x53: {  	_ =	shalt  }
0x54: {  	_ =	shalt  }
0x55: {  	_ =	shalt  }
0x56: {  	_ =	shalt  }
0x57: {  	_ =	shalt  }
0x58: {  	_ =	shalt  }
0x59: {  	_ =	shalt  }
0x5a: {  	_ =	shalt  }
0x5b: {  	_ =	shalt  }
0x5c: {  	_ =	shalt  }
0x5d: {  	_ =	shalt  }
0x5e: {  	_ =	shalt  }
0x5f: {  	_ =	shalt  }
0x60: {  	_ =	shalt  }
0x61: {  	_ =	shalt  }
0x62: {  	_ =	shalt  }
0x63: {  	_ =	shalt  }
0x64: {  	_ =	shalt  }
0x65: {  	_ =	shalt  }
0x66: {  	_ =	shalt  }
0x67: {  	_ =	shalt  }
0x68: {  	_ =	shalt  }
0x69: {  	_ =	shalt  }
0x6a: {  	_ =	shalt  }
0x6b: {  	_ =	shalt  }
0x6c: {  	_ =	shalt  }
0x6d: {  	_ =	shalt  }
0x6e: {  	_ =	shalt  }
0x6f: {  	_ =	shalt  }
0x70: {  	_ =	shalt  }
0x71: {  	_ =	shalt  }
0x72: {  	_ =	shalt  }
0x73: {  	_ =	shalt  }
0x74: {  	_ =	shalt  }
0x75: {  	_ =	shalt  }
0x76: {  	_ =	shalt  }
0x77: {  	_ =	shalt  }
0x78: {  	_ =	shalt  }
0x79: {  	_ =	shalt  }
0x7a: {  	_ =	shalt  }
0x7b: {  	_ =	shalt  }
0x7c: {  	_ =	shalt  }
0x7d: {  	_ =	shalt  }
0x7e: {  	_ =	shalt  }
0x7f: {  	_ =	shalt  }
0x80: {  	_ =	shalt  }
0x81: {  	_ =	shalt  }
0x82: {  	_ =	shalt  }
0x83: {  	_ =	shalt  }
0x84: {  	_ =	shalt  }
0x85: {  	_ =	shalt  }
0x86: {  	_ =	shalt  }
0x87: {  	_ =	shalt  }
.Lfunc_end0:
.L_simem_size_0:
called_computation.2_lowered:
.L_overlay_start_0:
0x88: {  	s2 =	sld [smem:$0x3FD9]  }
0x89: {  	s3 =	sld [smem:$0x3FFE];
	_ =	sdelay $0x1  }
0x8a: {  	s1 =	srdreg.scid  }
0x8b: {  	s0 =	sand.u32 $0x1, s1  }
0x8c: {  	s17 =	sshll.u32 s0, $0xA;
	s2 =	sadd.s32 s3, s2  }
0x8d: {  	s2 =	sadd.s32 s2, s17  }
0x8e: {  	[smem:$0x3FC0] =	sst s2  }
0x8f: {  	_ = 	snop  }
0x90: {  	s2 =	sld [smem:$0x3FD0];
	(tm) =	ssettm $0x1  }
0x91: {  	s18 =	sld [smem:$0x3FFB];
	_ =	sdelay $0x3  }
0x92: {  	_ =	strace s18  }
0x93: {  	s3 =	sld [smem:$0x3FFC];
	_ =	sdelay $0x3  }
0x94: {  	_ =	strace s3  }
0x95: {  	s3 =	sld [smem:$0x3FFD];
	_ =	sdelay $0x3  }
0x96: {  	_ =	strace s3  }
0x97: {  	_ =	strace $0x8FFFFFFF  }
0x98: {  	s19 =	sld [smem:$0x3FDB];
	_ =	sdelay $0x1  }
0x99: {  	s4 =	simm.s32 $_scs_section_size  }
0x9a: {  	s5 =	simm.s32 $_size__tile_overlayer_lowered;
	s6 =	simm.s32 $_tile_overlayer_lowered  }
0x9b: {  	s22 =	simm.s32 $0x1BFF;
	s21 =	sshll.u32 s6, $0x1;
	s3 =	sadd.s32 s4, s19  }
0x9c: {  	s7 =	simm.s32 $0x0;
	s20 =	sshll.u32 s5, $0x1;
	s5 =	sadd.s32 s21, s3  }
0x9d: {  	[timem:s7], [sflag:s22] =	dma.local [hbm:s5], s20  }
0x9e: {  	_ =	swait.ge [sflag:s22], s20  }
0x9f: {  	s4 =	ssub.s32 $0x0, s20;
	[sflag:s22] =	ssyncset.done $0x0  }
0xa0: {  	[sflag:s22] =	ssyncadd.s32 s4;
	_ =	sdelay $0x1  }
0xa1: {  	s23 =	simm.s32 $0x1B8B  }
0xa2: {  	_ =	swait.ge [sflag:s23], $0x1  }
0xa3: {  	[sflag:s23] =	ssyncset.done $0x0  }
0xa4: {  	s25 =	simm.s32 $0x1B8E;
	s24 =	sld [smem:$0x3FFE];
	[sflag:s23] =	ssyncadd.s32 $0xFFFFFFFF  }
0xa5: {  	s26 =	simm.s32 $execute0_lowered;
	[smem:$0x3FD2] =	sst s25  }
0xa6: {  	s5 =	sshll.u32 s26, $0x1;
	_ =	strace $0x8000004C;
	[dreg:$0x1] =	wrdreg $0xFFFFFFFF  }
0xa7: {  	s28 =	simm.s32 $_size_execute0_lowered;
	s3 =	sadd.s32 s3, s5;
	[dreg:$0x0] =	wrdreg $0x0  }
0xa8: {  	s5 =	sshll.u32 s28, $0x1;
	[dreg:$0x2] =	wrdreg s3  }
0xa9: {  	[dreg:$0x3] =	wrdreg s5  }
0xaa: {  	[dreg:$0x4] =	wrdreg $0xC0  }
0xab: {  	_ =	task [dreg:s7], $0x5FFFF  }
0xac: {  	[dreg:$0x1] =	wrdreg $0xFFFFFFFF  }
0xad: {  	[dreg:$0x0] =	wrdreg $0x60  }
0xae: {  	[dreg:$0x2] =	wrdreg s2  }
0xaf: {  	[dreg:$0x3] =	wrdreg s24  }
0xb0: {  	[dreg:$0x4] =	wrdreg $0xA8000  }
0xb1: {  	[dreg:$0x5] =	wrdreg $0x9  }
0xb2: {  	_ =	task.clear_ibuf [dreg:s7], $0x6FFFF;
	_ =	strace $0x9000004C  }
0xb3: {  	s29 =	simm.s32 $0x9;
	_ =	strace $0x8000004E  }
0xb4: {  	_ =	swait.ge [sflag:s29], $0x1  }
0xb5: {  	[sflag:s29] =	ssyncadd.s32 $0xFFFFFFFF  }
0xb6: {  	_ =	strace $0x9000004E  }
0xb7: {  	_ =	sfence  }
0xb8: {  	s30 =	sld [smem:$0x0];
	_ =	sdelay $0x2  }
0xb9: {  	s31 =	sshll.u32 s1, $0xD;
	s1 =	sshrl.u32 s1, $0x2  }
0xba: {  	s3 =	sand.u32 $0x4000, s31;
	s1 =	sadd.s32 s1, s30  }
0xbb: {  	s0 =	sor.u32 s3, s0;
	s1 =	sshll.u32 s1, $0x11  }
0xbc: {  	s0 =	sor.u32 s1, s0  }
0xbd: {  	s0 =	sadd.s32 $0x8F2B, s0  }
0xbe: {  	[sflag:s0] =	ssyncadd.remote.s32 $0x1  }
0xbf: {  	_ =	sfence.sel $0xFFFF  }
0xc0: {  	[dreg:$0x0] =	wrdreg $0xFFFFFFFF;
	(pc) =	sbr.abs _section_cstart, $3  }
0xc1: {  	[dreg:$0x1] =	wrdreg $0xFFFFFFFF  }
0xc2: {  	_ =	task.clear_ibuf [dreg:s7], $0x2FFFF;
	_ =	strace $0x9FFFFFFF  }
0xc3: {  	(tm) =	ssettm $0x7FFFFFFF  }
tec
execute0_lowered:
.L_overlay_start_1:
0x0: {  	(tag) =	ssettag $0x1  }
0x1: {  	s1 =	rddreg [dreg:$0x0]  }
0x2: {  	s6 =	rddreg [dreg:$0x1]  }
0x3: {  	s2 =	rddreg [dreg:$0x2]  }
0x4: {  	s4 =	srdreg.scid;
	s0 =	rddreg [dreg:$0x3]  }
0x5: {  	s3 =	simm.s32 $0x0;
	s12 =	simm.s32 $0x2800;
	s13 =	simm.s32 $0x100  }
0x6: {  	s14 =	simm.s32 $0x6800;
	s15 =	simm.s32 $0x1;
	s7 =	sand.u32 $0x1, s4  }
0x7: {  	s16 =	simm.s32 $0x80;
	s17 =	simm.s32 $0x2;
	s5 =	smul.u32 $0xA000, s7  }
0x8: {  	s18 =	simm.s32 $0x180;
	s4 =	stileid.u32;
	s8 =	smul.u32 $0x27800, s7  }
0x9: {  	s19 =	simm.s32 $0x3;
	[smem:$0x7FF] =	sst s3;
	s10 =	smul.u32 $0x4F000, s4  }
0xa: {  	s20 =	simm.s32 $0x4;
	_ =	strace $0x8000004D;
	s11 =	smul.u32 $0x5000, s4  }
0xb: {  	s28 =	ssub.s32 $0x2, s7;
	s29 =	sshll.u32 s4, $0x6;
	s31 =	smul.u32 $0xA00, s4  }
0xc: {  	s24 =	smul.u32 $0x2780, s4;
	s7 =	sshrl.u32 s28, $0x1;
	s9 =	sadd.s32 s5, s6  }
0xd: {  	s5 =	sadd.s32 $0x18000, s6;
	s8 =	sadd.s32 s8, s6;
	s10 =	sshrl.u32 s10, $0x2  }
0xe: {  	s7 =	ssub.s32 s28, s7;
	s6 =	sor.u32 $0x1C05, s29;
	s30 =	sshrl.u32 s11, $0x3  }
0xf: {  	s11 =	simm.s32 $0x7D;
	s10 =	sadd.s32 s10, s2;
	s21 =	sadd.s32 $0x4000, s9  }
0x10: {  	s22 =	sadd.s32 $0x500, s30;
	s23 =	sadd.s32 $0x1A800, s8;
	s7 =	smax.u32 s7, $0x1  }
0x11: {  	s9 =	simm.s32 $0x5;
	s8 =	sshrl.u32 s10, $0x3;
	s10 =	sadd.s32 s31, s21  }
0x12: {  	s21 =	sadd.s32 s22, s21;
	s22 =	sadd.s32 s24, s23;
	s23 =	simm.s32 $0x0  }
.LBB2_1:
0x13: {  	[spmem:s8], [sflag:s6] =	dma.local [hbm:s5], $0x2780  }
0x14: {  	_ =	swait.ge [sflag:s9], $0x2780  }
0x15: {  	[sflag:s9] =	ssyncset.done $0x0  }
0x16: {  	[sflag:s9] =	ssyncadd.s32 $0xFFFFD880  }
0x17: {  	[tilespmem:s3], [sflag:$0x5] =	stream.linear.gather [hbm4b:s10+s3], $0x2800, $0x38;
	[tilespmem:$0x1E400] =	vst v63  }
0x18: {  	_ =	swait.ge [sflag:s9], $0x2800  }
0x19: {  	[sflag:s9] =	ssyncset.done $0x0  }
0x1a: {  	[sflag:s9] =	ssyncadd.s32 $0xFFFFD800  }
0x1b: {  	[bflag:$0x0] =	sbarrier.arrive $0xFFFF  }
0x1c: {  	[tilespmem:s12], [sflag:$0x1] =	stream.indirect.gather [hbm4b:s1+s11], $0x80, s3, s11, $0xb8;
	[tilespmem:$0x1E400] =	vst v63  }
0x1d: {  	_ = 	snop  }
0x1e: {  	[tilespmem:s14], [sflag:$0x2] =	stream.indirect.gather [hbm4b:s1+s11], $0x80, s13, s11, $0xb8;
	[tilespmem:$0x1E400] =	vst v63  }
0x1f: {  	_ =	swait.ge [sflag:s15], $0x3E80  }
0x20: {  	[sflag:s15] =	ssyncset.done $0x0  }
0x21: {  	[sflag:s15] =	ssyncadd.s32 $0xFFFFC180  }
0x22: {  	[spmem:s2] =	stream.indirect.scatter.add.f32 [tilespmem:s12], [sflag:$0x3], $0x80, s16, s11, $0xb8;
	[tilespmem:$0x1E400] =	vst v63  }
0x23: {  	_ =	swait.ge [sflag:s17], $0x3E80  }
0x24: {  	[sflag:s17] =	ssyncset.done $0x0  }
0x25: {  	[sflag:s17] =	ssyncadd.s32 $0xFFFFC180  }
0x26: {  	[spmem:s2] =	stream.indirect.scatter.add.f32 [tilespmem:s14], [sflag:$0x4], $0x80, s18, s11, $0xb8;
	[tilespmem:$0x1E400] =	vst v63  }
0x27: {  	_ =	swait.ge [sflag:s19], $0x3E80  }
0x28: {  	[sflag:s19] =	ssyncset.done $0x0  }
0x29: {  	[sflag:s19] =	ssyncadd.s32 $0xFFFFC180  }
0x2a: {  	_ =	swait.ge [sflag:s20], $0x3E80  }
0x2b: {  	[sflag:s20] =	ssyncset.done $0x0  }
0x2c: {  	s24 =	simm.s32 $0x200;
	[sflag:s20] =	ssyncadd.s32 $0xFFFFC180  }
0x2d: {  	[tilespmem:s12], [sflag:$0x1] =	stream.indirect.gather [hbm4b:s1+s11], $0x80, s24, s11, $0xb8;
	[tilespmem:$0x1E400] =	vst v63  }
0x2e: {  	s30 =	simm.s32 $0x300  }
0x2f: {  	[tilespmem:s14], [sflag:$0x2] =	stream.indirect.gather [hbm4b:s1+s11], $0x80, s30, s11, $0xb8;
	[tilespmem:$0x1E400] =	vst v63  }
0x30: {  	_ =	swait.ge [sflag:s15], $0x3E80  }
0x31: {  	[sflag:s15] =	ssyncset.done $0x0  }
0x32: {  	s31 =	simm.s32 $0x280;
	[sflag:s15] =	ssyncadd.s32 $0xFFFFC180  }
0x33: {  	[spmem:s2] =	stream.indirect.scatter.add.f32 [tilespmem:s12], [sflag:$0x3], $0x80, s31, s11, $0xb8;
	[tilespmem:$0x1E400] =	vst v63  }
0x34: {  	_ =	swait.ge [sflag:s17], $0x3E80  }
0x35: {  	[sflag:s17] =	ssyncset.done $0x0  }
0x36: {  	s25 =	simm.s32 $0x380;
	s24 =	simm.s32 $0xFFFF7000;
	[sflag:s17] =	ssyncadd.s32 $0xFFFFC180  }
.LBB2_2:
0x37: {  	[spmem:s2] =	stream.indirect.scatter.add.f32 [tilespmem:s14], [sflag:$0x4], $0x80, s25, s11, $0xb8;
	[tilespmem:$0x1E400] =	vst v63  }
0x38: {  	s25 =	smov.u32 s24  }
0x39: {  	p0 =	sne.s32 s24, $0xFFFFF800;
	s24 =	sadd.s32 $0x800, s24;
	_ =	swait.ge [sflag:s19], $0x3E80  }
0x3a: {  	[sflag:s19] =	ssyncset.done $0x0  }
0x3b: {  	[sflag:s19] =	ssyncadd.s32 $0xFFFFC180  }
0x3c: {  	_ =	swait.ge [sflag:s20], $0x3E80  }
0x3d: {  	s25 =	sshra.s32 s25, $0x2;
	[sflag:s20] =	ssyncset.done $0x0  }
0x3e: {  	s26 =	sadd.s32 $0x2800, s25;
	[sflag:s20] =	ssyncadd.s32 $0xFFFFC180  }
0x3f: {  	[tilespmem:s12], [sflag:$0x1] =	stream.indirect.gather [hbm4b:s1+s11], $0x80, s26, s11, $0xb8;
	[tilespmem:$0x1E400] =	vst v63  }
0x40: {  	s26 =	sadd.s32 $0x2900, s25  }
0x41: {  	[tilespmem:s14], [sflag:$0x2] =	stream.indirect.gather [hbm4b:s1+s11], $0x80, s26, s11, $0xb8;
	[tilespmem:$0x1E400] =	vst v63  }
0x42: {  	_ =	swait.ge [sflag:s15], $0x3E80  }
0x43: {  	[sflag:s15] =	ssyncset.done $0x0  }
.Ltmp0:
0x44: {  	s26 =	sadd.s32 $0x2880, s25;
	[sflag:s15] =	ssyncadd.s32 $0xFFFFC180;
	(pc) =	sbr.rel @p0 .LBB2_2-.Ltmp0, $4  }
0x45: {  	[spmem:s2] =	stream.indirect.scatter.add.f32 [tilespmem:s12], [sflag:$0x3], $0x80, s26, s11, $0xb8;
	[tilespmem:$0x1E400] =	vst v63  }
0x46: {  	_ =	swait.ge [sflag:s17], $0x3E80  }
0x47: {  	[sflag:s17] =	ssyncset.done $0x0  }
0x48: {  	s25 =	sadd.s32 $0x2980, s25;
	[sflag:s17] =	ssyncadd.s32 $0xFFFFC180  }
0x49: {  	[spmem:s2] =	stream.indirect.scatter.add.f32 [tilespmem:s14], [sflag:$0x4], $0x80, s25, s11, $0xb8;
	[tilespmem:$0x1E400] =	vst v63  }
0x4a: {  	_ =	swait.ge [sflag:s19], $0x3E80  }
0x4b: {  	[sflag:s19] =	ssyncset.done $0x0  }
0x4c: {  	[sflag:s19] =	ssyncadd.s32 $0xFFFFC180  }
0x4d: {  	_ =	swait.ge [sflag:s20], $0x3E80  }
0x4e: {  	[sflag:s20] =	ssyncset.done $0x0  }
0x4f: {  	[sflag:s20] =	ssyncadd.s32 $0xFFFFC180  }
0x50: {  	[tilespmem:s3], [sflag:$0x5] =	stream.linear.gather [hbm4b:s21+s3], $0x2800, $0x38;
	[tilespmem:$0x1E400] =	vst v63  }
0x51: {  	_ =	swait.ge [sflag:s9], $0x2800  }
0x52: {  	[sflag:s9] =	ssyncset.done $0x0  }
0x53: {  	[sflag:s9] =	ssyncadd.s32 $0xFFFFD800  }
0x54: {  	[tilespmem:s12], [sflag:$0x1] =	stream.indirect.gather [hbm4b:s1+s11], $0x80, s3, s11, $0xb8;
	[tilespmem:$0x1E400] =	vst v63  }
0x55: {  	_ = 	snop  }
0x56: {  	[tilespmem:s14], [sflag:$0x2] =	stream.indirect.gather [hbm4b:s1+s11], $0x80, s13, s11, $0xb8;
	[tilespmem:$0x1E400] =	vst v63  }
0x57: {  	_ =	swait.ge [sflag:s15], $0x3E80  }
0x58: {  	[sflag:s15] =	ssyncset.done $0x0  }
0x59: {  	[sflag:s15] =	ssyncadd.s32 $0xFFFFC180  }
0x5a: {  	[spmem:s2] =	stream.indirect.scatter.add.f32 [tilespmem:s12], [sflag:$0x3], $0x80, s16, s11, $0xb8;
	[tilespmem:$0x1E400] =	vst v63  }
0x5b: {  	_ =	swait.ge [sflag:s17], $0x3E80  }
0x5c: {  	[sflag:s17] =	ssyncset.done $0x0  }
0x5d: {  	[sflag:s17] =	ssyncadd.s32 $0xFFFFC180  }
0x5e: {  	[spmem:s2] =	stream.indirect.scatter.add.f32 [tilespmem:s14], [sflag:$0x4], $0x80, s18, s11, $0xb8;
	[tilespmem:$0x1E400] =	vst v63  }
0x5f: {  	_ =	swait.ge [sflag:s19], $0x3E80  }
0x60: {  	[sflag:s19] =	ssyncset.done $0x0  }
0x61: {  	[sflag:s19] =	ssyncadd.s32 $0xFFFFC180  }
0x62: {  	_ =	swait.ge [sflag:s20], $0x3E80  }
0x63: {  	[sflag:s20] =	ssyncset.done $0x0  }
0x64: {  	s24 =	simm.s32 $0x200;
	[sflag:s20] =	ssyncadd.s32 $0xFFFFC180  }
0x65: {  	[tilespmem:s12], [sflag:$0x1] =	stream.indirect.gather [hbm4b:s1+s11], $0x80, s24, s11, $0xb8;
	[tilespmem:$0x1E400] =	vst v63  }
0x66: {  	s30 =	simm.s32 $0x300  }
0x67: {  	[tilespmem:s14], [sflag:$0x2] =	stream.indirect.gather [hbm4b:s1+s11], $0x80, s30, s11, $0xb8;
	[tilespmem:$0x1E400] =	vst v63  }
0x68: {  	_ =	swait.ge [sflag:s15], $0x3E80  }
0x69: {  	[sflag:s15] =	ssyncset.done $0x0  }
0x6a: {  	s31 =	simm.s32 $0x280;
	[sflag:s15] =	ssyncadd.s32 $0xFFFFC180  }
0x6b: {  	[spmem:s2] =	stream.indirect.scatter.add.f32 [tilespmem:s12], [sflag:$0x3], $0x80, s31, s11, $0xb8;
	[tilespmem:$0x1E400] =	vst v63  }
0x6c: {  	_ =	swait.ge [sflag:s17], $0x3E80  }
0x6d: {  	[sflag:s17] =	ssyncset.done $0x0  }
0x6e: {  	s25 =	simm.s32 $0x380;
	s24 =	simm.s32 $0xFFFF7000;
	[sflag:s17] =	ssyncadd.s32 $0xFFFFC180  }
.LBB2_4:
0x6f: {  	[spmem:s2] =	stream.indirect.scatter.add.f32 [tilespmem:s14], [sflag:$0x4], $0x80, s25, s11, $0xb8;
	[tilespmem:$0x1E400] =	vst v63  }
0x70: {  	s25 =	smov.u32 s24  }
0x71: {  	p0 =	sne.s32 s24, $0xFFFFF800;
	s24 =	sadd.s32 $0x800, s24;
	_ =	swait.ge [sflag:s19], $0x3E80  }
0x72: {  	[sflag:s19] =	ssyncset.done $0x0  }
0x73: {  	[sflag:s19] =	ssyncadd.s32 $0xFFFFC180  }
0x74: {  	_ =	swait.ge [sflag:s20], $0x3E80  }
0x75: {  	s25 =	sshra.s32 s25, $0x2;
	[sflag:s20] =	ssyncset.done $0x0  }
0x76: {  	s26 =	sadd.s32 $0x2800, s25;
	[sflag:s20] =	ssyncadd.s32 $0xFFFFC180  }
0x77: {  	[tilespmem:s12], [sflag:$0x1] =	stream.indirect.gather [hbm4b:s1+s11], $0x80, s26, s11, $0xb8;
	[tilespmem:$0x1E400] =	vst v63  }
0x78: {  	s26 =	sadd.s32 $0x2900, s25  }
0x79: {  	[tilespmem:s14], [sflag:$0x2] =	stream.indirect.gather [hbm4b:s1+s11], $0x80, s26, s11, $0xb8;
	[tilespmem:$0x1E400] =	vst v63  }
0x7a: {  	_ =	swait.ge [sflag:s15], $0x3E80  }
0x7b: {  	[sflag:s15] =	ssyncset.done $0x0  }
.Ltmp1:
0x7c: {  	s26 =	sadd.s32 $0x2880, s25;
	[sflag:s15] =	ssyncadd.s32 $0xFFFFC180;
	(pc) =	sbr.rel @p0 .LBB2_4-.Ltmp1, $4  }
0x7d: {  	[spmem:s2] =	stream.indirect.scatter.add.f32 [tilespmem:s12], [sflag:$0x3], $0x80, s26, s11, $0xb8;
	[tilespmem:$0x1E400] =	vst v63  }
0x7e: {  	_ =	swait.ge [sflag:s17], $0x3E80  }
0x7f: {  	[sflag:s17] =	ssyncset.done $0x0  }
0x80: {  	s25 =	sadd.s32 $0x2980, s25;
	[sflag:s17] =	ssyncadd.s32 $0xFFFFC180  }
0x81: {  	[spmem:s2] =	stream.indirect.scatter.add.f32 [tilespmem:s14], [sflag:$0x4], $0x80, s25, s11, $0xb8;
	[tilespmem:$0x1E400] =	vst v63  }
0x82: {  	_ =	swait.ge [sflag:s19], $0x3E80  }
0x83: {  	[sflag:s19] =	ssyncset.done $0x0  }
0x84: {  	[sflag:s19] =	ssyncadd.s32 $0xFFFFC180  }
0x85: {  	_ =	swait.ge [sflag:s20], $0x3E80  }
0x86: {  	s23 =	sadd.s32 $0x1, s23;
	[sflag:s20] =	ssyncset.done $0x0  }
0x87: {  	p0 =	sne.s32 s23, s7;
	[sflag:s20] =	ssyncadd.s32 $0xFFFFC180  }
.Ltmp2:
0x88: {  	[bflag:$0x0] =	sbarrier.arrive $0xFFFF;
	(pc) =	sbr.rel @p0 .LBB2_1-.Ltmp2, $4  }
0x89: {  	[hbm:s22], [sflag:s6] =	dma.local [spmem:s8], $0x2780  }
0x8a: {  	_ =	swait.ge [sflag:s9], $0x2780  }
0x8b: {  	[sflag:s9] =	ssyncset.done $0x0  }
0x8c: {  	[sflag:s9] =	ssyncadd.s32 $0xFFFFD880  }
0x8d: {  	_ =	sfence.sel $0x180000  }
0x8e: {  	[bflag:$0x0] =	sbarrier.arrive $0xFFFF  }
0x8f: {  	p0 =	sne.s32 s4, $0x0;
	_ =	strace $0x9000004D  }
0x90: {  	s0 =	sadd.s32 @!p0 $0x100000, s0;
	[bflag:$0x2] =	sbarrier.arrive $0xFFFF  }
0x91: {  	[sflag:s0] =	ssyncadd.tile.s32 @!p0 $0x1;
	_ =	shalt  }
.Lfunc_end2:
_tile_overlayer_lowered:
.L_overlay_start_2:
0x92: {  	(tag) =	ssettag $0x2  }
0x93: {  	s0 =	rddreg [dreg:$0x0];
	s2 =	stileid.u32  }
0x94: {  	s1 =	rddreg [dreg:$0x1];
	p0 =	sne.s32 s2, $0x0  }
0x95: {  	s3 =	rddreg [dreg:$0x2];
	[bflag:$0x3] =	sbarrier.arrive $0xFFFF;
	s2 =	simm.s32 @!p0 $0x1C05  }
0x96: {  	[timem:s3], [sflag:s2] =	dma.local @!p0 [hbm:s0], s1  }
0x97: {  	s0 =	simm.s32 @!p0 $0x5  }
0x98: {  	_ =	swait.ge @!p0 [sflag:s0], s1  }
0x99: {  	s1 =	ssub.s32 @!p0 $0x0, s1;
	[sflag:s0] =	ssyncset.done @!p0 $0x0  }
0x9a: {  	[sflag:s0] =	ssyncadd.s32 @!p0 s1  }
0x9b: {  	[bflag:$0x3] =	sbarrier.arrive $0xFFFF  }
0x9c: {  	_ =	shalt  }

// kernel: kernel.9.cloned.1.call-start
scs
__scs_entry_jumppad:
0x0: {  	(pc) =	sbr.rel $0x88, $3  }
0x1: {  	(tag) =	ssettag $0x0;
	lr =	simm.s32 $0x1  }
0x2: {  	[smem:$0x3F99] =	sst lr;
	_ =	strace $0xD0000000  }
0x3: {  	_ = 	snop  }
0x4: {  	_ = 	snop  }
0x5: {  	_ = 	snop  }
0x6: {  	_ = 	snop  }
0x7: {  	_ = 	snop  }
__scs_overlays_trampoline_lowered:
0x8: {  	[smem:$0x3FA8] =	sst s0  }
0x9: {  	[smem:$0x3FA9] =	sst s1  }
0xa: {  	[smem:$0x3FAA] =	sst s2  }
0xb: {  	[smem:$0x3FAB] =	sst s3  }
0xc: {  	[smem:$0x3FAC] =	sst s4  }
0xd: {  	[smem:$0x3FAD] =	sst s5  }
0xe: {  	[smem:$0x3FAE] =	sst s6  }
0xf: {  	[smem:$0x3FAF] =	sst s7  }
0x10: {  	[smem:$0x3FB0] =	sst s8  }
0x11: {  	[smem:$0x3FB1] =	sst s9;
	s0 =	simm.s32 @!p0 $0x0  }
0x12: {  	s1 =	sld [smem:$0x3F97];
	s0 =	simm.s32 @p0 $0x1  }
0x13: {  	[smem:$0x3FB2] =	sst s0;
	s0 =	simm.s32 @!p1 $0x0  }
0x14: {  	s2 =	sld [smem:$0x3F96];
	s0 =	simm.s32 @p1 $0x1  }
0x15: {  	[smem:$0x3FB3] =	sst s0;
	s0 =	simm.s32 @!p2 $0x0  }
0x16: {  	s3 =	sld [smem:$0x3FDB];
	s0 =	simm.s32 @p2 $0x1  }
0x17: {  	s4 =	simm.s32 $0x1BF5;
	[smem:$0x3FB5] =	sst s0  }
0x18: {  	s0 =	sld [smem:$0x3F98];
	_ =	swait.ge [sflag:s4], $0x0  }
0x19: {  	s7 =	sld [smem:$0x3F99]  }
0x1a: {  	s8 =	sadd.s32 $0xFFFFE003, lr  }
0x1b: {  	s9 =	sadd.s32 $0xFFFFFEF7, lr;
	s5 =	simm.s32 $0xFFFFFFFF;
	p2 =	slt.u32 s8, $0xFFFFF086  }
0x1c: {  	p1 =	slt.u32 s9, $0xF7A;
	s5 =	simm.s32 @!p2 $0x0  }
0x1d: {  	s5 =	simm.s32 @p1 $0x1;
	p0 =	seq.s32 s7, s2  }
0x1e: {  	s7 =	smul.u32 @!p0 $0xF7A, s2;
	p2 =	seq.s32 @!p0 s5, $0x0  }
0x1f: {  	s9 =	smul.u32 $0xF7A, s1;
	s8 =	simm.s32 @!p0 $0x1BF5;
	p2 =	por !p2, p0  }
0x20: {  	[sflag:s8] =	ssyncset.s32 @!p0 $0xFFFFF086;
	s6 =	sadd.s32 @!p0 s3, s7;
	s7 =	simm.s32 @!p0 $0x108  }
0x21: {  	s3 =	sadd.s32 s3, s9;
	s6 =	sadd.s32 @!p0 $0x88, s6;
	s7 =	simm.s32 @p2 $0x1082  }
0x22: {  	[simem:s7], [sflag:s8] =	dma.local @!p0 [hbm:s6], $0xF7A  }
0x23: {  	s9 =	sor.u32 $0xD0000000, s2;
	s6 =	simm.s32 $0x108;
	_ =	swait.ge @!p0 [sflag:s8], $0x0  }
0x24: {  	s3 =	sadd.s32 $0x88, s3;
	s6 =	simm.s32 @!p1 $0x1082;
	[sflag:s4] =	ssyncset.s32 $0xFFFFF086  }
0x25: {  	[simem:s6], [sflag:s4] =	dma.local [hbm:s3], $0xF7A  }
0x26: {  	[smem:$0x3F99] =	sst s1;
	(tag) =	ssettag s2;
	_ =	strace s9  }
0x27: {  	s1 =	sld [smem:$0x3FA9]  }
0x28: {  	s2 =	sld [smem:$0x3FAA]  }
0x29: {  	s4 =	sld [smem:$0x3FAC]  }
0x2a: {  	p0 =	seq.s32 s5, $0x0;
	s5 =	sld [smem:$0x3FAD]  }
0x2b: {  	s6 =	sld [smem:$0x3FAE]  }
0x2c: {  	s7 =	sld [smem:$0x3FAF]  }
0x2d: {  	s3 =	simm.s32 $0x108;
	s8 =	sld [smem:$0x3FB0]  }
0x2e: {  	s3 =	simm.s32 @!p0 $0x1082;
	s9 =	sld [smem:$0x3FB1]  }
0x2f: {  	lr =	sadd.s32 s0, s3;
	s0 =	sld [smem:$0x3FA8]  }
0x30: {  	s3 =	sld [smem:$0x3FAB]  }
0x31: {  	[smem:$0x3FB4] =	sst s10  }
0x32: {  	s10 =	sld [smem:$0x3FB2];
	_ =	sdelay $0x3  }
0x33: {  	p0 =	seq.s32 s10, $0x1;
	s10 =	sld [smem:$0x3FB4];
	_ =	sdelay $0x3  }
0x34: {  	[smem:$0x3FB4] =	sst s10  }
0x35: {  	s10 =	sld [smem:$0x3FB3];
	_ =	sdelay $0x3  }
0x36: {  	p1 =	seq.s32 s10, $0x1;
	s10 =	sld [smem:$0x3FB4];
	_ =	sdelay $0x3  }
0x37: {  	[smem:$0x3FB4] =	sst s10  }
0x38: {  	s10 =	sld [smem:$0x3FB5]  }
0x39: {  	_ = 	snop;
	(pc) =	sbr.ind lr, $3  }
0x3a: {  	_ = 	snop  }
0x3b: {  	_ = 	snop  }
0x3c: {  	p2 =	seq.s32 s10, $0x1;
	s10 =	sld [smem:$0x3FB4]  }
0x3d: {  	_ =	shalt  }
0x3e: {  	_ =	shalt  }
0x3f: {  	_ =	shalt  }
0x40: {  	_ =	shalt  }
0x41: {  	_ =	shalt  }
0x42: {  	_ =	shalt  }
0x43: {  	_ =	shalt  }
0x44: {  	_ =	shalt  }
0x45: {  	_ =	shalt  }
0x46: {  	_ =	shalt  }
0x47: {  	_ =	shalt  }
0x48: {  	_ =	shalt  }
0x49: {  	_ =	shalt  }
0x4a: {  	_ =	shalt  }
0x4b: {  	_ =	shalt  }
0x4c: {  	_ =	shalt  }
0x4d: {  	_ =	shalt  }
0x4e: {  	_ =	shalt  }
0x4f: {  	_ =	shalt  }
0x50: {  	_ =	shalt  }
0x51: {  	_ =	shalt  }
0x52: {  	_ =	shalt  }
0x53: {  	_ =	shalt  }
0x54: {  	_ =	shalt  }
0x55: {  	_ =	shalt  }
0x56: {  	_ =	shalt  }
0x57: {  	_ =	shalt  }
0x58: {  	_ =	shalt  }
0x59: {  	_ =	shalt  }
0x5a: {  	_ =	shalt  }
0x5b: {  	_ =	shalt  }
0x5c: {  	_ =	shalt  }
0x5d: {  	_ =	shalt  }
0x5e: {  	_ =	shalt  }
0x5f: {  	_ =	shalt  }
0x60: {  	_ =	shalt  }
0x61: {  	_ =	shalt  }
0x62: {  	_ =	shalt  }
0x63: {  	_ =	shalt  }
0x64: {  	_ =	shalt  }
0x65: {  	_ =	shalt  }
0x66: {  	_ =	shalt  }
0x67: {  	_ =	shalt  }
0x68: {  	_ =	shalt  }
0x69: {  	_ =	shalt  }
0x6a: {  	_ =	shalt  }
0x6b: {  	_ =	shalt  }
0x6c: {  	_ =	shalt  }
0x6d: {  	_ =	shalt  }
0x6e: {  	_ =	shalt  }
0x6f: {  	_ =	shalt  }
0x70: {  	_ =	shalt  }
0x71: {  	_ =	shalt  }
0x72: {  	_ =	shalt  }
0x73: {  	_ =	shalt  }
0x74: {  	_ =	shalt  }
0x75: {  	_ =	shalt  }
0x76: {  	_ =	shalt  }
0x77: {  	_ =	shalt  }
0x78: {  	_ =	shalt  }
0x79: {  	_ =	shalt  }
0x7a: {  	_ =	shalt  }
0x7b: {  	_ =	shalt  }
0x7c: {  	_ =	shalt  }
0x7d: {  	_ =	shalt  }
0x7e: {  	_ =	shalt  }
0x7f: {  	_ =	shalt  }
0x80: {  	_ =	shalt  }
0x81: {  	_ =	shalt  }
0x82: {  	_ =	shalt  }
0x83: {  	_ =	shalt  }
0x84: {  	_ =	shalt  }
0x85: {  	_ =	shalt  }
0x86: {  	_ =	shalt  }
0x87: {  	_ =	shalt  }
.Lfunc_end0:
.L_simem_size_0:
called_computation_lowered:
.L_overlay_start_0:
0x88: {  	s2 =	sld [smem:$0x3FD9]  }
0x89: {  	s3 =	sld [smem:$0x3FFE];
	_ =	sdelay $0x1  }
0x8a: {  	s1 =	srdreg.scid  }
0x8b: {  	s0 =	sand.u32 $0x1, s1  }
0x8c: {  	s17 =	sshll.u32 s0, $0xA;
	s2 =	sadd.s32 s3, s2  }
0x8d: {  	s2 =	sadd.s32 s2, s17  }
0x8e: {  	[smem:$0x3FC0] =	sst s2  }
0x8f: {  	_ = 	snop  }
0x90: {  	s2 =	sld [smem:$0x3FD0];
	(tm) =	ssettm $0x1  }
0x91: {  	s18 =	sld [smem:$0x3FFB];
	_ =	sdelay $0x3  }
0x92: {  	_ =	strace s18  }
0x93: {  	s3 =	sld [smem:$0x3FFC];
	_ =	sdelay $0x3  }
0x94: {  	_ =	strace s3  }
0x95: {  	s3 =	sld [smem:$0x3FFD];
	_ =	sdelay $0x3  }
0x96: {  	_ =	strace s3  }
0x97: {  	_ =	strace $0x8FFFFFFF  }
0x98: {  	s19 =	sld [smem:$0x3FDB];
	_ =	sdelay $0x1  }
0x99: {  	s4 =	simm.s32 $_scs_section_size  }
0x9a: {  	s5 =	simm.s32 $_size__tile_overlayer_lowered;
	s6 =	simm.s32 $_tile_overlayer_lowered  }
0x9b: {  	s22 =	simm.s32 $0x1BFF;
	s21 =	sshll.u32 s6, $0x1;
	s3 =	sadd.s32 s4, s19  }
0x9c: {  	s7 =	simm.s32 $0x0;
	s20 =	sshll.u32 s5, $0x1;
	s5 =	sadd.s32 s21, s3  }
0x9d: {  	[timem:s7], [sflag:s22] =	dma.local [hbm:s5], s20  }
0x9e: {  	_ =	swait.ge [sflag:s22], s20  }
0x9f: {  	s4 =	ssub.s32 $0x0, s20;
	[sflag:s22] =	ssyncset.done $0x0  }
0xa0: {  	[sflag:s22] =	ssyncadd.s32 s4;
	_ =	sdelay $0x1  }
0xa1: {  	s23 =	simm.s32 $0x1B8B  }
0xa2: {  	_ =	swait.ge [sflag:s23], $0x1  }
0xa3: {  	[sflag:s23] =	ssyncset.done $0x0  }
0xa4: {  	s25 =	simm.s32 $0x1B8E;
	s24 =	sld [smem:$0x3FFE];
	[sflag:s23] =	ssyncadd.s32 $0xFFFFFFFF  }
0xa5: {  	s26 =	simm.s32 $execute0_lowered;
	[smem:$0x3FD2] =	sst s25  }
0xa6: {  	s5 =	sshll.u32 s26, $0x1;
	_ =	strace $0x80000046;
	[dreg:$0x1] =	wrdreg $0xFFFFFFFF  }
0xa7: {  	s28 =	simm.s32 $_size_execute0_lowered;
	s3 =	sadd.s32 s3, s5;
	[dreg:$0x0] =	wrdreg $0x0  }
0xa8: {  	s5 =	sshll.u32 s28, $0x1;
	[dreg:$0x2] =	wrdreg s3  }
0xa9: {  	[dreg:$0x3] =	wrdreg s5  }
0xaa: {  	[dreg:$0x4] =	wrdreg $0xC0  }
0xab: {  	_ =	task [dreg:s7], $0x5FFFF  }
0xac: {  	[dreg:$0x1] =	wrdreg $0xFFFFFFFF  }
0xad: {  	[dreg:$0x0] =	wrdreg $0x60  }
0xae: {  	[dreg:$0x2] =	wrdreg s2  }
0xaf: {  	[dreg:$0x3] =	wrdreg s24  }
0xb0: {  	[dreg:$0x4] =	wrdreg $0xA8000  }
0xb1: {  	[dreg:$0x5] =	wrdreg $0x9  }
0xb2: {  	_ =	task.clear_ibuf [dreg:s7], $0x6FFFF;
	_ =	strace $0x90000046  }
0xb3: {  	s29 =	simm.s32 $0x9;
	_ =	strace $0x80000048  }
0xb4: {  	_ =	swait.ge [sflag:s29], $0x1  }
0xb5: {  	[sflag:s29] =	ssyncadd.s32 $0xFFFFFFFF  }
0xb6: {  	_ =	strace $0x90000048  }
0xb7: {  	_ =	sfence  }
0xb8: {  	s30 =	sld [smem:$0x0];
	_ =	sdelay $0x2  }
0xb9: {  	s31 =	sshll.u32 s1, $0xD;
	s1 =	sshrl.u32 s1, $0x2  }
0xba: {  	s3 =	sand.u32 $0x4000, s31;
	s1 =	sadd.s32 s1, s30  }
0xbb: {  	s0 =	sor.u32 s3, s0;
	s1 =	sshll.u32 s1, $0x11  }
0xbc: {  	s0 =	sor.u32 s1, s0  }
0xbd: {  	s0 =	sadd.s32 $0x8F2B, s0  }
0xbe: {  	[sflag:s0] =	ssyncadd.remote.s32 $0x1  }
0xbf: {  	_ =	sfence.sel $0xFFFF  }
0xc0: {  	[dreg:$0x0] =	wrdreg $0xFFFFFFFF;
	(pc) =	sbr.abs _section_cstart, $3  }
0xc1: {  	[dreg:$0x1] =	wrdreg $0xFFFFFFFF  }
0xc2: {  	_ =	task.clear_ibuf [dreg:s7], $0x2FFFF;
	_ =	strace $0x9FFFFFFF  }
0xc3: {  	(tm) =	ssettm $0x7FFFFFFF  }
tec
execute0_lowered:
.L_overlay_start_1:
0x0: {  	(tag) =	ssettag $0x1  }
0x1: {  	s1 =	rddreg [dreg:$0x0]  }
0x2: {  	s6 =	rddreg [dreg:$0x1]  }
0x3: {  	s2 =	rddreg [dreg:$0x2]  }
0x4: {  	s4 =	srdreg.scid;
	s0 =	rddreg [dreg:$0x3]  }
0x5: {  	s3 =	simm.s32 $0x0;
	s12 =	simm.s32 $0x2800;
	s13 =	simm.s32 $0x100  }
0x6: {  	s14 =	simm.s32 $0x6800;
	s15 =	simm.s32 $0x1;
	s7 =	sand.u32 $0x1, s4  }
0x7: {  	s16 =	simm.s32 $0x80;
	s17 =	simm.s32 $0x2;
	s5 =	smul.u32 $0xA000, s7  }
0x8: {  	s18 =	simm.s32 $0x180;
	s4 =	stileid.u32;
	s8 =	smul.u32 $0x27800, s7  }
0x9: {  	s19 =	simm.s32 $0x3;
	[smem:$0x7FF] =	sst s3;
	s10 =	smul.u32 $0x4F000, s4  }
0xa: {  	s20 =	simm.s32 $0x4;
	_ =	strace $0x80000047;
	s11 =	smul.u32 $0x5000, s4  }
0xb: {  	s28 =	ssub.s32 $0x2, s7;
	s29 =	sshll.u32 s4, $0x6;
	s31 =	smul.u32 $0xA00, s4  }
0xc: {  	s24 =	smul.u32 $0x2780, s4;
	s7 =	sshrl.u32 s28, $0x1;
	s9 =	sadd.s32 s5, s6  }
0xd: {  	s5 =	sadd.s32 $0x18000, s6;
	s8 =	sadd.s32 s8, s6;
	s10 =	sshrl.u32 s10, $0x2  }
0xe: {  	s7 =	ssub.s32 s28, s7;
	s6 =	sor.u32 $0x1C05, s29;
	s30 =	sshrl.u32 s11, $0x3  }
0xf: {  	s11 =	simm.s32 $0x7D;
	s10 =	sadd.s32 s10, s2;
	s21 =	sadd.s32 $0x4000, s9  }
0x10: {  	s22 =	sadd.s32 $0x500, s30;
	s23 =	sadd.s32 $0x1A800, s8;
	s7 =	smax.u32 s7, $0x1  }
0x11: {  	s9 =	simm.s32 $0x5;
	s8 =	sshrl.u32 s10, $0x3;
	s10 =	sadd.s32 s31, s21  }
0x12: {  	s21 =	sadd.s32 s22, s21;
	s22 =	sadd.s32 s24, s23;
	s23 =	simm.s32 $0x0  }
.LBB2_1:
0x13: {  	[spmem:s8], [sflag:s6] =	dma.local [hbm:s5], $0x2780  }
0x14: {  	_ =	swait.ge [sflag:s9], $0x2780  }
0x15: {  	[sflag:s9] =	ssyncset.done $0x0  }
0x16: {  	[sflag:s9] =	ssyncadd.s32 $0xFFFFD880  }
0x17: {  	[tilespmem:s3], [sflag:$0x5] =	stream.linear.gather [hbm4b:s10+s3], $0x2800, $0x38;
	[tilespmem:$0x1E400] =	vst v63  }
0x18: {  	_ =	swait.ge [sflag:s9], $0x2800  }
0x19: {  	[sflag:s9] =	ssyncset.done $0x0  }
0x1a: {  	[sflag:s9] =	ssyncadd.s32 $0xFFFFD800  }
0x1b: {  	[bflag:$0x0] =	sbarrier.arrive $0xFFFF  }
0x1c: {  	[tilespmem:s12], [sflag:$0x1] =	stream.indirect.gather [hbm4b:s1+s11], $0x80, s3, s11, $0xb8;
	[tilespmem:$0x1E400] =	vst v63  }
0x1d: {  	_ = 	snop  }
0x1e: {  	[tilespmem:s14], [sflag:$0x2] =	stream.indirect.gather [hbm4b:s1+s11], $0x80, s13, s11, $0xb8;
	[tilespmem:$0x1E400] =	vst v63  }
0x1f: {  	_ =	swait.ge [sflag:s15], $0x3E80  }
0x20: {  	[sflag:s15] =	ssyncset.done $0x0  }
0x21: {  	[sflag:s15] =	ssyncadd.s32 $0xFFFFC180  }
0x22: {  	[spmem:s2] =	stream.indirect.scatter.add.f32 [tilespmem:s12], [sflag:$0x3], $0x80, s16, s11, $0xb8;
	[tilespmem:$0x1E400] =	vst v63  }
0x23: {  	_ =	swait.ge [sflag:s17], $0x3E80  }
0x24: {  	[sflag:s17] =	ssyncset.done $0x0  }
0x25: {  	[sflag:s17] =	ssyncadd.s32 $0xFFFFC180  }
0x26: {  	[spmem:s2] =	stream.indirect.scatter.add.f32 [tilespmem:s14], [sflag:$0x4], $0x80, s18, s11, $0xb8;
	[tilespmem:$0x1E400] =	vst v63  }
0x27: {  	_ =	swait.ge [sflag:s19], $0x3E80  }
0x28: {  	[sflag:s19] =	ssyncset.done $0x0  }
0x29: {  	[sflag:s19] =	ssyncadd.s32 $0xFFFFC180  }
0x2a: {  	_ =	swait.ge [sflag:s20], $0x3E80  }
0x2b: {  	[sflag:s20] =	ssyncset.done $0x0  }
0x2c: {  	s24 =	simm.s32 $0x200;
	[sflag:s20] =	ssyncadd.s32 $0xFFFFC180  }
0x2d: {  	[tilespmem:s12], [sflag:$0x1] =	stream.indirect.gather [hbm4b:s1+s11], $0x80, s24, s11, $0xb8;
	[tilespmem:$0x1E400] =	vst v63  }
0x2e: {  	s30 =	simm.s32 $0x300  }
0x2f: {  	[tilespmem:s14], [sflag:$0x2] =	stream.indirect.gather [hbm4b:s1+s11], $0x80, s30, s11, $0xb8;
	[tilespmem:$0x1E400] =	vst v63  }
0x30: {  	_ =	swait.ge [sflag:s15], $0x3E80  }
0x31: {  	[sflag:s15] =	ssyncset.done $0x0  }
0x32: {  	s31 =	simm.s32 $0x280;
	[sflag:s15] =	ssyncadd.s32 $0xFFFFC180  }
0x33: {  	[spmem:s2] =	stream.indirect.scatter.add.f32 [tilespmem:s12], [sflag:$0x3], $0x80, s31, s11, $0xb8;
	[tilespmem:$0x1E400] =	vst v63  }
0x34: {  	_ =	swait.ge [sflag:s17], $0x3E80  }
0x35: {  	[sflag:s17] =	ssyncset.done $0x0  }
0x36: {  	s25 =	simm.s32 $0x380;
	s24 =	simm.s32 $0xFFFF7000;
	[sflag:s17] =	ssyncadd.s32 $0xFFFFC180  }
.LBB2_2:
0x37: {  	[spmem:s2] =	stream.indirect.scatter.add.f32 [tilespmem:s14], [sflag:$0x4], $0x80, s25, s11, $0xb8;
	[tilespmem:$0x1E400] =	vst v63  }
0x38: {  	s25 =	smov.u32 s24  }
0x39: {  	p0 =	sne.s32 s24, $0xFFFFF800;
	s24 =	sadd.s32 $0x800, s24;
	_ =	swait.ge [sflag:s19], $0x3E80  }
0x3a: {  	[sflag:s19] =	ssyncset.done $0x0  }
0x3b: {  	[sflag:s19] =	ssyncadd.s32 $0xFFFFC180  }
0x3c: {  	_ =	swait.ge [sflag:s20], $0x3E80  }
0x3d: {  	s25 =	sshra.s32 s25, $0x2;
	[sflag:s20] =	ssyncset.done $0x0  }
0x3e: {  	s26 =	sadd.s32 $0x2800, s25;
	[sflag:s20] =	ssyncadd.s32 $0xFFFFC180  }
0x3f: {  	[tilespmem:s12], [sflag:$0x1] =	stream.indirect.gather [hbm4b:s1+s11], $0x80, s26, s11, $0xb8;
	[tilespmem:$0x1E400] =	vst v63  }
0x40: {  	s26 =	sadd.s32 $0x2900, s25  }
0x41: {  	[tilespmem:s14], [sflag:$0x2] =	stream.indirect.gather [hbm4b:s1+s11], $0x80, s26, s11, $0xb8;
	[tilespmem:$0x1E400] =	vst v63  }
0x42: {  	_ =	swait.ge [sflag:s15], $0x3E80  }
0x43: {  	[sflag:s15] =	ssyncset.done $0x0  }
.Ltmp0:
0x44: {  	s26 =	sadd.s32 $0x2880, s25;
	[sflag:s15] =	ssyncadd.s32 $0xFFFFC180;
	(pc) =	sbr.rel @p0 .LBB2_2-.Ltmp0, $4  }
0x45: {  	[spmem:s2] =	stream.indirect.scatter.add.f32 [tilespmem:s12], [sflag:$0x3], $0x80, s26, s11, $0xb8;
	[tilespmem:$0x1E400] =	vst v63  }
0x46: {  	_ =	swait.ge [sflag:s17], $0x3E80  }
0x47: {  	[sflag:s17] =	ssyncset.done $0x0  }
0x48: {  	s25 =	sadd.s32 $0x2980, s25;
	[sflag:s17] =	ssyncadd.s32 $0xFFFFC180  }
0x49: {  	[spmem:s2] =	stream.indirect.scatter.add.f32 [tilespmem:s14], [sflag:$0x4], $0x80, s25, s11, $0xb8;
	[tilespmem:$0x1E400] =	vst v63  }
0x4a: {  	_ =	swait.ge [sflag:s19], $0x3E80  }
0x4b: {  	[sflag:s19] =	ssyncset.done $0x0  }
0x4c: {  	[sflag:s19] =	ssyncadd.s32 $0xFFFFC180  }
0x4d: {  	_ =	swait.ge [sflag:s20], $0x3E80  }
0x4e: {  	[sflag:s20] =	ssyncset.done $0x0  }
0x4f: {  	[sflag:s20] =	ssyncadd.s32 $0xFFFFC180  }
0x50: {  	[tilespmem:s3], [sflag:$0x5] =	stream.linear.gather [hbm4b:s21+s3], $0x2800, $0x38;
	[tilespmem:$0x1E400] =	vst v63  }
0x51: {  	_ =	swait.ge [sflag:s9], $0x2800  }
0x52: {  	[sflag:s9] =	ssyncset.done $0x0  }
0x53: {  	[sflag:s9] =	ssyncadd.s32 $0xFFFFD800  }
0x54: {  	[tilespmem:s12], [sflag:$0x1] =	stream.indirect.gather [hbm4b:s1+s11], $0x80, s3, s11, $0xb8;
	[tilespmem:$0x1E400] =	vst v63  }
0x55: {  	_ = 	snop  }
0x56: {  	[tilespmem:s14], [sflag:$0x2] =	stream.indirect.gather [hbm4b:s1+s11], $0x80, s13, s11, $0xb8;
	[tilespmem:$0x1E400] =	vst v63  }
0x57: {  	_ =	swait.ge [sflag:s15], $0x3E80  }
0x58: {  	[sflag:s15] =	ssyncset.done $0x0  }
0x59: {  	[sflag:s15] =	ssyncadd.s32 $0xFFFFC180  }
0x5a: {  	[spmem:s2] =	stream.indirect.scatter.add.f32 [tilespmem:s12], [sflag:$0x3], $0x80, s16, s11, $0xb8;
	[tilespmem:$0x1E400] =	vst v63  }
0x5b: {  	_ =	swait.ge [sflag:s17], $0x3E80  }
0x5c: {  	[sflag:s17] =	ssyncset.done $0x0  }
0x5d: {  	[sflag:s17] =	ssyncadd.s32 $0xFFFFC180  }
0x5e: {  	[spmem:s2] =	stream.indirect.scatter.add.f32 [tilespmem:s14], [sflag:$0x4], $0x80, s18, s11, $0xb8;
	[tilespmem:$0x1E400] =	vst v63  }
0x5f: {  	_ =	swait.ge [sflag:s19], $0x3E80  }
0x60: {  	[sflag:s19] =	ssyncset.done $0x0  }
0x61: {  	[sflag:s19] =	ssyncadd.s32 $0xFFFFC180  }
0x62: {  	_ =	swait.ge [sflag:s20], $0x3E80  }
0x63: {  	[sflag:s20] =	ssyncset.done $0x0  }
0x64: {  	s24 =	simm.s32 $0x200;
	[sflag:s20] =	ssyncadd.s32 $0xFFFFC180  }
0x65: {  	[tilespmem:s12], [sflag:$0x1] =	stream.indirect.gather [hbm4b:s1+s11], $0x80, s24, s11, $0xb8;
	[tilespmem:$0x1E400] =	vst v63  }
0x66: {  	s30 =	simm.s32 $0x300  }
0x67: {  	[tilespmem:s14], [sflag:$0x2] =	stream.indirect.gather [hbm4b:s1+s11], $0x80, s30, s11, $0xb8;
	[tilespmem:$0x1E400] =	vst v63  }
0x68: {  	_ =	swait.ge [sflag:s15], $0x3E80  }
0x69: {  	[sflag:s15] =	ssyncset.done $0x0  }
0x6a: {  	s31 =	simm.s32 $0x280;
	[sflag:s15] =	ssyncadd.s32 $0xFFFFC180  }
0x6b: {  	[spmem:s2] =	stream.indirect.scatter.add.f32 [tilespmem:s12], [sflag:$0x3], $0x80, s31, s11, $0xb8;
	[tilespmem:$0x1E400] =	vst v63  }
0x6c: {  	_ =	swait.ge [sflag:s17], $0x3E80  }
0x6d: {  	[sflag:s17] =	ssyncset.done $0x0  }
0x6e: {  	s25 =	simm.s32 $0x380;
	s24 =	simm.s32 $0xFFFF7000;
	[sflag:s17] =	ssyncadd.s32 $0xFFFFC180  }
.LBB2_4:
0x6f: {  	[spmem:s2] =	stream.indirect.scatter.add.f32 [tilespmem:s14], [sflag:$0x4], $0x80, s25, s11, $0xb8;
	[tilespmem:$0x1E400] =	vst v63  }
0x70: {  	s25 =	smov.u32 s24  }
0x71: {  	p0 =	sne.s32 s24, $0xFFFFF800;
	s24 =	sadd.s32 $0x800, s24;
	_ =	swait.ge [sflag:s19], $0x3E80  }
0x72: {  	[sflag:s19] =	ssyncset.done $0x0  }
0x73: {  	[sflag:s19] =	ssyncadd.s32 $0xFFFFC180  }
0x74: {  	_ =	swait.ge [sflag:s20], $0x3E80  }
0x75: {  	s25 =	sshra.s32 s25, $0x2;
	[sflag:s20] =	ssyncset.done $0x0  }
0x76: {  	s26 =	sadd.s32 $0x2800, s25;
	[sflag:s20] =	ssyncadd.s32 $0xFFFFC180  }
0x77: {  	[tilespmem:s12], [sflag:$0x1] =	stream.indirect.gather [hbm4b:s1+s11], $0x80, s26, s11, $0xb8;
	[tilespmem:$0x1E400] =	vst v63  }
0x78: {  	s26 =	sadd.s32 $0x2900, s25  }
0x79: {  	[tilespmem:s14], [sflag:$0x2] =	stream.indirect.gather [hbm4b:s1+s11], $0x80, s26, s11, $0xb8;
	[tilespmem:$0x1E400] =	vst v63  }
0x7a: {  	_ =	swait.ge [sflag:s15], $0x3E80  }
0x7b: {  	[sflag:s15] =	ssyncset.done $0x0  }
.Ltmp1:
0x7c: {  	s26 =	sadd.s32 $0x2880, s25;
	[sflag:s15] =	ssyncadd.s32 $0xFFFFC180;
	(pc) =	sbr.rel @p0 .LBB2_4-.Ltmp1, $4  }
0x7d: {  	[spmem:s2] =	stream.indirect.scatter.add.f32 [tilespmem:s12], [sflag:$0x3], $0x80, s26, s11, $0xb8;
	[tilespmem:$0x1E400] =	vst v63  }
0x7e: {  	_ =	swait.ge [sflag:s17], $0x3E80  }
0x7f: {  	[sflag:s17] =	ssyncset.done $0x0  }
0x80: {  	s25 =	sadd.s32 $0x2980, s25;
	[sflag:s17] =	ssyncadd.s32 $0xFFFFC180  }
0x81: {  	[spmem:s2] =	stream.indirect.scatter.add.f32 [tilespmem:s14], [sflag:$0x4], $0x80, s25, s11, $0xb8;
	[tilespmem:$0x1E400] =	vst v63  }
0x82: {  	_ =	swait.ge [sflag:s19], $0x3E80  }
0x83: {  	[sflag:s19] =	ssyncset.done $0x0  }
0x84: {  	[sflag:s19] =	ssyncadd.s32 $0xFFFFC180  }
0x85: {  	_ =	swait.ge [sflag:s20], $0x3E80  }
0x86: {  	s23 =	sadd.s32 $0x1, s23;
	[sflag:s20] =	ssyncset.done $0x0  }
0x87: {  	p0 =	sne.s32 s23, s7;
	[sflag:s20] =	ssyncadd.s32 $0xFFFFC180  }
.Ltmp2:
0x88: {  	[bflag:$0x0] =	sbarrier.arrive $0xFFFF;
	(pc) =	sbr.rel @p0 .LBB2_1-.Ltmp2, $4  }
0x89: {  	[hbm:s22], [sflag:s6] =	dma.local [spmem:s8], $0x2780  }
0x8a: {  	_ =	swait.ge [sflag:s9], $0x2780  }
0x8b: {  	[sflag:s9] =	ssyncset.done $0x0  }
0x8c: {  	[sflag:s9] =	ssyncadd.s32 $0xFFFFD880  }
0x8d: {  	_ =	sfence.sel $0x180000  }
0x8e: {  	[bflag:$0x0] =	sbarrier.arrive $0xFFFF  }
0x8f: {  	p0 =	sne.s32 s4, $0x0;
	_ =	strace $0x90000047  }
0x90: {  	s0 =	sadd.s32 @!p0 $0x100000, s0;
	[bflag:$0x2] =	sbarrier.arrive $0xFFFF  }
0x91: {  	[sflag:s0] =	ssyncadd.tile.s32 @!p0 $0x1;
	_ =	shalt  }
.Lfunc_end2:
_tile_overlayer_lowered:
.L_overlay_start_2:
0x92: {  	(tag) =	ssettag $0x2  }
0x93: {  	s0 =	rddreg [dreg:$0x0];
	s2 =	stileid.u32  }
0x94: {  	s1 =	rddreg [dreg:$0x1];
	p0 =	sne.s32 s2, $0x0  }
0x95: {  	s3 =	rddreg [dreg:$0x2];
	[bflag:$0x3] =	sbarrier.arrive $0xFFFF;
	s2 =	simm.s32 @!p0 $0x1C05  }
0x96: {  	[timem:s3], [sflag:s2] =	dma.local @!p0 [hbm:s0], s1  }
0x97: {  	s0 =	simm.s32 @!p0 $0x5  }
0x98: {  	_ =	swait.ge @!p0 [sflag:s0], s1  }
0x99: {  	s1 =	ssub.s32 @!p0 $0x0, s1;
	[sflag:s0] =	ssyncset.done @!p0 $0x0  }
0x9a: {  	[sflag:s0] =	ssyncadd.s32 @!p0 s1  }
0x9b: {  	[bflag:$0x3] =	sbarrier.arrive $0xFFFF  }
0x9c: {  	_ =	shalt  }

</sc_bundles>
